<compile_context>
chip_gen: v7x
topology: tpu7x:2x2x1
jax: 0.10.2.dev20260603
libtpu: 0.0.44.dev20260713+nightly
codegen_flags: <defaults>
</compile_context>

<pallas_src>
import functools

import jax
import jax.numpy as jnp
from jax import lax
from jax.experimental import pallas as pl
from jax.experimental.pallas import tpu as pltpu
from jax.experimental.pallas import tpu_sc as plsc

L_ORDER = 10
R_ORDER = 2
NC, NS = 2, 16
LANES = 16


def _dfsmn_body(v_hbm, l_hbm, r_hbm, out_hbm, buf, lbuf, rbuf):
    BH, T, _, DH = v_hbm.shape
    G = DH // LANES
    wid = lax.axis_index("s") * NC + lax.axis_index("c")
    bh = wid // 2
    dh = wid % 2

    pltpu.sync_copy(v_hbm.at[bh, :, dh], buf.at[pl.ds(0, T)])
    pltpu.sync_copy(l_hbm.at[:, dh], lbuf)
    pltpu.sync_copy(r_hbm.at[:, dh], rbuf)

    zero = jnp.zeros((LANES,), jnp.float32)
    for g in range(G):
        gs = pl.ds(g * LANES, LANES)
        buf[T, gs] = zero
        buf[T + 1, gs] = zero

    for g in range(G):
        gs = pl.ds(g * LANES, LANES)
        c0 = lbuf[0, gs] + 1.0
        l1, l2, l3, l4, l5, l6, l7, l8, l9 = (
            lbuf[k, gs] for k in range(1, L_ORDER))
        r1 = rbuf[0, gs]
        r2 = rbuf[1, gs]

        def step(t, carry, gs=gs, c0=c0, l1=l1, l2=l2, l3=l3, l4=l4, l5=l5,
                 l6=l6, l7=l7, l8=l8, l9=l9, r1=r1, r2=r2):
            d1, d2, d3, d4, d5, d6, d7, d8, d9, e1, e2 = carry
            w = buf[t + 2, gs]
            y = (e1 + r2 * w) + d1
            buf[t, gs] = y
            return (d2 + l1 * y, d3 + l2 * y, d4 + l3 * y, d5 + l4 * y,
                    d6 + l5 * y, d7 + l6 * y, d8 + l7 * y, d9 + l8 * y,
                    l9 * y, e2 + r1 * w, c0 * w)

        v0 = buf[0, gs]
        v1 = buf[1, gs]
        init = (zero,) * 9 + (c0 * v0 + r1 * v1, c0 * v1)
        lax.fori_loop(0, T, step, init, unroll=4)

    pltpu.sync_copy(buf.at[pl.ds(0, T)], out_hbm.at[bh, :, dh])


@functools.partial(jax.jit, static_argnames=())
def kernel(v, l_filter, r_filter):
    B, H, T, D = v.shape
    DH = D // 2
    v2 = v.reshape(B * H, T, 2, DH)
    l2 = l_filter.reshape(L_ORDER, 2, DH)
    r2 = r_filter.reshape(R_ORDER, 2, DH)
    run = pl.kernel(
        _dfsmn_body,
        out_type=jax.ShapeDtypeStruct((B * H, T, 2, DH), jnp.float32),
        mesh=plsc.VectorSubcoreMesh(
            core_axis_name="c", subcore_axis_name="s",
            num_cores=NC, num_subcores=NS),
        scratch_types=[
            pltpu.VMEM((T + 2, DH), jnp.float32),
            pltpu.VMEM((L_ORDER, DH), jnp.float32),
            pltpu.VMEM((R_ORDER, DH), jnp.float32),
        ],
    )
    out = run(v2, l2, r2)
    return out.reshape(B, H, T, D)

# --- scband reference (transcript-rebuilt; emitter-appended) ---
"""Pipeline reference for scband-dfsmn-21586505629747 (READ-ONLY COPY).

The authoritative reference and input builder live on the scoring server;
editing this copy changes nothing except your own understanding.
"""

import jax, jax.numpy as jnp
import numpy as np

L_ORDER = 10
R_ORDER = 2
L_STRIDE = 1
R_STRIDE = 1
D_V = 256
B, H, T = 8, 2, 512


def setup_inputs(seed: int = 0) -> dict:
    key = jax.random.key(seed)
    k1, k2, k3 = jax.random.split(key, 3)
    v = jax.random.normal(k1, (B, H, T, D_V), dtype=jnp.float32)
    # learned parameters sized per init_kwargs (torch: nn.Parameter(torch.randn(...)))
    l_filter = jax.random.normal(k2, (L_ORDER, D_V), dtype=jnp.float32)
    r_filter = jax.random.normal(k3, (R_ORDER, D_V), dtype=jnp.float32)
    return {"v": v, "l_filter": l_filter, "r_filter": r_filter}


def _dfsmn(v, l_filter, r_filter):
    # Faithful translation of the sequential in-place frame loop.
    # torch breaks out of the order loop when shift_index goes out of range;
    # since indices are monotone in `order`, a mask over fixed-size gathers is equivalent.
    Bv, Hv, Tv, Dv = v.shape
    l_orders = jnp.arange(L_ORDER)
    r_orders = jnp.arange(1, R_ORDER + 1)

    def step(p, frame):
        # left (causal, includes frame itself at order=0, reads already-updated past frames)
        li = frame - l_orders * L_STRIDE
        lmask = (li >= 0).astype(p.dtype)
        lg = p[:, :, jnp.clip(li, 0, Tv - 1), :]  # [B,H,L_ORDER,D]
        ladd = jnp.sum(l_filter[None, None] * lg * lmask[None, None, :, None], axis=2)
        p = p.at[:, :, frame, :].add(ladd)
        # right (anticausal, reads not-yet-updated future frames, after left update)
        ri = frame + r_orders * R_STRIDE
        rmask = (ri < Tv).astype(p.dtype)
        rg = p[:, :, jnp.clip(ri, 0, Tv - 1), :]  # [B,H,R_ORDER,D]
        radd = jnp.sum(r_filter[None, None] * rg * rmask[None, None, :, None], axis=2)
        p = p.at[:, :, frame, :].add(radd)
        return p, None

    p, _ = jax.lax.scan(step, v, jnp.arange(Tv))
    return p


def reference(v, l_filter, r_filter):
    return _dfsmn(v, l_filter, r_filter)

if __name__ == "__main__":
    import jax
    _d = setup_inputs()
    print(jax.jit(kernel)(*tuple(_d.values())))

</pallas_src>

<mosaic_0001>
#map = affine_map<(d0, d1) -> (0, 0, 0, 0)>
#map1 = affine_map<(d0, d1) -> (0, 0, 0)>
module attributes {stable_mosaic.version = 14 : i64} {
  func.func @_dfsmn_body(%arg0: i32, %arg1: i32, %arg2: memref<16x512x2x128xf32, #tpu.memory_space<hbm>>, %arg3: memref<10x2x128xf32, #tpu.memory_space<hbm>>, %arg4: memref<2x2x128xf32, #tpu.memory_space<hbm>>, %arg5: memref<16x512x2x128xf32, #tpu.memory_space<hbm>>, %arg6: memref<514x128xf32, #tpu.memory_space<vmem>>, %arg7: memref<10x128xf32, #tpu.memory_space<vmem>>, %arg8: memref<2x128xf32, #tpu.memory_space<vmem>>) attributes {dimension_semantics = [#tpu.dimension_semantics<core_parallel>, #tpu.dimension_semantics<subcore_parallel>], iteration_bounds = array<i64: 2, 16>, scalar_prefetch = 0 : i64, scratch_operands = 3 : i64, tpu.core_type = #tpu.core_type<sc_vector_subcore>, window_params = [{transform_indices = #map}, {transform_indices = #map1}, {transform_indices = #map1}, {transform_indices = #map}]} {
    %mul3A = arith.constant 2 : i32
    %mul3A_0 = arith.muli %arg1, %mul3A : i32
    %add3A = arith.addi %mul3A_0, %arg0 : i32
    %jit3A = arith.constant 2 : i32
    %div3A = arith.divsi %add3A, %jit3A : i32
    %sign3A = arith.constant 0 : i32
    %sign3A_1 = arith.cmpi sgt, %add3A, %sign3A : i32
    %sign3A_2 = arith.extui %sign3A_1 : i1 to i32
    %sign3A_3 = arith.constant 0 : i32
    %sign3A_4 = arith.cmpi slt, %add3A, %sign3A_3 : i32
    %sign3A_5 = arith.extui %sign3A_4 : i1 to i32
    %sign3A_6 = arith.subi %sign3A_2, %sign3A_5 : i32
    %sign3A_7 = arith.constant 0 : i32
    %sign3A_8 = arith.cmpi sgt, %jit3A, %sign3A_7 : i32
    %sign3A_9 = arith.extui %sign3A_8 : i1 to i32
    %sign3A_10 = arith.constant 0 : i32
    %sign3A_11 = arith.cmpi slt, %jit3A, %sign3A_10 : i32
    %sign3A_12 = arith.extui %sign3A_11 : i1 to i32
    %sign3A_13 = arith.subi %sign3A_9, %sign3A_12 : i32
    %ne3A = arith.cmpi ne, %sign3A_6, %sign3A_13 : i32
    %rem3A = arith.remsi %add3A, %jit3A : i32
    %ne3A_14 = arith.constant 0 : i32
    %ne3A_15 = arith.cmpi ne, %rem3A, %ne3A_14 : i32
    %and3A = arith.andi %ne3A, %ne3A_15 : i1
    %sub3A = arith.constant 1 : i32
    %sub3A_16 = arith.subi %div3A, %sub3A : i32
    %select_n3A = arith.select %and3A, %sub3A_16, %div3A : i32
    %jit3A_17 = arith.constant 2 : i32
    %eq3A = arith.constant 0 : i32
    %eq3A_18 = arith.cmpi eq, %jit3A_17, %eq3A : i32
    %jit3A_19 = arith.constant 1 : i32
    %select_n3A_20 = arith.select %eq3A_18, %jit3A_19, %jit3A_17 : i32
    %rem3A_21 = arith.remsi %add3A, %select_n3A_20 : i32
    %ne3A_22 = arith.constant 0 : i32
    %ne3A_23 = arith.cmpi ne, %rem3A_21, %ne3A_22 : i32
    %lt3A = arith.constant 0 : i32
    %lt3A_24 = arith.cmpi slt, %rem3A_21, %lt3A : i32
    %lt3A_25 = arith.constant 0 : i32
    %lt3A_26 = arith.cmpi slt, %select_n3A_20, %lt3A_25 : i32
    %ne3A_27 = arith.xori %lt3A_24, %lt3A_26 : i1
    %and3A_28 = arith.andi %ne3A_27, %ne3A_23 : i1
    %add3A_29 = arith.addi %rem3A_21, %select_n3A_20 : i32
    %select_n3A_30 = arith.select %and3A_28, %add3A_29, %rem3A_21 : i32
    "tpu.region"() ({
      %run_scoped3A = tpu.sem_alloc : memref<!tpu.dma_semaphore, #tpu.memory_space<semaphore_mem>>
      %dma_start3A = arith.constant 0 : i32
      %dma_start3A_789 = arith.constant 0 : i32
      %dma_start3A_790 = tpu.memref_slice %arg6[%dma_start3A, %dma_start3A_789] : memref<514x128xf32, #tpu.memory_space<vmem>> -> memref<512x128xf32, #tpu.memory_space<vmem>>
      %dma_start3A_791 = arith.constant 0 : i32
      %dma_start3A_792 = arith.constant 0 : i32
      %dma_start3A_793 = tpu.memref_slice %arg2[%select_n3A, %dma_start3A_791, %select_n3A_30, %dma_start3A_792] : memref<16x512x2x128xf32, #tpu.memory_space<hbm>> -> memref<1x512x1x128xf32, #tpu.memory_space<hbm>>
      %dma_start3A_794 = tpu.memref_squeeze %dma_start3A_793 : memref<1x512x1x128xf32, #tpu.memory_space<hbm>> -> memref<512x128xf32, #tpu.memory_space<hbm>>
      %dma_start3A_795 = arith.constant 0 : i32
      %dma_start3A_796 = arith.constant 0 : i32
      %dma_start3A_797 = tpu.memref_slice %arg6[%dma_start3A_795, %dma_start3A_796] : memref<514x128xf32, #tpu.memory_space<vmem>> -> memref<512x128xf32, #tpu.memory_space<vmem>>
      %dma_start3A_798 = arith.constant 0 : i32
      %dma_start3A_799 = arith.constant 0 : i32
      %dma_start3A_800 = tpu.memref_slice %arg2[%select_n3A, %dma_start3A_798, %select_n3A_30, %dma_start3A_799] : memref<16x512x2x128xf32, #tpu.memory_space<hbm>> -> memref<1x512x1x128xf32, #tpu.memory_space<hbm>>
      %dma_start3A_801 = tpu.memref_squeeze %dma_start3A_800 : memref<1x512x1x128xf32, #tpu.memory_space<hbm>> -> memref<512x128xf32, #tpu.memory_space<hbm>>
      tpu.enqueue_dma source(%dma_start3A_801 : memref<512x128xf32, #tpu.memory_space<hbm>>) target(%dma_start3A_797 : memref<512x128xf32, #tpu.memory_space<vmem>>) target_semaphore(%run_scoped3A : memref<!tpu.dma_semaphore, #tpu.memory_space<semaphore_mem>>)
      %dma_wait3A = arith.constant 0 : i32
      %dma_wait3A_802 = arith.constant 0 : i32
      %dma_wait3A_803 = tpu.memref_slice %arg6[%dma_wait3A, %dma_wait3A_802] : memref<514x128xf32, #tpu.memory_space<vmem>> -> memref<512x128xf32, #tpu.memory_space<vmem>>
      %dma_wait3A_804 = arith.constant 0 : i32
      %dma_wait3A_805 = arith.constant 0 : i32
      %dma_wait3A_806 = tpu.memref_slice %arg2[%select_n3A, %dma_wait3A_804, %select_n3A_30, %dma_wait3A_805] : memref<16x512x2x128xf32, #tpu.memory_space<hbm>> -> memref<1x512x1x128xf32, #tpu.memory_space<hbm>>
      %dma_wait3A_807 = tpu.memref_squeeze %dma_wait3A_806 : memref<1x512x1x128xf32, #tpu.memory_space<hbm>> -> memref<512x128xf32, #tpu.memory_space<hbm>>
      %dma_wait3A_808 = arith.constant 0 : i32
      %dma_wait3A_809 = arith.constant 0 : i32
      %dma_wait3A_810 = tpu.memref_slice %arg6[%dma_wait3A_808, %dma_wait3A_809] : memref<514x128xf32, #tpu.memory_space<vmem>> -> memref<512x128xf32, #tpu.memory_space<vmem>>
      %dma_wait3A_811 = arith.constant 0 : i32
      %dma_wait3A_812 = arith.constant 0 : i32
      %dma_wait3A_813 = tpu.memref_slice %arg2[%select_n3A, %dma_wait3A_811, %select_n3A_30, %dma_wait3A_812] : memref<16x512x2x128xf32, #tpu.memory_space<hbm>> -> memref<1x512x1x128xf32, #tpu.memory_space<hbm>>
      %dma_wait3A_814 = tpu.memref_squeeze %dma_wait3A_813 : memref<1x512x1x128xf32, #tpu.memory_space<hbm>> -> memref<512x128xf32, #tpu.memory_space<hbm>>
      tpu.wait_dma2 semaphore(%run_scoped3A : memref<!tpu.dma_semaphore, #tpu.memory_space<semaphore_mem>>) src(%dma_wait3A_814 : memref<512x128xf32, #tpu.memory_space<hbm>>) dst(%dma_wait3A_810 : memref<512x128xf32, #tpu.memory_space<vmem>>)
      tpu.yield
    }) : () -> ()
    "tpu.region"() ({
      %run_scoped3A = tpu.sem_alloc : memref<!tpu.dma_semaphore, #tpu.memory_space<semaphore_mem>>
      %dma_start3A = arith.constant 0 : i32
      %dma_start3A_789 = arith.constant 0 : i32
      %dma_start3A_790 = tpu.memref_slice %arg3[%dma_start3A, %select_n3A_30, %dma_start3A_789] : memref<10x2x128xf32, #tpu.memory_space<hbm>> -> memref<10x1x128xf32, #tpu.memory_space<hbm>>
      %dma_start3A_791 = tpu.memref_squeeze %dma_start3A_790 : memref<10x1x128xf32, #tpu.memory_space<hbm>> -> memref<10x128xf32, #tpu.memory_space<hbm>>
      %dma_start3A_792 = arith.constant 0 : i32
      %dma_start3A_793 = arith.constant 0 : i32
      %dma_start3A_794 = tpu.memref_slice %arg3[%dma_start3A_792, %select_n3A_30, %dma_start3A_793] : memref<10x2x128xf32, #tpu.memory_space<hbm>> -> memref<10x1x128xf32, #tpu.memory_space<hbm>>
      %dma_start3A_795 = tpu.memref_squeeze %dma_start3A_794 : memref<10x1x128xf32, #tpu.memory_space<hbm>> -> memref<10x128xf32, #tpu.memory_space<hbm>>
      tpu.enqueue_dma source(%dma_start3A_795 : memref<10x128xf32, #tpu.memory_space<hbm>>) target(%arg7 : memref<10x128xf32, #tpu.memory_space<vmem>>) target_semaphore(%run_scoped3A : memref<!tpu.dma_semaphore, #tpu.memory_space<semaphore_mem>>)
      %dma_wait3A = arith.constant 0 : i32
      %dma_wait3A_796 = arith.constant 0 : i32
      %dma_wait3A_797 = tpu.memref_slice %arg3[%dma_wait3A, %select_n3A_30, %dma_wait3A_796] : memref<10x2x128xf32, #tpu.memory_space<hbm>> -> memref<10x1x128xf32, #tpu.memory_space<hbm>>
      %dma_wait3A_798 = tpu.memref_squeeze %dma_wait3A_797 : memref<10x1x128xf32, #tpu.memory_space<hbm>> -> memref<10x128xf32, #tpu.memory_space<hbm>>
      %dma_wait3A_799 = arith.constant 0 : i32
      %dma_wait3A_800 = arith.constant 0 : i32
      %dma_wait3A_801 = tpu.memref_slice %arg3[%dma_wait3A_799, %select_n3A_30, %dma_wait3A_800] : memref<10x2x128xf32, #tpu.memory_space<hbm>> -> memref<10x1x128xf32, #tpu.memory_space<hbm>>
      %dma_wait3A_802 = tpu.memref_squeeze %dma_wait3A_801 : memref<10x1x128xf32, #tpu.memory_space<hbm>> -> memref<10x128xf32, #tpu.memory_space<hbm>>
      tpu.wait_dma2 semaphore(%run_scoped3A : memref<!tpu.dma_semaphore, #tpu.memory_space<semaphore_mem>>) src(%dma_wait3A_802 : memref<10x128xf32, #tpu.memory_space<hbm>>) dst(%arg7 : memref<10x128xf32, #tpu.memory_space<vmem>>)
      tpu.yield
    }) : () -> ()
    "tpu.region"() ({
      %run_scoped3A = tpu.sem_alloc : memref<!tpu.dma_semaphore, #tpu.memory_space<semaphore_mem>>
      %dma_start3A = arith.constant 0 : i32
      %dma_start3A_789 = arith.constant 0 : i32
      %dma_start3A_790 = tpu.memref_slice %arg4[%dma_start3A, %select_n3A_30, %dma_start3A_789] : memref<2x2x128xf32, #tpu.memory_space<hbm>> -> memref<2x1x128xf32, #tpu.memory_space<hbm>>
      %dma_start3A_791 = tpu.memref_squeeze %dma_start3A_790 : memref<2x1x128xf32, #tpu.memory_space<hbm>> -> memref<2x128xf32, #tpu.memory_space<hbm>>
      %dma_start3A_792 = arith.constant 0 : i32
      %dma_start3A_793 = arith.constant 0 : i32
      %dma_start3A_794 = tpu.memref_slice %arg4[%dma_start3A_792, %select_n3A_30, %dma_start3A_793] : memref<2x2x128xf32, #tpu.memory_space<hbm>> -> memref<2x1x128xf32, #tpu.memory_space<hbm>>
      %dma_start3A_795 = tpu.memref_squeeze %dma_start3A_794 : memref<2x1x128xf32, #tpu.memory_space<hbm>> -> memref<2x128xf32, #tpu.memory_space<hbm>>
      tpu.enqueue_dma source(%dma_start3A_795 : memref<2x128xf32, #tpu.memory_space<hbm>>) target(%arg8 : memref<2x128xf32, #tpu.memory_space<vmem>>) target_semaphore(%run_scoped3A : memref<!tpu.dma_semaphore, #tpu.memory_space<semaphore_mem>>)
      %dma_wait3A = arith.constant 0 : i32
      %dma_wait3A_796 = arith.constant 0 : i32
      %dma_wait3A_797 = tpu.memref_slice %arg4[%dma_wait3A, %select_n3A_30, %dma_wait3A_796] : memref<2x2x128xf32, #tpu.memory_space<hbm>> -> memref<2x1x128xf32, #tpu.memory_space<hbm>>
      %dma_wait3A_798 = tpu.memref_squeeze %dma_wait3A_797 : memref<2x1x128xf32, #tpu.memory_space<hbm>> -> memref<2x128xf32, #tpu.memory_space<hbm>>
      %dma_wait3A_799 = arith.constant 0 : i32
      %dma_wait3A_800 = arith.constant 0 : i32
      %dma_wait3A_801 = tpu.memref_slice %arg4[%dma_wait3A_799, %select_n3A_30, %dma_wait3A_800] : memref<2x2x128xf32, #tpu.memory_space<hbm>> -> memref<2x1x128xf32, #tpu.memory_space<hbm>>
      %dma_wait3A_802 = tpu.memref_squeeze %dma_wait3A_801 : memref<2x1x128xf32, #tpu.memory_space<hbm>> -> memref<2x128xf32, #tpu.memory_space<hbm>>
      tpu.wait_dma2 semaphore(%run_scoped3A : memref<!tpu.dma_semaphore, #tpu.memory_space<semaphore_mem>>) src(%dma_wait3A_802 : memref<2x128xf32, #tpu.memory_space<hbm>>) dst(%arg8 : memref<2x128xf32, #tpu.memory_space<vmem>>)
      tpu.yield
    }) : () -> ()
    %broadcast_in_dim3A = arith.constant 0.000000e+00 : f32
    %broadcast_in_dim3A_31 = vector.broadcast %broadcast_in_dim3A : f32 to vector<16xf32>
    %swap3A = arith.constant 512 : i32
    %swap3A_32 = arith.index_cast %swap3A : i32 to index
    %swap3A_33 = arith.constant 0 : index
    %swap3A_34 = tpu.vector_load %arg6[%swap3A_32, %swap3A_33] {strides = array<i32>} : memref<514x128xf32, #tpu.memory_space<vmem>>, vector<1x16xf32>,
    %swap3A_35 = vector.shape_cast %swap3A_34 : vector<1x16xf32> to vector<16xf32>
    %swap3A_36 = vector.shape_cast %broadcast_in_dim3A_31 : vector<16xf32> to vector<1x16xf32>
    tpu.vector_store %arg6[%swap3A_32, %swap3A_33], %swap3A_36 {strides = array<i32>} : memref<514x128xf32, #tpu.memory_space<vmem>>, vector<1x16xf32>,
    %swap3A_37 = arith.constant 513 : i32
    %swap3A_38 = arith.index_cast %swap3A_37 : i32 to index
    %swap3A_39 = arith.constant 0 : index
    %swap3A_40 = tpu.vector_load %arg6[%swap3A_38, %swap3A_39] {strides = array<i32>} : memref<514x128xf32, #tpu.memory_space<vmem>>, vector<1x16xf32>,
    %swap3A_41 = vector.shape_cast %swap3A_40 : vector<1x16xf32> to vector<16xf32>
    %swap3A_42 = vector.shape_cast %broadcast_in_dim3A_31 : vector<16xf32> to vector<1x16xf32>
    tpu.vector_store %arg6[%swap3A_38, %swap3A_39], %swap3A_42 {strides = array<i32>} : memref<514x128xf32, #tpu.memory_space<vmem>>, vector<1x16xf32>,
    %swap3A_43 = arith.constant 512 : i32
    %swap3A_44 = arith.index_cast %swap3A_43 : i32 to index
    %swap3A_45 = arith.constant 16 : index
    %swap3A_46 = tpu.vector_load %arg6[%swap3A_44, %swap3A_45] {strides = array<i32>} : memref<514x128xf32, #tpu.memory_space<vmem>>, vector<1x16xf32>,
    %swap3A_47 = vector.shape_cast %swap3A_46 : vector<1x16xf32> to vector<16xf32>
    %swap3A_48 = vector.shape_cast %broadcast_in_dim3A_31 : vector<16xf32> to vector<1x16xf32>
    tpu.vector_store %arg6[%swap3A_44, %swap3A_45], %swap3A_48 {strides = array<i32>} : memref<514x128xf32, #tpu.memory_space<vmem>>, vector<1x16xf32>,
    %swap3A_49 = arith.constant 513 : i32
    %swap3A_50 = arith.index_cast %swap3A_49 : i32 to index
    %swap3A_51 = arith.constant 16 : index
    %swap3A_52 = tpu.vector_load %arg6[%swap3A_50, %swap3A_51] {strides = array<i32>} : memref<514x128xf32, #tpu.memory_space<vmem>>, vector<1x16xf32>,
    %swap3A_53 = vector.shape_cast %swap3A_52 : vector<1x16xf32> to vector<16xf32>
    %swap3A_54 = vector.shape_cast %broadcast_in_dim3A_31 : vector<16xf32> to vector<1x16xf32>
    tpu.vector_store %arg6[%swap3A_50, %swap3A_51], %swap3A_54 {strides = array<i32>} : memref<514x128xf32, #tpu.memory_space<vmem>>, vector<1x16xf32>,
    %swap3A_55 = arith.constant 512 : i32
    %swap3A_56 = arith.index_cast %swap3A_55 : i32 to index
    %swap3A_57 = arith.constant 32 : index
    %swap3A_58 = tpu.vector_load %arg6[%swap3A_56, %swap3A_57] {strides = array<i32>} : memref<514x128xf32, #tpu.memory_space<vmem>>, vector<1x16xf32>,
    %swap3A_59 = vector.shape_cast %swap3A_58 : vector<1x16xf32> to vector<16xf32>
    %swap3A_60 = vector.shape_cast %broadcast_in_dim3A_31 : vector<16xf32> to vector<1x16xf32>
    tpu.vector_store %arg6[%swap3A_56, %swap3A_57], %swap3A_60 {strides = array<i32>} : memref<514x128xf32, #tpu.memory_space<vmem>>, vector<1x16xf32>,
    %swap3A_61 = arith.constant 513 : i32
    %swap3A_62 = arith.index_cast %swap3A_61 : i32 to index
    %swap3A_63 = arith.constant 32 : index
    %swap3A_64 = tpu.vector_load %arg6[%swap3A_62, %swap3A_63] {strides = array<i32>} : memref<514x128xf32, #tpu.memory_space<vmem>>, vector<1x16xf32>,
    %swap3A_65 = vector.shape_cast %swap3A_64 : vector<1x16xf32> to vector<16xf32>
    %swap3A_66 = vector.shape_cast %broadcast_in_dim3A_31 : vector<16xf32> to vector<1x16xf32>
    tpu.vector_store %arg6[%swap3A_62, %swap3A_63], %swap3A_66 {strides = array<i32>} : memref<514x128xf32, #tpu.memory_space<vmem>>, vector<1x16xf32>,
    %swap3A_67 = arith.constant 512 : i32
    %swap3A_68 = arith.index_cast %swap3A_67 : i32 to index
    %swap3A_69 = arith.constant 48 : index
    %swap3A_70 = tpu.vector_load %arg6[%swap3A_68, %swap3A_69] {strides = array<i32>} : memref<514x128xf32, #tpu.memory_space<vmem>>, vector<1x16xf32>,
    %swap3A_71 = vector.shape_cast %swap3A_70 : vector<1x16xf32> to vector<16xf32>
    %swap3A_72 = vector.shape_cast %broadcast_in_dim3A_31 : vector<16xf32> to vector<1x16xf32>
    tpu.vector_store %arg6[%swap3A_68, %swap3A_69], %swap3A_72 {strides = array<i32>} : memref<514x128xf32, #tpu.memory_space<vmem>>, vector<1x16xf32>,
    %swap3A_73 = arith.constant 513 : i32
    %swap3A_74 = arith.index_cast %swap3A_73 : i32 to index
    %swap3A_75 = arith.constant 48 : index
    %swap3A_76 = tpu.vector_load %arg6[%swap3A_74, %swap3A_75] {strides = array<i32>} : memref<514x128xf32, #tpu.memory_space<vmem>>, vector<1x16xf32>,
    %swap3A_77 = vector.shape_cast %swap3A_76 : vector<1x16xf32> to vector<16xf32>
    %swap3A_78 = vector.shape_cast %broadcast_in_dim3A_31 : vector<16xf32> to vector<1x16xf32>
    tpu.vector_store %arg6[%swap3A_74, %swap3A_75], %swap3A_78 {strides = array<i32>} : memref<514x128xf32, #tpu.memory_space<vmem>>, vector<1x16xf32>,
    %swap3A_79 = arith.constant 512 : i32
    %swap3A_80 = arith.index_cast %swap3A_79 : i32 to index
    %swap3A_81 = arith.constant 64 : index
    %swap3A_82 = tpu.vector_load %arg6[%swap3A_80, %swap3A_81] {strides = array<i32>} : memref<514x128xf32, #tpu.memory_space<vmem>>, vector<1x16xf32>,
    %swap3A_83 = vector.shape_cast %swap3A_82 : vector<1x16xf32> to vector<16xf32>
    %swap3A_84 = vector.shape_cast %broadcast_in_dim3A_31 : vector<16xf32> to vector<1x16xf32>
    tpu.vector_store %arg6[%swap3A_80, %swap3A_81], %swap3A_84 {strides = array<i32>} : memref<514x128xf32, #tpu.memory_space<vmem>>, vector<1x16xf32>,
    %swap3A_85 = arith.constant 513 : i32
    %swap3A_86 = arith.index_cast %swap3A_85 : i32 to index
    %swap3A_87 = arith.constant 64 : index
    %swap3A_88 = tpu.vector_load %arg6[%swap3A_86, %swap3A_87] {strides = array<i32>} : memref<514x128xf32, #tpu.memory_space<vmem>>, vector<1x16xf32>,
    %swap3A_89 = vector.shape_cast %swap3A_88 : vector<1x16xf32> to vector<16xf32>
    %swap3A_90 = vector.shape_cast %broadcast_in_dim3A_31 : vector<16xf32> to vector<1x16xf32>
    tpu.vector_store %arg6[%swap3A_86, %swap3A_87], %swap3A_90 {strides = array<i32>} : memref<514x128xf32, #tpu.memory_space<vmem>>, vector<1x16xf32>,
    %swap3A_91 = arith.constant 512 : i32
    %swap3A_92 = arith.index_cast %swap3A_91 : i32 to index
    %swap3A_93 = arith.constant 80 : index
    %swap3A_94 = tpu.vector_load %arg6[%swap3A_92, %swap3A_93] {strides = array<i32>} : memref<514x128xf32, #tpu.memory_space<vmem>>, vector<1x16xf32>,
    %swap3A_95 = vector.shape_cast %swap3A_94 : vector<1x16xf32> to vector<16xf32>
    %swap3A_96 = vector.shape_cast %broadcast_in_dim3A_31 : vector<16xf32> to vector<1x16xf32>
    tpu.vector_store %arg6[%swap3A_92, %swap3A_93], %swap3A_96 {strides = array<i32>} : memref<514x128xf32, #tpu.memory_space<vmem>>, vector<1x16xf32>,
    %swap3A_97 = arith.constant 513 : i32
    %swap3A_98 = arith.index_cast %swap3A_97 : i32 to index
    %swap3A_99 = arith.constant 80 : index
    %swap3A_100 = tpu.vector_load %arg6[%swap3A_98, %swap3A_99] {strides = array<i32>} : memref<514x128xf32, #tpu.memory_space<vmem>>, vector<1x16xf32>,
    %swap3A_101 = vector.shape_cast %swap3A_100 : vector<1x16xf32> to vector<16xf32>
    %swap3A_102 = vector.shape_cast %broadcast_in_dim3A_31 : vector<16xf32> to vector<1x16xf32>
    tpu.vector_store %arg6[%swap3A_98, %swap3A_99], %swap3A_102 {strides = array<i32>} : memref<514x128xf32, #tpu.memory_space<vmem>>, vector<1x16xf32>,
    %swap3A_103 = arith.constant 512 : i32
    %swap3A_104 = arith.index_cast %swap3A_103 : i32 to index
    %swap3A_105 = arith.constant 96 : index
    %swap3A_106 = tpu.vector_load %arg6[%swap3A_104, %swap3A_105] {strides = array<i32>} : memref<514x128xf32, #tpu.memory_space<vmem>>, vector<1x16xf32>,
    %swap3A_107 = vector.shape_cast %swap3A_106 : vector<1x16xf32> to vector<16xf32>
    %swap3A_108 = vector.shape_cast %broadcast_in_dim3A_31 : vector<16xf32> to vector<1x16xf32>
    tpu.vector_store %arg6[%swap3A_104, %swap3A_105], %swap3A_108 {strides = array<i32>} : memref<514x128xf32, #tpu.memory_space<vmem>>, vector<1x16xf32>,
    %swap3A_109 = arith.constant 513 : i32
    %swap3A_110 = arith.index_cast %swap3A_109 : i32 to index
    %swap3A_111 = arith.constant 96 : index
    %swap3A_112 = tpu.vector_load %arg6[%swap3A_110, %swap3A_111] {strides = array<i32>} : memref<514x128xf32, #tpu.memory_space<vmem>>, vector<1x16xf32>,
    %swap3A_113 = vector.shape_cast %swap3A_112 : vector<1x16xf32> to vector<16xf32>
    %swap3A_114 = vector.shape_cast %broadcast_in_dim3A_31 : vector<16xf32> to vector<1x16xf32>
    tpu.vector_store %arg6[%swap3A_110, %swap3A_111], %swap3A_114 {strides = array<i32>} : memref<514x128xf32, #tpu.memory_space<vmem>>, vector<1x16xf32>,
    %swap3A_115 = arith.constant 512 : i32
    %swap3A_116 = arith.index_cast %swap3A_115 : i32 to index
    %swap3A_117 = arith.constant 112 : index
    %swap3A_118 = tpu.vector_load %arg6[%swap3A_116, %swap3A_117] {strides = array<i32>} : memref<514x128xf32, #tpu.memory_space<vmem>>, vector<1x16xf32>,
    %swap3A_119 = vector.shape_cast %swap3A_118 : vector<1x16xf32> to vector<16xf32>
    %swap3A_120 = vector.shape_cast %broadcast_in_dim3A_31 : vector<16xf32> to vector<1x16xf32>
    tpu.vector_store %arg6[%swap3A_116, %swap3A_117], %swap3A_120 {strides = array<i32>} : memref<514x128xf32, #tpu.memory_space<vmem>>, vector<1x16xf32>,
    %swap3A_121 = arith.constant 513 : i32
    %swap3A_122 = arith.index_cast %swap3A_121 : i32 to index
    %swap3A_123 = arith.constant 112 : index
    %swap3A_124 = tpu.vector_load %arg6[%swap3A_122, %swap3A_123] {strides = array<i32>} : memref<514x128xf32, #tpu.memory_space<vmem>>, vector<1x16xf32>,
    %swap3A_125 = vector.shape_cast %swap3A_124 : vector<1x16xf32> to vector<16xf32>
    %swap3A_126 = vector.shape_cast %broadcast_in_dim3A_31 : vector<16xf32> to vector<1x16xf32>
    tpu.vector_store %arg6[%swap3A_122, %swap3A_123], %swap3A_126 {strides = array<i32>} : memref<514x128xf32, #tpu.memory_space<vmem>>, vector<1x16xf32>,
    %get3A = arith.constant 0 : i32
    %get3A_127 = arith.index_cast %get3A : i32 to index
    %get3A_128 = arith.constant 0 : index
    %get3A_129 = tpu.vector_load %arg7[%get3A_127, %get3A_128] {strides = array<i32>} : memref<10x128xf32, #tpu.memory_space<vmem>>, vector<1x16xf32>,
    %get3A_130 = vector.shape_cast %get3A_129 : vector<1x16xf32> to vector<16xf32>
    %add3A_131 = arith.constant 1.000000e+00 : f32
    %add3A_132 = vector.broadcast %add3A_131 : f32 to vector<16xf32>
    %add3A_133 = arith.addf %get3A_130, %add3A_132 : vector<16xf32>
    %get3A_134 = arith.constant 1 : i32
    %get3A_135 = arith.index_cast %get3A_134 : i32 to index
    %get3A_136 = arith.constant 0 : index
    %get3A_137 = tpu.vector_load %arg7[%get3A_135, %get3A_136] {strides = array<i32>} : memref<10x128xf32, #tpu.memory_space<vmem>>, vector<1x16xf32>,
    %get3A_138 = vector.shape_cast %get3A_137 : vector<1x16xf32> to vector<16xf32>
    %get3A_139 = arith.constant 2 : i32
    %get3A_140 = arith.index_cast %get3A_139 : i32 to index
    %get3A_141 = arith.constant 0 : index
    %get3A_142 = tpu.vector_load %arg7[%get3A_140, %get3A_141] {strides = array<i32>} : memref<10x128xf32, #tpu.memory_space<vmem>>, vector<1x16xf32>,
    %get3A_143 = vector.shape_cast %get3A_142 : vector<1x16xf32> to vector<16xf32>
    %get3A_144 = arith.constant 3 : i32
    %get3A_145 = arith.index_cast %get3A_144 : i32 to index
    %get3A_146 = arith.constant 0 : index
    %get3A_147 = tpu.vector_load %arg7[%get3A_145, %get3A_146] {strides = array<i32>} : memref<10x128xf32, #tpu.memory_space<vmem>>, vector<1x16xf32>,
    %get3A_148 = vector.shape_cast %get3A_147 : vector<1x16xf32> to vector<16xf32>
    %get3A_149 = arith.constant 4 : i32
    %get3A_150 = arith.index_cast %get3A_149 : i32 to index
    %get3A_151 = arith.constant 0 : index
    %get3A_152 = tpu.vector_load %arg7[%get3A_150, %get3A_151] {strides = array<i32>} : memref<10x128xf32, #tpu.memory_space<vmem>>, vector<1x16xf32>,
    %get3A_153 = vector.shape_cast %get3A_152 : vector<1x16xf32> to vector<16xf32>
    %get3A_154 = arith.constant 5 : i32
    %get3A_155 = arith.index_cast %get3A_154 : i32 to index
    %get3A_156 = arith.constant 0 : index
    %get3A_157 = tpu.vector_load %arg7[%get3A_155, %get3A_156] {strides = array<i32>} : memref<10x128xf32, #tpu.memory_space<vmem>>, vector<1x16xf32>,
    %get3A_158 = vector.shape_cast %get3A_157 : vector<1x16xf32> to vector<16xf32>
    %get3A_159 = arith.constant 6 : i32
    %get3A_160 = arith.index_cast %get3A_159 : i32 to index
    %get3A_161 = arith.constant 0 : index
    %get3A_162 = tpu.vector_load %arg7[%get3A_160, %get3A_161] {strides = array<i32>} : memref<10x128xf32, #tpu.memory_space<vmem>>, vector<1x16xf32>,
    %get3A_163 = vector.shape_cast %get3A_162 : vector<1x16xf32> to vector<16xf32>
    %get3A_164 = arith.constant 7 : i32
    %get3A_165 = arith.index_cast %get3A_164 : i32 to index
    %get3A_166 = arith.constant 0 : index
    %get3A_167 = tpu.vector_load %arg7[%get3A_165, %get3A_166] {strides = array<i32>} : memref<10x128xf32, #tpu.memory_space<vmem>>, vector<1x16xf32>,
    %get3A_168 = vector.shape_cast %get3A_167 : vector<1x16xf32> to vector<16xf32>
    %get3A_169 = arith.constant 8 : i32
    %get3A_170 = arith.index_cast %get3A_169 : i32 to index
    %get3A_171 = arith.constant 0 : index
    %get3A_172 = tpu.vector_load %arg7[%get3A_170, %get3A_171] {strides = array<i32>} : memref<10x128xf32, #tpu.memory_space<vmem>>, vector<1x16xf32>,
    %get3A_173 = vector.shape_cast %get3A_172 : vector<1x16xf32> to vector<16xf32>
    %get3A_174 = arith.constant 9 : i32
    %get3A_175 = arith.index_cast %get3A_174 : i32 to index
    %get3A_176 = arith.constant 0 : index
    %get3A_177 = tpu.vector_load %arg7[%get3A_175, %get3A_176] {strides = array<i32>} : memref<10x128xf32, #tpu.memory_space<vmem>>, vector<1x16xf32>,
    %get3A_178 = vector.shape_cast %get3A_177 : vector<1x16xf32> to vector<16xf32>
    %get3A_179 = arith.constant 0 : i32
    %get3A_180 = arith.index_cast %get3A_179 : i32 to index
    %get3A_181 = arith.constant 0 : index
    %get3A_182 = tpu.vector_load %arg8[%get3A_180, %get3A_181] {strides = array<i32>} : memref<2x128xf32, #tpu.memory_space<vmem>>, vector<1x16xf32>,
    %get3A_183 = vector.shape_cast %get3A_182 : vector<1x16xf32> to vector<16xf32>
    %get3A_184 = arith.constant 1 : i32
    %get3A_185 = arith.index_cast %get3A_184 : i32 to index
    %get3A_186 = arith.constant 0 : index
    %get3A_187 = tpu.vector_load %arg8[%get3A_185, %get3A_186] {strides = array<i32>} : memref<2x128xf32, #tpu.memory_space<vmem>>, vector<1x16xf32>,
    %get3A_188 = vector.shape_cast %get3A_187 : vector<1x16xf32> to vector<16xf32>
    %get3A_189 = arith.constant 0 : i32
    %get3A_190 = arith.index_cast %get3A_189 : i32 to index
    %get3A_191 = arith.constant 0 : index
    %get3A_192 = tpu.vector_load %arg6[%get3A_190, %get3A_191] {strides = array<i32>} : memref<514x128xf32, #tpu.memory_space<vmem>>, vector<1x16xf32>,
    %get3A_193 = vector.shape_cast %get3A_192 : vector<1x16xf32> to vector<16xf32>
    %get3A_194 = arith.constant 1 : i32
    %get3A_195 = arith.index_cast %get3A_194 : i32 to index
    %get3A_196 = arith.constant 0 : index
    %get3A_197 = tpu.vector_load %arg6[%get3A_195, %get3A_196] {strides = array<i32>} : memref<514x128xf32, #tpu.memory_space<vmem>>, vector<1x16xf32>,
    %get3A_198 = vector.shape_cast %get3A_197 : vector<1x16xf32> to vector<16xf32>
    %mul3A_199 = arith.mulf %add3A_133, %get3A_193 : vector<16xf32>
    %mul3A_200 = arith.mulf %get3A_183, %get3A_198 : vector<16xf32>
    %add3A_201 = arith.addf %mul3A_199, %mul3A_200 : vector<16xf32>
    %mul3A_202 = arith.mulf %add3A_133, %get3A_198 : vector<16xf32>
    %scan3A = arith.constant 0 : i32
    %scan3A_203 = arith.constant 512 : i32
    %scan3A_204 = arith.addi %scan3A, %scan3A_203 : i32
    %scan3A_205 = arith.constant 4 : i32
    %scan3A_206:11 = scf.for %scan3A_789 = %scan3A to %scan3A_204 step %scan3A_205 iter_args(%scan3A_790 = %broadcast_in_dim3A_31, %scan3A_791 = %broadcast_in_dim3A_31, %scan3A_792 = %broadcast_in_dim3A_31, %scan3A_793 = %broadcast_in_dim3A_31, %scan3A_794 = %broadcast_in_dim3A_31, %scan3A_795 = %broadcast_in_dim3A_31, %scan3A_796 = %broadcast_in_dim3A_31, %scan3A_797 = %broadcast_in_dim3A_31, %scan3A_798 = %broadcast_in_dim3A_31, %scan3A_799 = %add3A_201, %scan3A_800 = %mul3A_202) -> (vector<16xf32>, vector<16xf32>, vector<16xf32>, vector<16xf32>, vector<16xf32>, vector<16xf32>, vector<16xf32>, vector<16xf32>, vector<16xf32>, vector<16xf32>, vector<16xf32>)  : i32 {
      %add3A_801 = arith.constant 2 : i32
      %add3A_802 = arith.addi %scan3A_789, %add3A_801 : i32
      %get3A_803 = arith.index_cast %add3A_802 : i32 to index
      %get3A_804 = arith.constant 0 : index
      %get3A_805 = tpu.vector_load %arg6[%get3A_803, %get3A_804] {strides = array<i32>} : memref<514x128xf32, #tpu.memory_space<vmem>>, vector<1x16xf32>,
      %get3A_806 = vector.shape_cast %get3A_805 : vector<1x16xf32> to vector<16xf32>
      %mul3A_807 = arith.mulf %get3A_188, %get3A_806 : vector<16xf32>
      %add3A_808 = arith.addf %scan3A_799, %mul3A_807 : vector<16xf32>
      %add3A_809 = arith.addf %add3A_808, %scan3A_790 : vector<16xf32>
      %swap3A_810 = arith.index_cast %scan3A_789 : i32 to index
      %swap3A_811 = arith.constant 0 : index
      %swap3A_812 = tpu.vector_load %arg6[%swap3A_810, %swap3A_811] {strides = array<i32>} : memref<514x128xf32, #tpu.memory_space<vmem>>, vector<1x16xf32>,
      %swap3A_813 = vector.shape_cast %swap3A_812 : vector<1x16xf32> to vector<16xf32>
      %swap3A_814 = vector.shape_cast %add3A_809 : vector<16xf32> to vector<1x16xf32>
      tpu.vector_store %arg6[%swap3A_810, %swap3A_811], %swap3A_814 {strides = array<i32>} : memref<514x128xf32, #tpu.memory_space<vmem>>, vector<1x16xf32>,
      %mul3A_815 = arith.mulf %get3A_138, %add3A_809 : vector<16xf32>
      %add3A_816 = arith.addf %scan3A_791, %mul3A_815 : vector<16xf32>
      %mul3A_817 = arith.mulf %get3A_143, %add3A_809 : vector<16xf32>
      %add3A_818 = arith.addf %scan3A_792, %mul3A_817 : vector<16xf32>
      %mul3A_819 = arith.mulf %get3A_148, %add3A_809 : vector<16xf32>
      %add3A_820 = arith.addf %scan3A_793, %mul3A_819 : vector<16xf32>
      %mul3A_821 = arith.mulf %get3A_153, %add3A_809 : vector<16xf32>
      %add3A_822 = arith.addf %scan3A_794, %mul3A_821 : vector<16xf32>
      %mul3A_823 = arith.mulf %get3A_158, %add3A_809 : vector<16xf32>
      %add3A_824 = arith.addf %scan3A_795, %mul3A_823 : vector<16xf32>
      %mul3A_825 = arith.mulf %get3A_163, %add3A_809 : vector<16xf32>
      %add3A_826 = arith.addf %scan3A_796, %mul3A_825 : vector<16xf32>
      %mul3A_827 = arith.mulf %get3A_168, %add3A_809 : vector<16xf32>
      %add3A_828 = arith.addf %scan3A_797, %mul3A_827 : vector<16xf32>
      %mul3A_829 = arith.mulf %get3A_173, %add3A_809 : vector<16xf32>
      %add3A_830 = arith.addf %scan3A_798, %mul3A_829 : vector<16xf32>
      %mul3A_831 = arith.mulf %get3A_178, %add3A_809 : vector<16xf32>
      %mul3A_832 = arith.mulf %get3A_183, %get3A_806 : vector<16xf32>
      %add3A_833 = arith.addf %scan3A_800, %mul3A_832 : vector<16xf32>
      %mul3A_834 = arith.mulf %add3A_133, %get3A_806 : vector<16xf32>
      %scan3A_835 = arith.constant 1 : i32
      %scan3A_836 = arith.addi %scan3A_789, %scan3A_835 : i32
      %add3A_837 = arith.constant 2 : i32
      %add3A_838 = arith.addi %scan3A_836, %add3A_837 : i32
      %get3A_839 = arith.index_cast %add3A_838 : i32 to index
      %get3A_840 = arith.constant 0 : index
      %get3A_841 = tpu.vector_load %arg6[%get3A_839, %get3A_840] {strides = array<i32>} : memref<514x128xf32, #tpu.memory_space<vmem>>, vector<1x16xf32>,
      %get3A_842 = vector.shape_cast %get3A_841 : vector<1x16xf32> to vector<16xf32>
      %mul3A_843 = arith.mulf %get3A_188, %get3A_842 : vector<16xf32>
      %add3A_844 = arith.addf %add3A_833, %mul3A_843 : vector<16xf32>
      %add3A_845 = arith.addf %add3A_844, %add3A_816 : vector<16xf32>
      %swap3A_846 = arith.index_cast %scan3A_836 : i32 to index
      %swap3A_847 = arith.constant 0 : index
      %swap3A_848 = tpu.vector_load %arg6[%swap3A_846, %swap3A_847] {strides = array<i32>} : memref<514x128xf32, #tpu.memory_space<vmem>>, vector<1x16xf32>,
      %swap3A_849 = vector.shape_cast %swap3A_848 : vector<1x16xf32> to vector<16xf32>
      %swap3A_850 = vector.shape_cast %add3A_845 : vector<16xf32> to vector<1x16xf32>
      tpu.vector_store %arg6[%swap3A_846, %swap3A_847], %swap3A_850 {strides = array<i32>} : memref<514x128xf32, #tpu.memory_space<vmem>>, vector<1x16xf32>,
      %mul3A_851 = arith.mulf %get3A_138, %add3A_845 : vector<16xf32>
      %add3A_852 = arith.addf %add3A_818, %mul3A_851 : vector<16xf32>
      %mul3A_853 = arith.mulf %get3A_143, %add3A_845 : vector<16xf32>
      %add3A_854 = arith.addf %add3A_820, %mul3A_853 : vector<16xf32>
      %mul3A_855 = arith.mulf %get3A_148, %add3A_845 : vector<16xf32>
      %add3A_856 = arith.addf %add3A_822, %mul3A_855 : vector<16xf32>
      %mul3A_857 = arith.mulf %get3A_153, %add3A_845 : vector<16xf32>
      %add3A_858 = arith.addf %add3A_824, %mul3A_857 : vector<16xf32>
      %mul3A_859 = arith.mulf %get3A_158, %add3A_845 : vector<16xf32>
      %add3A_860 = arith.addf %add3A_826, %mul3A_859 : vector<16xf32>
      %mul3A_861 = arith.mulf %get3A_163, %add3A_845 : vector<16xf32>
      %add3A_862 = arith.addf %add3A_828, %mul3A_861 : vector<16xf32>
      %mul3A_863 = arith.mulf %get3A_168, %add3A_845 : vector<16xf32>
      %add3A_864 = arith.addf %add3A_830, %mul3A_863 : vector<16xf32>
      %mul3A_865 = arith.mulf %get3A_173, %add3A_845 : vector<16xf32>
      %add3A_866 = arith.addf %mul3A_831, %mul3A_865 : vector<16xf32>
      %mul3A_867 = arith.mulf %get3A_178, %add3A_845 : vector<16xf32>
      %mul3A_868 = arith.mulf %get3A_183, %get3A_842 : vector<16xf32>
      %add3A_869 = arith.addf %mul3A_834, %mul3A_868 : vector<16xf32>
      %mul3A_870 = arith.mulf %add3A_133, %get3A_842 : vector<16xf32>
      %scan3A_871 = arith.constant 2 : i32
      %scan3A_872 = arith.addi %scan3A_789, %scan3A_871 : i32
      %add3A_873 = arith.constant 2 : i32
      %add3A_874 = arith.addi %scan3A_872, %add3A_873 : i32
      %get3A_875 = arith.index_cast %add3A_874 : i32 to index
      %get3A_876 = arith.constant 0 : index
      %get3A_877 = tpu.vector_load %arg6[%get3A_875, %get3A_876] {strides = array<i32>} : memref<514x128xf32, #tpu.memory_space<vmem>>, vector<1x16xf32>,
      %get3A_878 = vector.shape_cast %get3A_877 : vector<1x16xf32> to vector<16xf32>
      %mul3A_879 = arith.mulf %get3A_188, %get3A_878 : vector<16xf32>
      %add3A_880 = arith.addf %add3A_869, %mul3A_879 : vector<16xf32>
      %add3A_881 = arith.addf %add3A_880, %add3A_852 : vector<16xf32>
      %swap3A_882 = arith.index_cast %scan3A_872 : i32 to index
      %swap3A_883 = arith.constant 0 : index
      %swap3A_884 = tpu.vector_load %arg6[%swap3A_882, %swap3A_883] {strides = array<i32>} : memref<514x128xf32, #tpu.memory_space<vmem>>, vector<1x16xf32>,
      %swap3A_885 = vector.shape_cast %swap3A_884 : vector<1x16xf32> to vector<16xf32>
      %swap3A_886 = vector.shape_cast %add3A_881 : vector<16xf32> to vector<1x16xf32>
      tpu.vector_store %arg6[%swap3A_882, %swap3A_883], %swap3A_886 {strides = array<i32>} : memref<514x128xf32, #tpu.memory_space<vmem>>, vector<1x16xf32>,
      %mul3A_887 = arith.mulf %get3A_138, %add3A_881 : vector<16xf32>
      %add3A_888 = arith.addf %add3A_854, %mul3A_887 : vector<16xf32>
      %mul3A_889 = arith.mulf %get3A_143, %add3A_881 : vector<16xf32>
      %add3A_890 = arith.addf %add3A_856, %mul3A_889 : vector<16xf32>
      %mul3A_891 = arith.mulf %get3A_148, %add3A_881 : vector<16xf32>
      %add3A_892 = arith.addf %add3A_858, %mul3A_891 : vector<16xf32>
      %mul3A_893 = arith.mulf %get3A_153, %add3A_881 : vector<16xf32>
      %add3A_894 = arith.addf %add3A_860, %mul3A_893 : vector<16xf32>
      %mul3A_895 = arith.mulf %get3A_158, %add3A_881 : vector<16xf32>
      %add3A_896 = arith.addf %add3A_862, %mul3A_895 : vector<16xf32>
      %mul3A_897 = arith.mulf %get3A_163, %add3A_881 : vector<16xf32>
      %add3A_898 = arith.addf %add3A_864, %mul3A_897 : vector<16xf32>
      %mul3A_899 = arith.mulf %get3A_168, %add3A_881 : vector<16xf32>
      %add3A_900 = arith.addf %add3A_866, %mul3A_899 : vector<16xf32>
      %mul3A_901 = arith.mulf %get3A_173, %add3A_881 : vector<16xf32>
      %add3A_902 = arith.addf %mul3A_867, %mul3A_901 : vector<16xf32>
      %mul3A_903 = arith.mulf %get3A_178, %add3A_881 : vector<16xf32>
      %mul3A_904 = arith.mulf %get3A_183, %get3A_878 : vector<16xf32>
      %add3A_905 = arith.addf %mul3A_870, %mul3A_904 : vector<16xf32>
      %mul3A_906 = arith.mulf %add3A_133, %get3A_878 : vector<16xf32>
      %scan3A_907 = arith.constant 3 : i32
      %scan3A_908 = arith.addi %scan3A_789, %scan3A_907 : i32
      %add3A_909 = arith.constant 2 : i32
      %add3A_910 = arith.addi %scan3A_908, %add3A_909 : i32
      %get3A_911 = arith.index_cast %add3A_910 : i32 to index
      %get3A_912 = arith.constant 0 : index
      %get3A_913 = tpu.vector_load %arg6[%get3A_911, %get3A_912] {strides = array<i32>} : memref<514x128xf32, #tpu.memory_space<vmem>>, vector<1x16xf32>,
      %get3A_914 = vector.shape_cast %get3A_913 : vector<1x16xf32> to vector<16xf32>
      %mul3A_915 = arith.mulf %get3A_188, %get3A_914 : vector<16xf32>
      %add3A_916 = arith.addf %add3A_905, %mul3A_915 : vector<16xf32>
      %add3A_917 = arith.addf %add3A_916, %add3A_888 : vector<16xf32>
      %swap3A_918 = arith.index_cast %scan3A_908 : i32 to index
      %swap3A_919 = arith.constant 0 : index
      %swap3A_920 = tpu.vector_load %arg6[%swap3A_918, %swap3A_919] {strides = array<i32>} : memref<514x128xf32, #tpu.memory_space<vmem>>, vector<1x16xf32>,
      %swap3A_921 = vector.shape_cast %swap3A_920 : vector<1x16xf32> to vector<16xf32>
      %swap3A_922 = vector.shape_cast %add3A_917 : vector<16xf32> to vector<1x16xf32>
      tpu.vector_store %arg6[%swap3A_918, %swap3A_919], %swap3A_922 {strides = array<i32>} : memref<514x128xf32, #tpu.memory_space<vmem>>, vector<1x16xf32>,
      %mul3A_923 = arith.mulf %get3A_138, %add3A_917 : vector<16xf32>
      %add3A_924 = arith.addf %add3A_890, %mul3A_923 : vector<16xf32>
      %mul3A_925 = arith.mulf %get3A_143, %add3A_917 : vector<16xf32>
      %add3A_926 = arith.addf %add3A_892, %mul3A_925 : vector<16xf32>
      %mul3A_927 = arith.mulf %get3A_148, %add3A_917 : vector<16xf32>
      %add3A_928 = arith.addf %add3A_894, %mul3A_927 : vector<16xf32>
      %mul3A_929 = arith.mulf %get3A_153, %add3A_917 : vector<16xf32>
      %add3A_930 = arith.addf %add3A_896, %mul3A_929 : vector<16xf32>
      %mul3A_931 = arith.mulf %get3A_158, %add3A_917 : vector<16xf32>
      %add3A_932 = arith.addf %add3A_898, %mul3A_931 : vector<16xf32>
      %mul3A_933 = arith.mulf %get3A_163, %add3A_917 : vector<16xf32>
      %add3A_934 = arith.addf %add3A_900, %mul3A_933 : vector<16xf32>
      %mul3A_935 = arith.mulf %get3A_168, %add3A_917 : vector<16xf32>
      %add3A_936 = arith.addf %add3A_902, %mul3A_935 : vector<16xf32>
      %mul3A_937 = arith.mulf %get3A_173, %add3A_917 : vector<16xf32>
      %add3A_938 = arith.addf %mul3A_903, %mul3A_937 : vector<16xf32>
      %mul3A_939 = arith.mulf %get3A_178, %add3A_917 : vector<16xf32>
      %mul3A_940 = arith.mulf %get3A_183, %get3A_914 : vector<16xf32>
      %add3A_941 = arith.addf %mul3A_906, %mul3A_940 : vector<16xf32>
      %mul3A_942 = arith.mulf %add3A_133, %get3A_914 : vector<16xf32>
      scf.yield %add3A_924, %add3A_926, %add3A_928, %add3A_930, %add3A_932, %add3A_934, %add3A_936, %add3A_938, %mul3A_939, %add3A_941, %mul3A_942 : vector<16xf32>, vector<16xf32>, vector<16xf32>, vector<16xf32>, vector<16xf32>, vector<16xf32>, vector<16xf32>, vector<16xf32>, vector<16xf32>, vector<16xf32>, vector<16xf32>
    }
    %scan3A_207 = arith.constant 512 : i32
    %get3A_208 = arith.constant 0 : i32
    %get3A_209 = arith.index_cast %get3A_208 : i32 to index
    %get3A_210 = arith.constant 16 : index
    %get3A_211 = tpu.vector_load %arg7[%get3A_209, %get3A_210] {strides = array<i32>} : memref<10x128xf32, #tpu.memory_space<vmem>>, vector<1x16xf32>,
    %get3A_212 = vector.shape_cast %get3A_211 : vector<1x16xf32> to vector<16xf32>
    %add3A_213 = arith.constant 1.000000e+00 : f32
    %add3A_214 = vector.broadcast %add3A_213 : f32 to vector<16xf32>
    %add3A_215 = arith.addf %get3A_212, %add3A_214 : vector<16xf32>
    %get3A_216 = arith.constant 1 : i32
    %get3A_217 = arith.index_cast %get3A_216 : i32 to index
    %get3A_218 = arith.constant 16 : index
    %get3A_219 = tpu.vector_load %arg7[%get3A_217, %get3A_218] {strides = array<i32>} : memref<10x128xf32, #tpu.memory_space<vmem>>, vector<1x16xf32>,
    %get3A_220 = vector.shape_cast %get3A_219 : vector<1x16xf32> to vector<16xf32>
    %get3A_221 = arith.constant 2 : i32
    %get3A_222 = arith.index_cast %get3A_221 : i32 to index
    %get3A_223 = arith.constant 16 : index
    %get3A_224 = tpu.vector_load %arg7[%get3A_222, %get3A_223] {strides = array<i32>} : memref<10x128xf32, #tpu.memory_space<vmem>>, vector<1x16xf32>,
    %get3A_225 = vector.shape_cast %get3A_224 : vector<1x16xf32> to vector<16xf32>
    %get3A_226 = arith.constant 3 : i32
    %get3A_227 = arith.index_cast %get3A_226 : i32 to index
    %get3A_228 = arith.constant 16 : index
    %get3A_229 = tpu.vector_load %arg7[%get3A_227, %get3A_228] {strides = array<i32>} : memref<10x128xf32, #tpu.memory_space<vmem>>, vector<1x16xf32>,
    %get3A_230 = vector.shape_cast %get3A_229 : vector<1x16xf32> to vector<16xf32>
    %get3A_231 = arith.constant 4 : i32
    %get3A_232 = arith.index_cast %get3A_231 : i32 to index
    %get3A_233 = arith.constant 16 : index
    %get3A_234 = tpu.vector_load %arg7[%get3A_232, %get3A_233] {strides = array<i32>} : memref<10x128xf32, #tpu.memory_space<vmem>>, vector<1x16xf32>,
    %get3A_235 = vector.shape_cast %get3A_234 : vector<1x16xf32> to vector<16xf32>
    %get3A_236 = arith.constant 5 : i32
    %get3A_237 = arith.index_cast %get3A_236 : i32 to index
    %get3A_238 = arith.constant 16 : index
    %get3A_239 = tpu.vector_load %arg7[%get3A_237, %get3A_238] {strides = array<i32>} : memref<10x128xf32, #tpu.memory_space<vmem>>, vector<1x16xf32>,
    %get3A_240 = vector.shape_cast %get3A_239 : vector<1x16xf32> to vector<16xf32>
    %get3A_241 = arith.constant 6 : i32
    %get3A_242 = arith.index_cast %get3A_241 : i32 to index
    %get3A_243 = arith.constant 16 : index
    %get3A_244 = tpu.vector_load %arg7[%get3A_242, %get3A_243] {strides = array<i32>} : memref<10x128xf32, #tpu.memory_space<vmem>>, vector<1x16xf32>,
    %get3A_245 = vector.shape_cast %get3A_244 : vector<1x16xf32> to vector<16xf32>
    %get3A_246 = arith.constant 7 : i32
    %get3A_247 = arith.index_cast %get3A_246 : i32 to index
    %get3A_248 = arith.constant 16 : index
    %get3A_249 = tpu.vector_load %arg7[%get3A_247, %get3A_248] {strides = array<i32>} : memref<10x128xf32, #tpu.memory_space<vmem>>, vector<1x16xf32>,
    %get3A_250 = vector.shape_cast %get3A_249 : vector<1x16xf32> to vector<16xf32>
    %get3A_251 = arith.constant 8 : i32
    %get3A_252 = arith.index_cast %get3A_251 : i32 to index
    %get3A_253 = arith.constant 16 : index
    %get3A_254 = tpu.vector_load %arg7[%get3A_252, %get3A_253] {strides = array<i32>} : memref<10x128xf32, #tpu.memory_space<vmem>>, vector<1x16xf32>,
    %get3A_255 = vector.shape_cast %get3A_254 : vector<1x16xf32> to vector<16xf32>
    %get3A_256 = arith.constant 9 : i32
    %get3A_257 = arith.index_cast %get3A_256 : i32 to index
    %get3A_258 = arith.constant 16 : index
    %get3A_259 = tpu.vector_load %arg7[%get3A_257, %get3A_258] {strides = array<i32>} : memref<10x128xf32, #tpu.memory_space<vmem>>, vector<1x16xf32>,
    %get3A_260 = vector.shape_cast %get3A_259 : vector<1x16xf32> to vector<16xf32>
    %get3A_261 = arith.constant 0 : i32
    %get3A_262 = arith.index_cast %get3A_261 : i32 to index
    %get3A_263 = arith.constant 16 : index
    %get3A_264 = tpu.vector_load %arg8[%get3A_262, %get3A_263] {strides = array<i32>} : memref<2x128xf32, #tpu.memory_space<vmem>>, vector<1x16xf32>,
    %get3A_265 = vector.shape_cast %get3A_264 : vector<1x16xf32> to vector<16xf32>
    %get3A_266 = arith.constant 1 : i32
    %get3A_267 = arith.index_cast %get3A_266 : i32 to index
    %get3A_268 = arith.constant 16 : index
    %get3A_269 = tpu.vector_load %arg8[%get3A_267, %get3A_268] {strides = array<i32>} : memref<2x128xf32, #tpu.memory_space<vmem>>, vector<1x16xf32>,
    %get3A_270 = vector.shape_cast %get3A_269 : vector<1x16xf32> to vector<16xf32>
    %get3A_271 = arith.constant 0 : i32
    %get3A_272 = arith.index_cast %get3A_271 : i32 to index
    %get3A_273 = arith.constant 16 : index
    %get3A_274 = tpu.vector_load %arg6[%get3A_272, %get3A_273] {strides = array<i32>} : memref<514x128xf32, #tpu.memory_space<vmem>>, vector<1x16xf32>,
    %get3A_275 = vector.shape_cast %get3A_274 : vector<1x16xf32> to vector<16xf32>
    %get3A_276 = arith.constant 1 : i32
    %get3A_277 = arith.index_cast %get3A_276 : i32 to index
    %get3A_278 = arith.constant 16 : index
    %get3A_279 = tpu.vector_load %arg6[%get3A_277, %get3A_278] {strides = array<i32>} : memref<514x128xf32, #tpu.memory_space<vmem>>, vector<1x16xf32>,
    %get3A_280 = vector.shape_cast %get3A_279 : vector<1x16xf32> to vector<16xf32>
    %mul3A_281 = arith.mulf %add3A_215, %get3A_275 : vector<16xf32>
    %mul3A_282 = arith.mulf %get3A_265, %get3A_280 : vector<16xf32>
    %add3A_283 = arith.addf %mul3A_281, %mul3A_282 : vector<16xf32>
    %mul3A_284 = arith.mulf %add3A_215, %get3A_280 : vector<16xf32>
    %scan3A_285 = arith.constant 0 : i32
    %scan3A_286 = arith.constant 512 : i32
    %scan3A_287 = arith.addi %scan3A_285, %scan3A_286 : i32
    %scan3A_288 = arith.constant 4 : i32
    %scan3A_289:11 = scf.for %scan3A_789 = %scan3A_285 to %scan3A_287 step %scan3A_288 iter_args(%scan3A_790 = %broadcast_in_dim3A_31, %scan3A_791 = %broadcast_in_dim3A_31, %scan3A_792 = %broadcast_in_dim3A_31, %scan3A_793 = %broadcast_in_dim3A_31, %scan3A_794 = %broadcast_in_dim3A_31, %scan3A_795 = %broadcast_in_dim3A_31, %scan3A_796 = %broadcast_in_dim3A_31, %scan3A_797 = %broadcast_in_dim3A_31, %scan3A_798 = %broadcast_in_dim3A_31, %scan3A_799 = %add3A_283, %scan3A_800 = %mul3A_284) -> (vector<16xf32>, vector<16xf32>, vector<16xf32>, vector<16xf32>, vector<16xf32>, vector<16xf32>, vector<16xf32>, vector<16xf32>, vector<16xf32>, vector<16xf32>, vector<16xf32>)  : i32 {
      %add3A_801 = arith.constant 2 : i32
      %add3A_802 = arith.addi %scan3A_789, %add3A_801 : i32
      %get3A_803 = arith.index_cast %add3A_802 : i32 to index
      %get3A_804 = arith.constant 16 : index
      %get3A_805 = tpu.vector_load %arg6[%get3A_803, %get3A_804] {strides = array<i32>} : memref<514x128xf32, #tpu.memory_space<vmem>>, vector<1x16xf32>,
      %get3A_806 = vector.shape_cast %get3A_805 : vector<1x16xf32> to vector<16xf32>
      %mul3A_807 = arith.mulf %get3A_270, %get3A_806 : vector<16xf32>
      %add3A_808 = arith.addf %scan3A_799, %mul3A_807 : vector<16xf32>
      %add3A_809 = arith.addf %add3A_808, %scan3A_790 : vector<16xf32>
      %swap3A_810 = arith.index_cast %scan3A_789 : i32 to index
      %swap3A_811 = arith.constant 16 : index
      %swap3A_812 = tpu.vector_load %arg6[%swap3A_810, %swap3A_811] {strides = array<i32>} : memref<514x128xf32, #tpu.memory_space<vmem>>, vector<1x16xf32>,
      %swap3A_813 = vector.shape_cast %swap3A_812 : vector<1x16xf32> to vector<16xf32>
      %swap3A_814 = vector.shape_cast %add3A_809 : vector<16xf32> to vector<1x16xf32>
      tpu.vector_store %arg6[%swap3A_810, %swap3A_811], %swap3A_814 {strides = array<i32>} : memref<514x128xf32, #tpu.memory_space<vmem>>, vector<1x16xf32>,
      %mul3A_815 = arith.mulf %get3A_220, %add3A_809 : vector<16xf32>
      %add3A_816 = arith.addf %scan3A_791, %mul3A_815 : vector<16xf32>
      %mul3A_817 = arith.mulf %get3A_225, %add3A_809 : vector<16xf32>
      %add3A_818 = arith.addf %scan3A_792, %mul3A_817 : vector<16xf32>
      %mul3A_819 = arith.mulf %get3A_230, %add3A_809 : vector<16xf32>
      %add3A_820 = arith.addf %scan3A_793, %mul3A_819 : vector<16xf32>
      %mul3A_821 = arith.mulf %get3A_235, %add3A_809 : vector<16xf32>
      %add3A_822 = arith.addf %scan3A_794, %mul3A_821 : vector<16xf32>
      %mul3A_823 = arith.mulf %get3A_240, %add3A_809 : vector<16xf32>
      %add3A_824 = arith.addf %scan3A_795, %mul3A_823 : vector<16xf32>
      %mul3A_825 = arith.mulf %get3A_245, %add3A_809 : vector<16xf32>
      %add3A_826 = arith.addf %scan3A_796, %mul3A_825 : vector<16xf32>
      %mul3A_827 = arith.mulf %get3A_250, %add3A_809 : vector<16xf32>
      %add3A_828 = arith.addf %scan3A_797, %mul3A_827 : vector<16xf32>
      %mul3A_829 = arith.mulf %get3A_255, %add3A_809 : vector<16xf32>
      %add3A_830 = arith.addf %scan3A_798, %mul3A_829 : vector<16xf32>
      %mul3A_831 = arith.mulf %get3A_260, %add3A_809 : vector<16xf32>
      %mul3A_832 = arith.mulf %get3A_265, %get3A_806 : vector<16xf32>
      %add3A_833 = arith.addf %scan3A_800, %mul3A_832 : vector<16xf32>
      %mul3A_834 = arith.mulf %add3A_215, %get3A_806 : vector<16xf32>
      %scan3A_835 = arith.constant 1 : i32
      %scan3A_836 = arith.addi %scan3A_789, %scan3A_835 : i32
      %add3A_837 = arith.constant 2 : i32
      %add3A_838 = arith.addi %scan3A_836, %add3A_837 : i32
      %get3A_839 = arith.index_cast %add3A_838 : i32 to index
      %get3A_840 = arith.constant 16 : index
      %get3A_841 = tpu.vector_load %arg6[%get3A_839, %get3A_840] {strides = array<i32>} : memref<514x128xf32, #tpu.memory_space<vmem>>, vector<1x16xf32>,
      %get3A_842 = vector.shape_cast %get3A_841 : vector<1x16xf32> to vector<16xf32>
      %mul3A_843 = arith.mulf %get3A_270, %get3A_842 : vector<16xf32>
      %add3A_844 = arith.addf %add3A_833, %mul3A_843 : vector<16xf32>
      %add3A_845 = arith.addf %add3A_844, %add3A_816 : vector<16xf32>
      %swap3A_846 = arith.index_cast %scan3A_836 : i32 to index
      %swap3A_847 = arith.constant 16 : index
      %swap3A_848 = tpu.vector_load %arg6[%swap3A_846, %swap3A_847] {strides = array<i32>} : memref<514x128xf32, #tpu.memory_space<vmem>>, vector<1x16xf32>,
      %swap3A_849 = vector.shape_cast %swap3A_848 : vector<1x16xf32> to vector<16xf32>
      %swap3A_850 = vector.shape_cast %add3A_845 : vector<16xf32> to vector<1x16xf32>
      tpu.vector_store %arg6[%swap3A_846, %swap3A_847], %swap3A_850 {strides = array<i32>} : memref<514x128xf32, #tpu.memory_space<vmem>>, vector<1x16xf32>,
      %mul3A_851 = arith.mulf %get3A_220, %add3A_845 : vector<16xf32>
      %add3A_852 = arith.addf %add3A_818, %mul3A_851 : vector<16xf32>
      %mul3A_853 = arith.mulf %get3A_225, %add3A_845 : vector<16xf32>
      %add3A_854 = arith.addf %add3A_820, %mul3A_853 : vector<16xf32>
      %mul3A_855 = arith.mulf %get3A_230, %add3A_845 : vector<16xf32>
      %add3A_856 = arith.addf %add3A_822, %mul3A_855 : vector<16xf32>
      %mul3A_857 = arith.mulf %get3A_235, %add3A_845 : vector<16xf32>
      %add3A_858 = arith.addf %add3A_824, %mul3A_857 : vector<16xf32>
      %mul3A_859 = arith.mulf %get3A_240, %add3A_845 : vector<16xf32>
      %add3A_860 = arith.addf %add3A_826, %mul3A_859 : vector<16xf32>
      %mul3A_861 = arith.mulf %get3A_245, %add3A_845 : vector<16xf32>
      %add3A_862 = arith.addf %add3A_828, %mul3A_861 : vector<16xf32>
      %mul3A_863 = arith.mulf %get3A_250, %add3A_845 : vector<16xf32>
      %add3A_864 = arith.addf %add3A_830, %mul3A_863 : vector<16xf32>
      %mul3A_865 = arith.mulf %get3A_255, %add3A_845 : vector<16xf32>
      %add3A_866 = arith.addf %mul3A_831, %mul3A_865 : vector<16xf32>
      %mul3A_867 = arith.mulf %get3A_260, %add3A_845 : vector<16xf32>
      %mul3A_868 = arith.mulf %get3A_265, %get3A_842 : vector<16xf32>
      %add3A_869 = arith.addf %mul3A_834, %mul3A_868 : vector<16xf32>
      %mul3A_870 = arith.mulf %add3A_215, %get3A_842 : vector<16xf32>
      %scan3A_871 = arith.constant 2 : i32
      %scan3A_872 = arith.addi %scan3A_789, %scan3A_871 : i32
      %add3A_873 = arith.constant 2 : i32
      %add3A_874 = arith.addi %scan3A_872, %add3A_873 : i32
      %get3A_875 = arith.index_cast %add3A_874 : i32 to index
      %get3A_876 = arith.constant 16 : index
      %get3A_877 = tpu.vector_load %arg6[%get3A_875, %get3A_876] {strides = array<i32>} : memref<514x128xf32, #tpu.memory_space<vmem>>, vector<1x16xf32>,
      %get3A_878 = vector.shape_cast %get3A_877 : vector<1x16xf32> to vector<16xf32>
      %mul3A_879 = arith.mulf %get3A_270, %get3A_878 : vector<16xf32>
      %add3A_880 = arith.addf %add3A_869, %mul3A_879 : vector<16xf32>
      %add3A_881 = arith.addf %add3A_880, %add3A_852 : vector<16xf32>
      %swap3A_882 = arith.index_cast %scan3A_872 : i32 to index
      %swap3A_883 = arith.constant 16 : index
      %swap3A_884 = tpu.vector_load %arg6[%swap3A_882, %swap3A_883] {strides = array<i32>} : memref<514x128xf32, #tpu.memory_space<vmem>>, vector<1x16xf32>,
      %swap3A_885 = vector.shape_cast %swap3A_884 : vector<1x16xf32> to vector<16xf32>
      %swap3A_886 = vector.shape_cast %add3A_881 : vector<16xf32> to vector<1x16xf32>
      tpu.vector_store %arg6[%swap3A_882, %swap3A_883], %swap3A_886 {strides = array<i32>} : memref<514x128xf32, #tpu.memory_space<vmem>>, vector<1x16xf32>,
      %mul3A_887 = arith.mulf %get3A_220, %add3A_881 : vector<16xf32>
      %add3A_888 = arith.addf %add3A_854, %mul3A_887 : vector<16xf32>
      %mul3A_889 = arith.mulf %get3A_225, %add3A_881 : vector<16xf32>
      %add3A_890 = arith.addf %add3A_856, %mul3A_889 : vector<16xf32>
      %mul3A_891 = arith.mulf %get3A_230, %add3A_881 : vector<16xf32>
      %add3A_892 = arith.addf %add3A_858, %mul3A_891 : vector<16xf32>
      %mul3A_893 = arith.mulf %get3A_235, %add3A_881 : vector<16xf32>
      %add3A_894 = arith.addf %add3A_860, %mul3A_893 : vector<16xf32>
      %mul3A_895 = arith.mulf %get3A_240, %add3A_881 : vector<16xf32>
      %add3A_896 = arith.addf %add3A_862, %mul3A_895 : vector<16xf32>
      %mul3A_897 = arith.mulf %get3A_245, %add3A_881 : vector<16xf32>
      %add3A_898 = arith.addf %add3A_864, %mul3A_897 : vector<16xf32>
      %mul3A_899 = arith.mulf %get3A_250, %add3A_881 : vector<16xf32>
      %add3A_900 = arith.addf %add3A_866, %mul3A_899 : vector<16xf32>
      %mul3A_901 = arith.mulf %get3A_255, %add3A_881 : vector<16xf32>
      %add3A_902 = arith.addf %mul3A_867, %mul3A_901 : vector<16xf32>
      %mul3A_903 = arith.mulf %get3A_260, %add3A_881 : vector<16xf32>
      %mul3A_904 = arith.mulf %get3A_265, %get3A_878 : vector<16xf32>
      %add3A_905 = arith.addf %mul3A_870, %mul3A_904 : vector<16xf32>
      %mul3A_906 = arith.mulf %add3A_215, %get3A_878 : vector<16xf32>
      %scan3A_907 = arith.constant 3 : i32
      %scan3A_908 = arith.addi %scan3A_789, %scan3A_907 : i32
      %add3A_909 = arith.constant 2 : i32
      %add3A_910 = arith.addi %scan3A_908, %add3A_909 : i32
      %get3A_911 = arith.index_cast %add3A_910 : i32 to index
      %get3A_912 = arith.constant 16 : index
      %get3A_913 = tpu.vector_load %arg6[%get3A_911, %get3A_912] {strides = array<i32>} : memref<514x128xf32, #tpu.memory_space<vmem>>, vector<1x16xf32>,
      %get3A_914 = vector.shape_cast %get3A_913 : vector<1x16xf32> to vector<16xf32>
      %mul3A_915 = arith.mulf %get3A_270, %get3A_914 : vector<16xf32>
      %add3A_916 = arith.addf %add3A_905, %mul3A_915 : vector<16xf32>
      %add3A_917 = arith.addf %add3A_916, %add3A_888 : vector<16xf32>
      %swap3A_918 = arith.index_cast %scan3A_908 : i32 to index
      %swap3A_919 = arith.constant 16 : index
      %swap3A_920 = tpu.vector_load %arg6[%swap3A_918, %swap3A_919] {strides = array<i32>} : memref<514x128xf32, #tpu.memory_space<vmem>>, vector<1x16xf32>,
      %swap3A_921 = vector.shape_cast %swap3A_920 : vector<1x16xf32> to vector<16xf32>
      %swap3A_922 = vector.shape_cast %add3A_917 : vector<16xf32> to vector<1x16xf32>
      tpu.vector_store %arg6[%swap3A_918, %swap3A_919], %swap3A_922 {strides = array<i32>} : memref<514x128xf32, #tpu.memory_space<vmem>>, vector<1x16xf32>,
      %mul3A_923 = arith.mulf %get3A_220, %add3A_917 : vector<16xf32>
      %add3A_924 = arith.addf %add3A_890, %mul3A_923 : vector<16xf32>
      %mul3A_925 = arith.mulf %get3A_225, %add3A_917 : vector<16xf32>
      %add3A_926 = arith.addf %add3A_892, %mul3A_925 : vector<16xf32>
      %mul3A_927 = arith.mulf %get3A_230, %add3A_917 : vector<16xf32>
      %add3A_928 = arith.addf %add3A_894, %mul3A_927 : vector<16xf32>
      %mul3A_929 = arith.mulf %get3A_235, %add3A_917 : vector<16xf32>
      %add3A_930 = arith.addf %add3A_896, %mul3A_929 : vector<16xf32>
      %mul3A_931 = arith.mulf %get3A_240, %add3A_917 : vector<16xf32>
      %add3A_932 = arith.addf %add3A_898, %mul3A_931 : vector<16xf32>
      %mul3A_933 = arith.mulf %get3A_245, %add3A_917 : vector<16xf32>
      %add3A_934 = arith.addf %add3A_900, %mul3A_933 : vector<16xf32>
      %mul3A_935 = arith.mulf %get3A_250, %add3A_917 : vector<16xf32>
      %add3A_936 = arith.addf %add3A_902, %mul3A_935 : vector<16xf32>
      %mul3A_937 = arith.mulf %get3A_255, %add3A_917 : vector<16xf32>
      %add3A_938 = arith.addf %mul3A_903, %mul3A_937 : vector<16xf32>
      %mul3A_939 = arith.mulf %get3A_260, %add3A_917 : vector<16xf32>
      %mul3A_940 = arith.mulf %get3A_265, %get3A_914 : vector<16xf32>
      %add3A_941 = arith.addf %mul3A_906, %mul3A_940 : vector<16xf32>
      %mul3A_942 = arith.mulf %add3A_215, %get3A_914 : vector<16xf32>
      scf.yield %add3A_924, %add3A_926, %add3A_928, %add3A_930, %add3A_932, %add3A_934, %add3A_936, %add3A_938, %mul3A_939, %add3A_941, %mul3A_942 : vector<16xf32>, vector<16xf32>, vector<16xf32>, vector<16xf32>, vector<16xf32>, vector<16xf32>, vector<16xf32>, vector<16xf32>, vector<16xf32>, vector<16xf32>, vector<16xf32>
    }
    %scan3A_290 = arith.constant 512 : i32
    %get3A_291 = arith.constant 0 : i32
    %get3A_292 = arith.index_cast %get3A_291 : i32 to index
    %get3A_293 = arith.constant 32 : index
    %get3A_294 = tpu.vector_load %arg7[%get3A_292, %get3A_293] {strides = array<i32>} : memref<10x128xf32, #tpu.memory_space<vmem>>, vector<1x16xf32>,
    %get3A_295 = vector.shape_cast %get3A_294 : vector<1x16xf32> to vector<16xf32>
    %add3A_296 = arith.constant 1.000000e+00 : f32
    %add3A_297 = vector.broadcast %add3A_296 : f32 to vector<16xf32>
    %add3A_298 = arith.addf %get3A_295, %add3A_297 : vector<16xf32>
    %get3A_299 = arith.constant 1 : i32
    %get3A_300 = arith.index_cast %get3A_299 : i32 to index
    %get3A_301 = arith.constant 32 : index
    %get3A_302 = tpu.vector_load %arg7[%get3A_300, %get3A_301] {strides = array<i32>} : memref<10x128xf32, #tpu.memory_space<vmem>>, vector<1x16xf32>,
    %get3A_303 = vector.shape_cast %get3A_302 : vector<1x16xf32> to vector<16xf32>
    %get3A_304 = arith.constant 2 : i32
    %get3A_305 = arith.index_cast %get3A_304 : i32 to index
    %get3A_306 = arith.constant 32 : index
    %get3A_307 = tpu.vector_load %arg7[%get3A_305, %get3A_306] {strides = array<i32>} : memref<10x128xf32, #tpu.memory_space<vmem>>, vector<1x16xf32>,
    %get3A_308 = vector.shape_cast %get3A_307 : vector<1x16xf32> to vector<16xf32>
    %get3A_309 = arith.constant 3 : i32
    %get3A_310 = arith.index_cast %get3A_309 : i32 to index
    %get3A_311 = arith.constant 32 : index
    %get3A_312 = tpu.vector_load %arg7[%get3A_310, %get3A_311] {strides = array<i32>} : memref<10x128xf32, #tpu.memory_space<vmem>>, vector<1x16xf32>,
    %get3A_313 = vector.shape_cast %get3A_312 : vector<1x16xf32> to vector<16xf32>
    %get3A_314 = arith.constant 4 : i32
    %get3A_315 = arith.index_cast %get3A_314 : i32 to index
    %get3A_316 = arith.constant 32 : index
    %get3A_317 = tpu.vector_load %arg7[%get3A_315, %get3A_316] {strides = array<i32>} : memref<10x128xf32, #tpu.memory_space<vmem>>, vector<1x16xf32>,
    %get3A_318 = vector.shape_cast %get3A_317 : vector<1x16xf32> to vector<16xf32>
    %get3A_319 = arith.constant 5 : i32
    %get3A_320 = arith.index_cast %get3A_319 : i32 to index
    %get3A_321 = arith.constant 32 : index
    %get3A_322 = tpu.vector_load %arg7[%get3A_320, %get3A_321] {strides = array<i32>} : memref<10x128xf32, #tpu.memory_space<vmem>>, vector<1x16xf32>,
    %get3A_323 = vector.shape_cast %get3A_322 : vector<1x16xf32> to vector<16xf32>
    %get3A_324 = arith.constant 6 : i32
    %get3A_325 = arith.index_cast %get3A_324 : i32 to index
    %get3A_326 = arith.constant 32 : index
    %get3A_327 = tpu.vector_load %arg7[%get3A_325, %get3A_326] {strides = array<i32>} : memref<10x128xf32, #tpu.memory_space<vmem>>, vector<1x16xf32>,
    %get3A_328 = vector.shape_cast %get3A_327 : vector<1x16xf32> to vector<16xf32>
    %get3A_329 = arith.constant 7 : i32
    %get3A_330 = arith.index_cast %get3A_329 : i32 to index
    %get3A_331 = arith.constant 32 : index
    %get3A_332 = tpu.vector_load %arg7[%get3A_330, %get3A_331] {strides = array<i32>} : memref<10x128xf32, #tpu.memory_space<vmem>>, vector<1x16xf32>,
    %get3A_333 = vector.shape_cast %get3A_332 : vector<1x16xf32> to vector<16xf32>
    %get3A_334 = arith.constant 8 : i32
    %get3A_335 = arith.index_cast %get3A_334 : i32 to index
    %get3A_336 = arith.constant 32 : index
    %get3A_337 = tpu.vector_load %arg7[%get3A_335, %get3A_336] {strides = array<i32>} : memref<10x128xf32, #tpu.memory_space<vmem>>, vector<1x16xf32>,
    %get3A_338 = vector.shape_cast %get3A_337 : vector<1x16xf32> to vector<16xf32>
    %get3A_339 = arith.constant 9 : i32
    %get3A_340 = arith.index_cast %get3A_339 : i32 to index
    %get3A_341 = arith.constant 32 : index
    %get3A_342 = tpu.vector_load %arg7[%get3A_340, %get3A_341] {strides = array<i32>} : memref<10x128xf32, #tpu.memory_space<vmem>>, vector<1x16xf32>,
    %get3A_343 = vector.shape_cast %get3A_342 : vector<1x16xf32> to vector<16xf32>
    %get3A_344 = arith.constant 0 : i32
    %get3A_345 = arith.index_cast %get3A_344 : i32 to index
    %get3A_346 = arith.constant 32 : index
    %get3A_347 = tpu.vector_load %arg8[%get3A_345, %get3A_346] {strides = array<i32>} : memref<2x128xf32, #tpu.memory_space<vmem>>, vector<1x16xf32>,
    %get3A_348 = vector.shape_cast %get3A_347 : vector<1x16xf32> to vector<16xf32>
    %get3A_349 = arith.constant 1 : i32
    %get3A_350 = arith.index_cast %get3A_349 : i32 to index
    %get3A_351 = arith.constant 32 : index
    %get3A_352 = tpu.vector_load %arg8[%get3A_350, %get3A_351] {strides = array<i32>} : memref<2x128xf32, #tpu.memory_space<vmem>>, vector<1x16xf32>,
    %get3A_353 = vector.shape_cast %get3A_352 : vector<1x16xf32> to vector<16xf32>
    %get3A_354 = arith.constant 0 : i32
    %get3A_355 = arith.index_cast %get3A_354 : i32 to index
    %get3A_356 = arith.constant 32 : index
    %get3A_357 = tpu.vector_load %arg6[%get3A_355, %get3A_356] {strides = array<i32>} : memref<514x128xf32, #tpu.memory_space<vmem>>, vector<1x16xf32>,
    %get3A_358 = vector.shape_cast %get3A_357 : vector<1x16xf32> to vector<16xf32>
    %get3A_359 = arith.constant 1 : i32
    %get3A_360 = arith.index_cast %get3A_359 : i32 to index
    %get3A_361 = arith.constant 32 : index
    %get3A_362 = tpu.vector_load %arg6[%get3A_360, %get3A_361] {strides = array<i32>} : memref<514x128xf32, #tpu.memory_space<vmem>>, vector<1x16xf32>,
    %get3A_363 = vector.shape_cast %get3A_362 : vector<1x16xf32> to vector<16xf32>
    %mul3A_364 = arith.mulf %add3A_298, %get3A_358 : vector<16xf32>
    %mul3A_365 = arith.mulf %get3A_348, %get3A_363 : vector<16xf32>
    %add3A_366 = arith.addf %mul3A_364, %mul3A_365 : vector<16xf32>
    %mul3A_367 = arith.mulf %add3A_298, %get3A_363 : vector<16xf32>
    %scan3A_368 = arith.constant 0 : i32
    %scan3A_369 = arith.constant 512 : i32
    %scan3A_370 = arith.addi %scan3A_368, %scan3A_369 : i32
    %scan3A_371 = arith.constant 4 : i32
    %scan3A_372:11 = scf.for %scan3A_789 = %scan3A_368 to %scan3A_370 step %scan3A_371 iter_args(%scan3A_790 = %broadcast_in_dim3A_31, %scan3A_791 = %broadcast_in_dim3A_31, %scan3A_792 = %broadcast_in_dim3A_31, %scan3A_793 = %broadcast_in_dim3A_31, %scan3A_794 = %broadcast_in_dim3A_31, %scan3A_795 = %broadcast_in_dim3A_31, %scan3A_796 = %broadcast_in_dim3A_31, %scan3A_797 = %broadcast_in_dim3A_31, %scan3A_798 = %broadcast_in_dim3A_31, %scan3A_799 = %add3A_366, %scan3A_800 = %mul3A_367) -> (vector<16xf32>, vector<16xf32>, vector<16xf32>, vector<16xf32>, vector<16xf32>, vector<16xf32>, vector<16xf32>, vector<16xf32>, vector<16xf32>, vector<16xf32>, vector<16xf32>)  : i32 {
      %add3A_801 = arith.constant 2 : i32
      %add3A_802 = arith.addi %scan3A_789, %add3A_801 : i32
      %get3A_803 = arith.index_cast %add3A_802 : i32 to index
      %get3A_804 = arith.constant 32 : index
      %get3A_805 = tpu.vector_load %arg6[%get3A_803, %get3A_804] {strides = array<i32>} : memref<514x128xf32, #tpu.memory_space<vmem>>, vector<1x16xf32>,
      %get3A_806 = vector.shape_cast %get3A_805 : vector<1x16xf32> to vector<16xf32>
      %mul3A_807 = arith.mulf %get3A_353, %get3A_806 : vector<16xf32>
      %add3A_808 = arith.addf %scan3A_799, %mul3A_807 : vector<16xf32>
      %add3A_809 = arith.addf %add3A_808, %scan3A_790 : vector<16xf32>
      %swap3A_810 = arith.index_cast %scan3A_789 : i32 to index
      %swap3A_811 = arith.constant 32 : index
      %swap3A_812 = tpu.vector_load %arg6[%swap3A_810, %swap3A_811] {strides = array<i32>} : memref<514x128xf32, #tpu.memory_space<vmem>>, vector<1x16xf32>,
      %swap3A_813 = vector.shape_cast %swap3A_812 : vector<1x16xf32> to vector<16xf32>
      %swap3A_814 = vector.shape_cast %add3A_809 : vector<16xf32> to vector<1x16xf32>
      tpu.vector_store %arg6[%swap3A_810, %swap3A_811], %swap3A_814 {strides = array<i32>} : memref<514x128xf32, #tpu.memory_space<vmem>>, vector<1x16xf32>,
      %mul3A_815 = arith.mulf %get3A_303, %add3A_809 : vector<16xf32>
      %add3A_816 = arith.addf %scan3A_791, %mul3A_815 : vector<16xf32>
      %mul3A_817 = arith.mulf %get3A_308, %add3A_809 : vector<16xf32>
      %add3A_818 = arith.addf %scan3A_792, %mul3A_817 : vector<16xf32>
      %mul3A_819 = arith.mulf %get3A_313, %add3A_809 : vector<16xf32>
      %add3A_820 = arith.addf %scan3A_793, %mul3A_819 : vector<16xf32>
      %mul3A_821 = arith.mulf %get3A_318, %add3A_809 : vector<16xf32>
      %add3A_822 = arith.addf %scan3A_794, %mul3A_821 : vector<16xf32>
      %mul3A_823 = arith.mulf %get3A_323, %add3A_809 : vector<16xf32>
      %add3A_824 = arith.addf %scan3A_795, %mul3A_823 : vector<16xf32>
      %mul3A_825 = arith.mulf %get3A_328, %add3A_809 : vector<16xf32>
      %add3A_826 = arith.addf %scan3A_796, %mul3A_825 : vector<16xf32>
      %mul3A_827 = arith.mulf %get3A_333, %add3A_809 : vector<16xf32>
      %add3A_828 = arith.addf %scan3A_797, %mul3A_827 : vector<16xf32>
      %mul3A_829 = arith.mulf %get3A_338, %add3A_809 : vector<16xf32>
      %add3A_830 = arith.addf %scan3A_798, %mul3A_829 : vector<16xf32>
      %mul3A_831 = arith.mulf %get3A_343, %add3A_809 : vector<16xf32>
      %mul3A_832 = arith.mulf %get3A_348, %get3A_806 : vector<16xf32>
      %add3A_833 = arith.addf %scan3A_800, %mul3A_832 : vector<16xf32>
      %mul3A_834 = arith.mulf %add3A_298, %get3A_806 : vector<16xf32>
      %scan3A_835 = arith.constant 1 : i32
      %scan3A_836 = arith.addi %scan3A_789, %scan3A_835 : i32
      %add3A_837 = arith.constant 2 : i32
      %add3A_838 = arith.addi %scan3A_836, %add3A_837 : i32
      %get3A_839 = arith.index_cast %add3A_838 : i32 to index
      %get3A_840 = arith.constant 32 : index
      %get3A_841 = tpu.vector_load %arg6[%get3A_839, %get3A_840] {strides = array<i32>} : memref<514x128xf32, #tpu.memory_space<vmem>>, vector<1x16xf32>,
      %get3A_842 = vector.shape_cast %get3A_841 : vector<1x16xf32> to vector<16xf32>
      %mul3A_843 = arith.mulf %get3A_353, %get3A_842 : vector<16xf32>
      %add3A_844 = arith.addf %add3A_833, %mul3A_843 : vector<16xf32>
      %add3A_845 = arith.addf %add3A_844, %add3A_816 : vector<16xf32>
      %swap3A_846 = arith.index_cast %scan3A_836 : i32 to index
      %swap3A_847 = arith.constant 32 : index
      %swap3A_848 = tpu.vector_load %arg6[%swap3A_846, %swap3A_847] {strides = array<i32>} : memref<514x128xf32, #tpu.memory_space<vmem>>, vector<1x16xf32>,
      %swap3A_849 = vector.shape_cast %swap3A_848 : vector<1x16xf32> to vector<16xf32>
      %swap3A_850 = vector.shape_cast %add3A_845 : vector<16xf32> to vector<1x16xf32>
      tpu.vector_store %arg6[%swap3A_846, %swap3A_847], %swap3A_850 {strides = array<i32>} : memref<514x128xf32, #tpu.memory_space<vmem>>, vector<1x16xf32>,
      %mul3A_851 = arith.mulf %get3A_303, %add3A_845 : vector<16xf32>
      %add3A_852 = arith.addf %add3A_818, %mul3A_851 : vector<16xf32>
      %mul3A_853 = arith.mulf %get3A_308, %add3A_845 : vector<16xf32>
      %add3A_854 = arith.addf %add3A_820, %mul3A_853 : vector<16xf32>
      %mul3A_855 = arith.mulf %get3A_313, %add3A_845 : vector<16xf32>
      %add3A_856 = arith.addf %add3A_822, %mul3A_855 : vector<16xf32>
      %mul3A_857 = arith.mulf %get3A_318, %add3A_845 : vector<16xf32>
      %add3A_858 = arith.addf %add3A_824, %mul3A_857 : vector<16xf32>
      %mul3A_859 = arith.mulf %get3A_323, %add3A_845 : vector<16xf32>
      %add3A_860 = arith.addf %add3A_826, %mul3A_859 : vector<16xf32>
      %mul3A_861 = arith.mulf %get3A_328, %add3A_845 : vector<16xf32>
      %add3A_862 = arith.addf %add3A_828, %mul3A_861 : vector<16xf32>
      %mul3A_863 = arith.mulf %get3A_333, %add3A_845 : vector<16xf32>
      %add3A_864 = arith.addf %add3A_830, %mul3A_863 : vector<16xf32>
      %mul3A_865 = arith.mulf %get3A_338, %add3A_845 : vector<16xf32>
      %add3A_866 = arith.addf %mul3A_831, %mul3A_865 : vector<16xf32>
      %mul3A_867 = arith.mulf %get3A_343, %add3A_845 : vector<16xf32>
      %mul3A_868 = arith.mulf %get3A_348, %get3A_842 : vector<16xf32>
      %add3A_869 = arith.addf %mul3A_834, %mul3A_868 : vector<16xf32>
      %mul3A_870 = arith.mulf %add3A_298, %get3A_842 : vector<16xf32>
      %scan3A_871 = arith.constant 2 : i32
      %scan3A_872 = arith.addi %scan3A_789, %scan3A_871 : i32
      %add3A_873 = arith.constant 2 : i32
      %add3A_874 = arith.addi %scan3A_872, %add3A_873 : i32
      %get3A_875 = arith.index_cast %add3A_874 : i32 to index
      %get3A_876 = arith.constant 32 : index
      %get3A_877 = tpu.vector_load %arg6[%get3A_875, %get3A_876] {strides = array<i32>} : memref<514x128xf32, #tpu.memory_space<vmem>>, vector<1x16xf32>,
      %get3A_878 = vector.shape_cast %get3A_877 : vector<1x16xf32> to vector<16xf32>
      %mul3A_879 = arith.mulf %get3A_353, %get3A_878 : vector<16xf32>
      %add3A_880 = arith.addf %add3A_869, %mul3A_879 : vector<16xf32>
      %add3A_881 = arith.addf %add3A_880, %add3A_852 : vector<16xf32>
      %swap3A_882 = arith.index_cast %scan3A_872 : i32 to index
      %swap3A_883 = arith.constant 32 : index
      %swap3A_884 = tpu.vector_load %arg6[%swap3A_882, %swap3A_883] {strides = array<i32>} : memref<514x128xf32, #tpu.memory_space<vmem>>, vector<1x16xf32>,
      %swap3A_885 = vector.shape_cast %swap3A_884 : vector<1x16xf32> to vector<16xf32>
      %swap3A_886 = vector.shape_cast %add3A_881 : vector<16xf32> to vector<1x16xf32>
      tpu.vector_store %arg6[%swap3A_882, %swap3A_883], %swap3A_886 {strides = array<i32>} : memref<514x128xf32, #tpu.memory_space<vmem>>, vector<1x16xf32>,
      %mul3A_887 = arith.mulf %get3A_303, %add3A_881 : vector<16xf32>
      %add3A_888 = arith.addf %add3A_854, %mul3A_887 : vector<16xf32>
      %mul3A_889 = arith.mulf %get3A_308, %add3A_881 : vector<16xf32>
      %add3A_890 = arith.addf %add3A_856, %mul3A_889 : vector<16xf32>
      %mul3A_891 = arith.mulf %get3A_313, %add3A_881 : vector<16xf32>
      %add3A_892 = arith.addf %add3A_858, %mul3A_891 : vector<16xf32>
      %mul3A_893 = arith.mulf %get3A_318, %add3A_881 : vector<16xf32>
      %add3A_894 = arith.addf %add3A_860, %mul3A_893 : vector<16xf32>
      %mul3A_895 = arith.mulf %get3A_323, %add3A_881 : vector<16xf32>
      %add3A_896 = arith.addf %add3A_862, %mul3A_895 : vector<16xf32>
      %mul3A_897 = arith.mulf %get3A_328, %add3A_881 : vector<16xf32>
      %add3A_898 = arith.addf %add3A_864, %mul3A_897 : vector<16xf32>
      %mul3A_899 = arith.mulf %get3A_333, %add3A_881 : vector<16xf32>
      %add3A_900 = arith.addf %add3A_866, %mul3A_899 : vector<16xf32>
      %mul3A_901 = arith.mulf %get3A_338, %add3A_881 : vector<16xf32>
      %add3A_902 = arith.addf %mul3A_867, %mul3A_901 : vector<16xf32>
      %mul3A_903 = arith.mulf %get3A_343, %add3A_881 : vector<16xf32>
      %mul3A_904 = arith.mulf %get3A_348, %get3A_878 : vector<16xf32>
      %add3A_905 = arith.addf %mul3A_870, %mul3A_904 : vector<16xf32>
      %mul3A_906 = arith.mulf %add3A_298, %get3A_878 : vector<16xf32>
      %scan3A_907 = arith.constant 3 : i32
      %scan3A_908 = arith.addi %scan3A_789, %scan3A_907 : i32
      %add3A_909 = arith.constant 2 : i32
      %add3A_910 = arith.addi %scan3A_908, %add3A_909 : i32
      %get3A_911 = arith.index_cast %add3A_910 : i32 to index
      %get3A_912 = arith.constant 32 : index
      %get3A_913 = tpu.vector_load %arg6[%get3A_911, %get3A_912] {strides = array<i32>} : memref<514x128xf32, #tpu.memory_space<vmem>>, vector<1x16xf32>,
      %get3A_914 = vector.shape_cast %get3A_913 : vector<1x16xf32> to vector<16xf32>
      %mul3A_915 = arith.mulf %get3A_353, %get3A_914 : vector<16xf32>
      %add3A_916 = arith.addf %add3A_905, %mul3A_915 : vector<16xf32>
      %add3A_917 = arith.addf %add3A_916, %add3A_888 : vector<16xf32>
      %swap3A_918 = arith.index_cast %scan3A_908 : i32 to index
      %swap3A_919 = arith.constant 32 : index
      %swap3A_920 = tpu.vector_load %arg6[%swap3A_918, %swap3A_919] {strides = array<i32>} : memref<514x128xf32, #tpu.memory_space<vmem>>, vector<1x16xf32>,
      %swap3A_921 = vector.shape_cast %swap3A_920 : vector<1x16xf32> to vector<16xf32>
      %swap3A_922 = vector.shape_cast %add3A_917 : vector<16xf32> to vector<1x16xf32>
      tpu.vector_store %arg6[%swap3A_918, %swap3A_919], %swap3A_922 {strides = array<i32>} : memref<514x128xf32, #tpu.memory_space<vmem>>, vector<1x16xf32>,
      %mul3A_923 = arith.mulf %get3A_303, %add3A_917 : vector<16xf32>
      %add3A_924 = arith.addf %add3A_890, %mul3A_923 : vector<16xf32>
      %mul3A_925 = arith.mulf %get3A_308, %add3A_917 : vector<16xf32>
      %add3A_926 = arith.addf %add3A_892, %mul3A_925 : vector<16xf32>
      %mul3A_927 = arith.mulf %get3A_313, %add3A_917 : vector<16xf32>
      %add3A_928 = arith.addf %add3A_894, %mul3A_927 : vector<16xf32>
      %mul3A_929 = arith.mulf %get3A_318, %add3A_917 : vector<16xf32>
      %add3A_930 = arith.addf %add3A_896, %mul3A_929 : vector<16xf32>
      %mul3A_931 = arith.mulf %get3A_323, %add3A_917 : vector<16xf32>
      %add3A_932 = arith.addf %add3A_898, %mul3A_931 : vector<16xf32>
      %mul3A_933 = arith.mulf %get3A_328, %add3A_917 : vector<16xf32>
      %add3A_934 = arith.addf %add3A_900, %mul3A_933 : vector<16xf32>
      %mul3A_935 = arith.mulf %get3A_333, %add3A_917 : vector<16xf32>
      %add3A_936 = arith.addf %add3A_902, %mul3A_935 : vector<16xf32>
      %mul3A_937 = arith.mulf %get3A_338, %add3A_917 : vector<16xf32>
      %add3A_938 = arith.addf %mul3A_903, %mul3A_937 : vector<16xf32>
      %mul3A_939 = arith.mulf %get3A_343, %add3A_917 : vector<16xf32>
      %mul3A_940 = arith.mulf %get3A_348, %get3A_914 : vector<16xf32>
      %add3A_941 = arith.addf %mul3A_906, %mul3A_940 : vector<16xf32>
      %mul3A_942 = arith.mulf %add3A_298, %get3A_914 : vector<16xf32>
      scf.yield %add3A_924, %add3A_926, %add3A_928, %add3A_930, %add3A_932, %add3A_934, %add3A_936, %add3A_938, %mul3A_939, %add3A_941, %mul3A_942 : vector<16xf32>, vector<16xf32>, vector<16xf32>, vector<16xf32>, vector<16xf32>, vector<16xf32>, vector<16xf32>, vector<16xf32>, vector<16xf32>, vector<16xf32>, vector<16xf32>
    }
    %scan3A_373 = arith.constant 512 : i32
    %get3A_374 = arith.constant 0 : i32
    %get3A_375 = arith.index_cast %get3A_374 : i32 to index
    %get3A_376 = arith.constant 48 : index
    %get3A_377 = tpu.vector_load %arg7[%get3A_375, %get3A_376] {strides = array<i32>} : memref<10x128xf32, #tpu.memory_space<vmem>>, vector<1x16xf32>,
    %get3A_378 = vector.shape_cast %get3A_377 : vector<1x16xf32> to vector<16xf32>
    %add3A_379 = arith.constant 1.000000e+00 : f32
    %add3A_380 = vector.broadcast %add3A_379 : f32 to vector<16xf32>
    %add3A_381 = arith.addf %get3A_378, %add3A_380 : vector<16xf32>
    %get3A_382 = arith.constant 1 : i32
    %get3A_383 = arith.index_cast %get3A_382 : i32 to index
    %get3A_384 = arith.constant 48 : index
    %get3A_385 = tpu.vector_load %arg7[%get3A_383, %get3A_384] {strides = array<i32>} : memref<10x128xf32, #tpu.memory_space<vmem>>, vector<1x16xf32>,
    %get3A_386 = vector.shape_cast %get3A_385 : vector<1x16xf32> to vector<16xf32>
    %get3A_387 = arith.constant 2 : i32
    %get3A_388 = arith.index_cast %get3A_387 : i32 to index
    %get3A_389 = arith.constant 48 : index
    %get3A_390 = tpu.vector_load %arg7[%get3A_388, %get3A_389] {strides = array<i32>} : memref<10x128xf32, #tpu.memory_space<vmem>>, vector<1x16xf32>,
    %get3A_391 = vector.shape_cast %get3A_390 : vector<1x16xf32> to vector<16xf32>
    %get3A_392 = arith.constant 3 : i32
    %get3A_393 = arith.index_cast %get3A_392 : i32 to index
    %get3A_394 = arith.constant 48 : index
    %get3A_395 = tpu.vector_load %arg7[%get3A_393, %get3A_394] {strides = array<i32>} : memref<10x128xf32, #tpu.memory_space<vmem>>, vector<1x16xf32>,
    %get3A_396 = vector.shape_cast %get3A_395 : vector<1x16xf32> to vector<16xf32>
    %get3A_397 = arith.constant 4 : i32
    %get3A_398 = arith.index_cast %get3A_397 : i32 to index
    %get3A_399 = arith.constant 48 : index
    %get3A_400 = tpu.vector_load %arg7[%get3A_398, %get3A_399] {strides = array<i32>} : memref<10x128xf32, #tpu.memory_space<vmem>>, vector<1x16xf32>,
    %get3A_401 = vector.shape_cast %get3A_400 : vector<1x16xf32> to vector<16xf32>
    %get3A_402 = arith.constant 5 : i32
    %get3A_403 = arith.index_cast %get3A_402 : i32 to index
    %get3A_404 = arith.constant 48 : index
    %get3A_405 = tpu.vector_load %arg7[%get3A_403, %get3A_404] {strides = array<i32>} : memref<10x128xf32, #tpu.memory_space<vmem>>, vector<1x16xf32>,
    %get3A_406 = vector.shape_cast %get3A_405 : vector<1x16xf32> to vector<16xf32>
    %get3A_407 = arith.constant 6 : i32
    %get3A_408 = arith.index_cast %get3A_407 : i32 to index
    %get3A_409 = arith.constant 48 : index
    %get3A_410 = tpu.vector_load %arg7[%get3A_408, %get3A_409] {strides = array<i32>} : memref<10x128xf32, #tpu.memory_space<vmem>>, vector<1x16xf32>,
    %get3A_411 = vector.shape_cast %get3A_410 : vector<1x16xf32> to vector<16xf32>
    %get3A_412 = arith.constant 7 : i32
    %get3A_413 = arith.index_cast %get3A_412 : i32 to index
    %get3A_414 = arith.constant 48 : index
    %get3A_415 = tpu.vector_load %arg7[%get3A_413, %get3A_414] {strides = array<i32>} : memref<10x128xf32, #tpu.memory_space<vmem>>, vector<1x16xf32>,
    %get3A_416 = vector.shape_cast %get3A_415 : vector<1x16xf32> to vector<16xf32>
    %get3A_417 = arith.constant 8 : i32
    %get3A_418 = arith.index_cast %get3A_417 : i32 to index
    %get3A_419 = arith.constant 48 : index
    %get3A_420 = tpu.vector_load %arg7[%get3A_418, %get3A_419] {strides = array<i32>} : memref<10x128xf32, #tpu.memory_space<vmem>>, vector<1x16xf32>,
    %get3A_421 = vector.shape_cast %get3A_420 : vector<1x16xf32> to vector<16xf32>
    %get3A_422 = arith.constant 9 : i32
    %get3A_423 = arith.index_cast %get3A_422 : i32 to index
    %get3A_424 = arith.constant 48 : index
    %get3A_425 = tpu.vector_load %arg7[%get3A_423, %get3A_424] {strides = array<i32>} : memref<10x128xf32, #tpu.memory_space<vmem>>, vector<1x16xf32>,
    %get3A_426 = vector.shape_cast %get3A_425 : vector<1x16xf32> to vector<16xf32>
    %get3A_427 = arith.constant 0 : i32
    %get3A_428 = arith.index_cast %get3A_427 : i32 to index
    %get3A_429 = arith.constant 48 : index
    %get3A_430 = tpu.vector_load %arg8[%get3A_428, %get3A_429] {strides = array<i32>} : memref<2x128xf32, #tpu.memory_space<vmem>>, vector<1x16xf32>,
    %get3A_431 = vector.shape_cast %get3A_430 : vector<1x16xf32> to vector<16xf32>
    %get3A_432 = arith.constant 1 : i32
    %get3A_433 = arith.index_cast %get3A_432 : i32 to index
    %get3A_434 = arith.constant 48 : index
    %get3A_435 = tpu.vector_load %arg8[%get3A_433, %get3A_434] {strides = array<i32>} : memref<2x128xf32, #tpu.memory_space<vmem>>, vector<1x16xf32>,
    %get3A_436 = vector.shape_cast %get3A_435 : vector<1x16xf32> to vector<16xf32>
    %get3A_437 = arith.constant 0 : i32
    %get3A_438 = arith.index_cast %get3A_437 : i32 to index
    %get3A_439 = arith.constant 48 : index
    %get3A_440 = tpu.vector_load %arg6[%get3A_438, %get3A_439] {strides = array<i32>} : memref<514x128xf32, #tpu.memory_space<vmem>>, vector<1x16xf32>,
    %get3A_441 = vector.shape_cast %get3A_440 : vector<1x16xf32> to vector<16xf32>
    %get3A_442 = arith.constant 1 : i32
    %get3A_443 = arith.index_cast %get3A_442 : i32 to index
    %get3A_444 = arith.constant 48 : index
    %get3A_445 = tpu.vector_load %arg6[%get3A_443, %get3A_444] {strides = array<i32>} : memref<514x128xf32, #tpu.memory_space<vmem>>, vector<1x16xf32>,
    %get3A_446 = vector.shape_cast %get3A_445 : vector<1x16xf32> to vector<16xf32>
    %mul3A_447 = arith.mulf %add3A_381, %get3A_441 : vector<16xf32>
    %mul3A_448 = arith.mulf %get3A_431, %get3A_446 : vector<16xf32>
    %add3A_449 = arith.addf %mul3A_447, %mul3A_448 : vector<16xf32>
    %mul3A_450 = arith.mulf %add3A_381, %get3A_446 : vector<16xf32>
    %scan3A_451 = arith.constant 0 : i32
    %scan3A_452 = arith.constant 512 : i32
    %scan3A_453 = arith.addi %scan3A_451, %scan3A_452 : i32
    %scan3A_454 = arith.constant 4 : i32
    %scan3A_455:11 = scf.for %scan3A_789 = %scan3A_451 to %scan3A_453 step %scan3A_454 iter_args(%scan3A_790 = %broadcast_in_dim3A_31, %scan3A_791 = %broadcast_in_dim3A_31, %scan3A_792 = %broadcast_in_dim3A_31, %scan3A_793 = %broadcast_in_dim3A_31, %scan3A_794 = %broadcast_in_dim3A_31, %scan3A_795 = %broadcast_in_dim3A_31, %scan3A_796 = %broadcast_in_dim3A_31, %scan3A_797 = %broadcast_in_dim3A_31, %scan3A_798 = %broadcast_in_dim3A_31, %scan3A_799 = %add3A_449, %scan3A_800 = %mul3A_450) -> (vector<16xf32>, vector<16xf32>, vector<16xf32>, vector<16xf32>, vector<16xf32>, vector<16xf32>, vector<16xf32>, vector<16xf32>, vector<16xf32>, vector<16xf32>, vector<16xf32>)  : i32 {
      %add3A_801 = arith.constant 2 : i32
      %add3A_802 = arith.addi %scan3A_789, %add3A_801 : i32
      %get3A_803 = arith.index_cast %add3A_802 : i32 to index
      %get3A_804 = arith.constant 48 : index
      %get3A_805 = tpu.vector_load %arg6[%get3A_803, %get3A_804] {strides = array<i32>} : memref<514x128xf32, #tpu.memory_space<vmem>>, vector<1x16xf32>,
      %get3A_806 = vector.shape_cast %get3A_805 : vector<1x16xf32> to vector<16xf32>
      %mul3A_807 = arith.mulf %get3A_436, %get3A_806 : vector<16xf32>
      %add3A_808 = arith.addf %scan3A_799, %mul3A_807 : vector<16xf32>
      %add3A_809 = arith.addf %add3A_808, %scan3A_790 : vector<16xf32>
      %swap3A_810 = arith.index_cast %scan3A_789 : i32 to index
      %swap3A_811 = arith.constant 48 : index
      %swap3A_812 = tpu.vector_load %arg6[%swap3A_810, %swap3A_811] {strides = array<i32>} : memref<514x128xf32, #tpu.memory_space<vmem>>, vector<1x16xf32>,
      %swap3A_813 = vector.shape_cast %swap3A_812 : vector<1x16xf32> to vector<16xf32>
      %swap3A_814 = vector.shape_cast %add3A_809 : vector<16xf32> to vector<1x16xf32>
      tpu.vector_store %arg6[%swap3A_810, %swap3A_811], %swap3A_814 {strides = array<i32>} : memref<514x128xf32, #tpu.memory_space<vmem>>, vector<1x16xf32>,
      %mul3A_815 = arith.mulf %get3A_386, %add3A_809 : vector<16xf32>
      %add3A_816 = arith.addf %scan3A_791, %mul3A_815 : vector<16xf32>
      %mul3A_817 = arith.mulf %get3A_391, %add3A_809 : vector<16xf32>
      %add3A_818 = arith.addf %scan3A_792, %mul3A_817 : vector<16xf32>
      %mul3A_819 = arith.mulf %get3A_396, %add3A_809 : vector<16xf32>
      %add3A_820 = arith.addf %scan3A_793, %mul3A_819 : vector<16xf32>
      %mul3A_821 = arith.mulf %get3A_401, %add3A_809 : vector<16xf32>
      %add3A_822 = arith.addf %scan3A_794, %mul3A_821 : vector<16xf32>
      %mul3A_823 = arith.mulf %get3A_406, %add3A_809 : vector<16xf32>
      %add3A_824 = arith.addf %scan3A_795, %mul3A_823 : vector<16xf32>
      %mul3A_825 = arith.mulf %get3A_411, %add3A_809 : vector<16xf32>
      %add3A_826 = arith.addf %scan3A_796, %mul3A_825 : vector<16xf32>
      %mul3A_827 = arith.mulf %get3A_416, %add3A_809 : vector<16xf32>
      %add3A_828 = arith.addf %scan3A_797, %mul3A_827 : vector<16xf32>
      %mul3A_829 = arith.mulf %get3A_421, %add3A_809 : vector<16xf32>
      %add3A_830 = arith.addf %scan3A_798, %mul3A_829 : vector<16xf32>
      %mul3A_831 = arith.mulf %get3A_426, %add3A_809 : vector<16xf32>
      %mul3A_832 = arith.mulf %get3A_431, %get3A_806 : vector<16xf32>
      %add3A_833 = arith.addf %scan3A_800, %mul3A_832 : vector<16xf32>
      %mul3A_834 = arith.mulf %add3A_381, %get3A_806 : vector<16xf32>
      %scan3A_835 = arith.constant 1 : i32
      %scan3A_836 = arith.addi %scan3A_789, %scan3A_835 : i32
      %add3A_837 = arith.constant 2 : i32
      %add3A_838 = arith.addi %scan3A_836, %add3A_837 : i32
      %get3A_839 = arith.index_cast %add3A_838 : i32 to index
      %get3A_840 = arith.constant 48 : index
      %get3A_841 = tpu.vector_load %arg6[%get3A_839, %get3A_840] {strides = array<i32>} : memref<514x128xf32, #tpu.memory_space<vmem>>, vector<1x16xf32>,
      %get3A_842 = vector.shape_cast %get3A_841 : vector<1x16xf32> to vector<16xf32>
      %mul3A_843 = arith.mulf %get3A_436, %get3A_842 : vector<16xf32>
      %add3A_844 = arith.addf %add3A_833, %mul3A_843 : vector<16xf32>
      %add3A_845 = arith.addf %add3A_844, %add3A_816 : vector<16xf32>
      %swap3A_846 = arith.index_cast %scan3A_836 : i32 to index
      %swap3A_847 = arith.constant 48 : index
      %swap3A_848 = tpu.vector_load %arg6[%swap3A_846, %swap3A_847] {strides = array<i32>} : memref<514x128xf32, #tpu.memory_space<vmem>>, vector<1x16xf32>,
      %swap3A_849 = vector.shape_cast %swap3A_848 : vector<1x16xf32> to vector<16xf32>
      %swap3A_850 = vector.shape_cast %add3A_845 : vector<16xf32> to vector<1x16xf32>
      tpu.vector_store %arg6[%swap3A_846, %swap3A_847], %swap3A_850 {strides = array<i32>} : memref<514x128xf32, #tpu.memory_space<vmem>>, vector<1x16xf32>,
      %mul3A_851 = arith.mulf %get3A_386, %add3A_845 : vector<16xf32>
      %add3A_852 = arith.addf %add3A_818, %mul3A_851 : vector<16xf32>
      %mul3A_853 = arith.mulf %get3A_391, %add3A_845 : vector<16xf32>
      %add3A_854 = arith.addf %add3A_820, %mul3A_853 : vector<16xf32>
      %mul3A_855 = arith.mulf %get3A_396, %add3A_845 : vector<16xf32>
      %add3A_856 = arith.addf %add3A_822, %mul3A_855 : vector<16xf32>
      %mul3A_857 = arith.mulf %get3A_401, %add3A_845 : vector<16xf32>
      %add3A_858 = arith.addf %add3A_824, %mul3A_857 : vector<16xf32>
      %mul3A_859 = arith.mulf %get3A_406, %add3A_845 : vector<16xf32>
      %add3A_860 = arith.addf %add3A_826, %mul3A_859 : vector<16xf32>
      %mul3A_861 = arith.mulf %get3A_411, %add3A_845 : vector<16xf32>
      %add3A_862 = arith.addf %add3A_828, %mul3A_861 : vector<16xf32>
      %mul3A_863 = arith.mulf %get3A_416, %add3A_845 : vector<16xf32>
      %add3A_864 = arith.addf %add3A_830, %mul3A_863 : vector<16xf32>
      %mul3A_865 = arith.mulf %get3A_421, %add3A_845 : vector<16xf32>
      %add3A_866 = arith.addf %mul3A_831, %mul3A_865 : vector<16xf32>
      %mul3A_867 = arith.mulf %get3A_426, %add3A_845 : vector<16xf32>
      %mul3A_868 = arith.mulf %get3A_431, %get3A_842 : vector<16xf32>
      %add3A_869 = arith.addf %mul3A_834, %mul3A_868 : vector<16xf32>
      %mul3A_870 = arith.mulf %add3A_381, %get3A_842 : vector<16xf32>
      %scan3A_871 = arith.constant 2 : i32
      %scan3A_872 = arith.addi %scan3A_789, %scan3A_871 : i32
      %add3A_873 = arith.constant 2 : i32
      %add3A_874 = arith.addi %scan3A_872, %add3A_873 : i32
      %get3A_875 = arith.index_cast %add3A_874 : i32 to index
      %get3A_876 = arith.constant 48 : index
      %get3A_877 = tpu.vector_load %arg6[%get3A_875, %get3A_876] {strides = array<i32>} : memref<514x128xf32, #tpu.memory_space<vmem>>, vector<1x16xf32>,
      %get3A_878 = vector.shape_cast %get3A_877 : vector<1x16xf32> to vector<16xf32>
      %mul3A_879 = arith.mulf %get3A_436, %get3A_878 : vector<16xf32>
      %add3A_880 = arith.addf %add3A_869, %mul3A_879 : vector<16xf32>
      %add3A_881 = arith.addf %add3A_880, %add3A_852 : vector<16xf32>
      %swap3A_882 = arith.index_cast %scan3A_872 : i32 to index
      %swap3A_883 = arith.constant 48 : index
      %swap3A_884 = tpu.vector_load %arg6[%swap3A_882, %swap3A_883] {strides = array<i32>} : memref<514x128xf32, #tpu.memory_space<vmem>>, vector<1x16xf32>,
      %swap3A_885 = vector.shape_cast %swap3A_884 : vector<1x16xf32> to vector<16xf32>
      %swap3A_886 = vector.shape_cast %add3A_881 : vector<16xf32> to vector<1x16xf32>
      tpu.vector_store %arg6[%swap3A_882, %swap3A_883], %swap3A_886 {strides = array<i32>} : memref<514x128xf32, #tpu.memory_space<vmem>>, vector<1x16xf32>,
      %mul3A_887 = arith.mulf %get3A_386, %add3A_881 : vector<16xf32>
      %add3A_888 = arith.addf %add3A_854, %mul3A_887 : vector<16xf32>
      %mul3A_889 = arith.mulf %get3A_391, %add3A_881 : vector<16xf32>
      %add3A_890 = arith.addf %add3A_856, %mul3A_889 : vector<16xf32>
      %mul3A_891 = arith.mulf %get3A_396, %add3A_881 : vector<16xf32>
      %add3A_892 = arith.addf %add3A_858, %mul3A_891 : vector<16xf32>
      %mul3A_893 = arith.mulf %get3A_401, %add3A_881 : vector<16xf32>
      %add3A_894 = arith.addf %add3A_860, %mul3A_893 : vector<16xf32>
      %mul3A_895 = arith.mulf %get3A_406, %add3A_881 : vector<16xf32>
      %add3A_896 = arith.addf %add3A_862, %mul3A_895 : vector<16xf32>
      %mul3A_897 = arith.mulf %get3A_411, %add3A_881 : vector<16xf32>
      %add3A_898 = arith.addf %add3A_864, %mul3A_897 : vector<16xf32>
      %mul3A_899 = arith.mulf %get3A_416, %add3A_881 : vector<16xf32>
      %add3A_900 = arith.addf %add3A_866, %mul3A_899 : vector<16xf32>
      %mul3A_901 = arith.mulf %get3A_421, %add3A_881 : vector<16xf32>
      %add3A_902 = arith.addf %mul3A_867, %mul3A_901 : vector<16xf32>
      %mul3A_903 = arith.mulf %get3A_426, %add3A_881 : vector<16xf32>
      %mul3A_904 = arith.mulf %get3A_431, %get3A_878 : vector<16xf32>
      %add3A_905 = arith.addf %mul3A_870, %mul3A_904 : vector<16xf32>
      %mul3A_906 = arith.mulf %add3A_381, %get3A_878 : vector<16xf32>
      %scan3A_907 = arith.constant 3 : i32
      %scan3A_908 = arith.addi %scan3A_789, %scan3A_907 : i32
      %add3A_909 = arith.constant 2 : i32
      %add3A_910 = arith.addi %scan3A_908, %add3A_909 : i32
      %get3A_911 = arith.index_cast %add3A_910 : i32 to index
      %get3A_912 = arith.constant 48 : index
      %get3A_913 = tpu.vector_load %arg6[%get3A_911, %get3A_912] {strides = array<i32>} : memref<514x128xf32, #tpu.memory_space<vmem>>, vector<1x16xf32>,
      %get3A_914 = vector.shape_cast %get3A_913 : vector<1x16xf32> to vector<16xf32>
      %mul3A_915 = arith.mulf %get3A_436, %get3A_914 : vector<16xf32>
      %add3A_916 = arith.addf %add3A_905, %mul3A_915 : vector<16xf32>
      %add3A_917 = arith.addf %add3A_916, %add3A_888 : vector<16xf32>
      %swap3A_918 = arith.index_cast %scan3A_908 : i32 to index
      %swap3A_919 = arith.constant 48 : index
      %swap3A_920 = tpu.vector_load %arg6[%swap3A_918, %swap3A_919] {strides = array<i32>} : memref<514x128xf32, #tpu.memory_space<vmem>>, vector<1x16xf32>,
      %swap3A_921 = vector.shape_cast %swap3A_920 : vector<1x16xf32> to vector<16xf32>
      %swap3A_922 = vector.shape_cast %add3A_917 : vector<16xf32> to vector<1x16xf32>
      tpu.vector_store %arg6[%swap3A_918, %swap3A_919], %swap3A_922 {strides = array<i32>} : memref<514x128xf32, #tpu.memory_space<vmem>>, vector<1x16xf32>,
      %mul3A_923 = arith.mulf %get3A_386, %add3A_917 : vector<16xf32>
      %add3A_924 = arith.addf %add3A_890, %mul3A_923 : vector<16xf32>
      %mul3A_925 = arith.mulf %get3A_391, %add3A_917 : vector<16xf32>
      %add3A_926 = arith.addf %add3A_892, %mul3A_925 : vector<16xf32>
      %mul3A_927 = arith.mulf %get3A_396, %add3A_917 : vector<16xf32>
      %add3A_928 = arith.addf %add3A_894, %mul3A_927 : vector<16xf32>
      %mul3A_929 = arith.mulf %get3A_401, %add3A_917 : vector<16xf32>
      %add3A_930 = arith.addf %add3A_896, %mul3A_929 : vector<16xf32>
      %mul3A_931 = arith.mulf %get3A_406, %add3A_917 : vector<16xf32>
      %add3A_932 = arith.addf %add3A_898, %mul3A_931 : vector<16xf32>
      %mul3A_933 = arith.mulf %get3A_411, %add3A_917 : vector<16xf32>
      %add3A_934 = arith.addf %add3A_900, %mul3A_933 : vector<16xf32>
      %mul3A_935 = arith.mulf %get3A_416, %add3A_917 : vector<16xf32>
      %add3A_936 = arith.addf %add3A_902, %mul3A_935 : vector<16xf32>
      %mul3A_937 = arith.mulf %get3A_421, %add3A_917 : vector<16xf32>
      %add3A_938 = arith.addf %mul3A_903, %mul3A_937 : vector<16xf32>
      %mul3A_939 = arith.mulf %get3A_426, %add3A_917 : vector<16xf32>
      %mul3A_940 = arith.mulf %get3A_431, %get3A_914 : vector<16xf32>
      %add3A_941 = arith.addf %mul3A_906, %mul3A_940 : vector<16xf32>
      %mul3A_942 = arith.mulf %add3A_381, %get3A_914 : vector<16xf32>
      scf.yield %add3A_924, %add3A_926, %add3A_928, %add3A_930, %add3A_932, %add3A_934, %add3A_936, %add3A_938, %mul3A_939, %add3A_941, %mul3A_942 : vector<16xf32>, vector<16xf32>, vector<16xf32>, vector<16xf32>, vector<16xf32>, vector<16xf32>, vector<16xf32>, vector<16xf32>, vector<16xf32>, vector<16xf32>, vector<16xf32>
    }
    %scan3A_456 = arith.constant 512 : i32
    %get3A_457 = arith.constant 0 : i32
    %get3A_458 = arith.index_cast %get3A_457 : i32 to index
    %get3A_459 = arith.constant 64 : index
    %get3A_460 = tpu.vector_load %arg7[%get3A_458, %get3A_459] {strides = array<i32>} : memref<10x128xf32, #tpu.memory_space<vmem>>, vector<1x16xf32>,
    %get3A_461 = vector.shape_cast %get3A_460 : vector<1x16xf32> to vector<16xf32>
    %add3A_462 = arith.constant 1.000000e+00 : f32
    %add3A_463 = vector.broadcast %add3A_462 : f32 to vector<16xf32>
    %add3A_464 = arith.addf %get3A_461, %add3A_463 : vector<16xf32>
    %get3A_465 = arith.constant 1 : i32
    %get3A_466 = arith.index_cast %get3A_465 : i32 to index
    %get3A_467 = arith.constant 64 : index
    %get3A_468 = tpu.vector_load %arg7[%get3A_466, %get3A_467] {strides = array<i32>} : memref<10x128xf32, #tpu.memory_space<vmem>>, vector<1x16xf32>,
    %get3A_469 = vector.shape_cast %get3A_468 : vector<1x16xf32> to vector<16xf32>
    %get3A_470 = arith.constant 2 : i32
    %get3A_471 = arith.index_cast %get3A_470 : i32 to index
    %get3A_472 = arith.constant 64 : index
    %get3A_473 = tpu.vector_load %arg7[%get3A_471, %get3A_472] {strides = array<i32>} : memref<10x128xf32, #tpu.memory_space<vmem>>, vector<1x16xf32>,
    %get3A_474 = vector.shape_cast %get3A_473 : vector<1x16xf32> to vector<16xf32>
    %get3A_475 = arith.constant 3 : i32
    %get3A_476 = arith.index_cast %get3A_475 : i32 to index
    %get3A_477 = arith.constant 64 : index
    %get3A_478 = tpu.vector_load %arg7[%get3A_476, %get3A_477] {strides = array<i32>} : memref<10x128xf32, #tpu.memory_space<vmem>>, vector<1x16xf32>,
    %get3A_479 = vector.shape_cast %get3A_478 : vector<1x16xf32> to vector<16xf32>
    %get3A_480 = arith.constant 4 : i32
    %get3A_481 = arith.index_cast %get3A_480 : i32 to index
    %get3A_482 = arith.constant 64 : index
    %get3A_483 = tpu.vector_load %arg7[%get3A_481, %get3A_482] {strides = array<i32>} : memref<10x128xf32, #tpu.memory_space<vmem>>, vector<1x16xf32>,
    %get3A_484 = vector.shape_cast %get3A_483 : vector<1x16xf32> to vector<16xf32>
    %get3A_485 = arith.constant 5 : i32
    %get3A_486 = arith.index_cast %get3A_485 : i32 to index
    %get3A_487 = arith.constant 64 : index
    %get3A_488 = tpu.vector_load %arg7[%get3A_486, %get3A_487] {strides = array<i32>} : memref<10x128xf32, #tpu.memory_space<vmem>>, vector<1x16xf32>,
    %get3A_489 = vector.shape_cast %get3A_488 : vector<1x16xf32> to vector<16xf32>
    %get3A_490 = arith.constant 6 : i32
    %get3A_491 = arith.index_cast %get3A_490 : i32 to index
    %get3A_492 = arith.constant 64 : index
    %get3A_493 = tpu.vector_load %arg7[%get3A_491, %get3A_492] {strides = array<i32>} : memref<10x128xf32, #tpu.memory_space<vmem>>, vector<1x16xf32>,
    %get3A_494 = vector.shape_cast %get3A_493 : vector<1x16xf32> to vector<16xf32>
    %get3A_495 = arith.constant 7 : i32
    %get3A_496 = arith.index_cast %get3A_495 : i32 to index
    %get3A_497 = arith.constant 64 : index
    %get3A_498 = tpu.vector_load %arg7[%get3A_496, %get3A_497] {strides = array<i32>} : memref<10x128xf32, #tpu.memory_space<vmem>>, vector<1x16xf32>,
    %get3A_499 = vector.shape_cast %get3A_498 : vector<1x16xf32> to vector<16xf32>
    %get3A_500 = arith.constant 8 : i32
    %get3A_501 = arith.index_cast %get3A_500 : i32 to index
    %get3A_502 = arith.constant 64 : index
    %get3A_503 = tpu.vector_load %arg7[%get3A_501, %get3A_502] {strides = array<i32>} : memref<10x128xf32, #tpu.memory_space<vmem>>, vector<1x16xf32>,
    %get3A_504 = vector.shape_cast %get3A_503 : vector<1x16xf32> to vector<16xf32>
    %get3A_505 = arith.constant 9 : i32
    %get3A_506 = arith.index_cast %get3A_505 : i32 to index
    %get3A_507 = arith.constant 64 : index
    %get3A_508 = tpu.vector_load %arg7[%get3A_506, %get3A_507] {strides = array<i32>} : memref<10x128xf32, #tpu.memory_space<vmem>>, vector<1x16xf32>,
    %get3A_509 = vector.shape_cast %get3A_508 : vector<1x16xf32> to vector<16xf32>
    %get3A_510 = arith.constant 0 : i32
    %get3A_511 = arith.index_cast %get3A_510 : i32 to index
    %get3A_512 = arith.constant 64 : index
    %get3A_513 = tpu.vector_load %arg8[%get3A_511, %get3A_512] {strides = array<i32>} : memref<2x128xf32, #tpu.memory_space<vmem>>, vector<1x16xf32>,
    %get3A_514 = vector.shape_cast %get3A_513 : vector<1x16xf32> to vector<16xf32>
    %get3A_515 = arith.constant 1 : i32
    %get3A_516 = arith.index_cast %get3A_515 : i32 to index
    %get3A_517 = arith.constant 64 : index
    %get3A_518 = tpu.vector_load %arg8[%get3A_516, %get3A_517] {strides = array<i32>} : memref<2x128xf32, #tpu.memory_space<vmem>>, vector<1x16xf32>,
    %get3A_519 = vector.shape_cast %get3A_518 : vector<1x16xf32> to vector<16xf32>
    %get3A_520 = arith.constant 0 : i32
    %get3A_521 = arith.index_cast %get3A_520 : i32 to index
    %get3A_522 = arith.constant 64 : index
    %get3A_523 = tpu.vector_load %arg6[%get3A_521, %get3A_522] {strides = array<i32>} : memref<514x128xf32, #tpu.memory_space<vmem>>, vector<1x16xf32>,
    %get3A_524 = vector.shape_cast %get3A_523 : vector<1x16xf32> to vector<16xf32>
    %get3A_525 = arith.constant 1 : i32
    %get3A_526 = arith.index_cast %get3A_525 : i32 to index
    %get3A_527 = arith.constant 64 : index
    %get3A_528 = tpu.vector_load %arg6[%get3A_526, %get3A_527] {strides = array<i32>} : memref<514x128xf32, #tpu.memory_space<vmem>>, vector<1x16xf32>,
    %get3A_529 = vector.shape_cast %get3A_528 : vector<1x16xf32> to vector<16xf32>
    %mul3A_530 = arith.mulf %add3A_464, %get3A_524 : vector<16xf32>
    %mul3A_531 = arith.mulf %get3A_514, %get3A_529 : vector<16xf32>
    %add3A_532 = arith.addf %mul3A_530, %mul3A_531 : vector<16xf32>
    %mul3A_533 = arith.mulf %add3A_464, %get3A_529 : vector<16xf32>
    %scan3A_534 = arith.constant 0 : i32
    %scan3A_535 = arith.constant 512 : i32
    %scan3A_536 = arith.addi %scan3A_534, %scan3A_535 : i32
    %scan3A_537 = arith.constant 4 : i32
    %scan3A_538:11 = scf.for %scan3A_789 = %scan3A_534 to %scan3A_536 step %scan3A_537 iter_args(%scan3A_790 = %broadcast_in_dim3A_31, %scan3A_791 = %broadcast_in_dim3A_31, %scan3A_792 = %broadcast_in_dim3A_31, %scan3A_793 = %broadcast_in_dim3A_31, %scan3A_794 = %broadcast_in_dim3A_31, %scan3A_795 = %broadcast_in_dim3A_31, %scan3A_796 = %broadcast_in_dim3A_31, %scan3A_797 = %broadcast_in_dim3A_31, %scan3A_798 = %broadcast_in_dim3A_31, %scan3A_799 = %add3A_532, %scan3A_800 = %mul3A_533) -> (vector<16xf32>, vector<16xf32>, vector<16xf32>, vector<16xf32>, vector<16xf32>, vector<16xf32>, vector<16xf32>, vector<16xf32>, vector<16xf32>, vector<16xf32>, vector<16xf32>)  : i32 {
      %add3A_801 = arith.constant 2 : i32
      %add3A_802 = arith.addi %scan3A_789, %add3A_801 : i32
      %get3A_803 = arith.index_cast %add3A_802 : i32 to index
      %get3A_804 = arith.constant 64 : index
      %get3A_805 = tpu.vector_load %arg6[%get3A_803, %get3A_804] {strides = array<i32>} : memref<514x128xf32, #tpu.memory_space<vmem>>, vector<1x16xf32>,
      %get3A_806 = vector.shape_cast %get3A_805 : vector<1x16xf32> to vector<16xf32>
      %mul3A_807 = arith.mulf %get3A_519, %get3A_806 : vector<16xf32>
      %add3A_808 = arith.addf %scan3A_799, %mul3A_807 : vector<16xf32>
      %add3A_809 = arith.addf %add3A_808, %scan3A_790 : vector<16xf32>
      %swap3A_810 = arith.index_cast %scan3A_789 : i32 to index
      %swap3A_811 = arith.constant 64 : index
      %swap3A_812 = tpu.vector_load %arg6[%swap3A_810, %swap3A_811] {strides = array<i32>} : memref<514x128xf32, #tpu.memory_space<vmem>>, vector<1x16xf32>,
      %swap3A_813 = vector.shape_cast %swap3A_812 : vector<1x16xf32> to vector<16xf32>
      %swap3A_814 = vector.shape_cast %add3A_809 : vector<16xf32> to vector<1x16xf32>
      tpu.vector_store %arg6[%swap3A_810, %swap3A_811], %swap3A_814 {strides = array<i32>} : memref<514x128xf32, #tpu.memory_space<vmem>>, vector<1x16xf32>,
      %mul3A_815 = arith.mulf %get3A_469, %add3A_809 : vector<16xf32>
      %add3A_816 = arith.addf %scan3A_791, %mul3A_815 : vector<16xf32>
      %mul3A_817 = arith.mulf %get3A_474, %add3A_809 : vector<16xf32>
      %add3A_818 = arith.addf %scan3A_792, %mul3A_817 : vector<16xf32>
      %mul3A_819 = arith.mulf %get3A_479, %add3A_809 : vector<16xf32>
      %add3A_820 = arith.addf %scan3A_793, %mul3A_819 : vector<16xf32>
      %mul3A_821 = arith.mulf %get3A_484, %add3A_809 : vector<16xf32>
      %add3A_822 = arith.addf %scan3A_794, %mul3A_821 : vector<16xf32>
      %mul3A_823 = arith.mulf %get3A_489, %add3A_809 : vector<16xf32>
      %add3A_824 = arith.addf %scan3A_795, %mul3A_823 : vector<16xf32>
      %mul3A_825 = arith.mulf %get3A_494, %add3A_809 : vector<16xf32>
      %add3A_826 = arith.addf %scan3A_796, %mul3A_825 : vector<16xf32>
      %mul3A_827 = arith.mulf %get3A_499, %add3A_809 : vector<16xf32>
      %add3A_828 = arith.addf %scan3A_797, %mul3A_827 : vector<16xf32>
      %mul3A_829 = arith.mulf %get3A_504, %add3A_809 : vector<16xf32>
      %add3A_830 = arith.addf %scan3A_798, %mul3A_829 : vector<16xf32>
      %mul3A_831 = arith.mulf %get3A_509, %add3A_809 : vector<16xf32>
      %mul3A_832 = arith.mulf %get3A_514, %get3A_806 : vector<16xf32>
      %add3A_833 = arith.addf %scan3A_800, %mul3A_832 : vector<16xf32>
      %mul3A_834 = arith.mulf %add3A_464, %get3A_806 : vector<16xf32>
      %scan3A_835 = arith.constant 1 : i32
      %scan3A_836 = arith.addi %scan3A_789, %scan3A_835 : i32
      %add3A_837 = arith.constant 2 : i32
      %add3A_838 = arith.addi %scan3A_836, %add3A_837 : i32
      %get3A_839 = arith.index_cast %add3A_838 : i32 to index
      %get3A_840 = arith.constant 64 : index
      %get3A_841 = tpu.vector_load %arg6[%get3A_839, %get3A_840] {strides = array<i32>} : memref<514x128xf32, #tpu.memory_space<vmem>>, vector<1x16xf32>,
      %get3A_842 = vector.shape_cast %get3A_841 : vector<1x16xf32> to vector<16xf32>
      %mul3A_843 = arith.mulf %get3A_519, %get3A_842 : vector<16xf32>
      %add3A_844 = arith.addf %add3A_833, %mul3A_843 : vector<16xf32>
      %add3A_845 = arith.addf %add3A_844, %add3A_816 : vector<16xf32>
      %swap3A_846 = arith.index_cast %scan3A_836 : i32 to index
      %swap3A_847 = arith.constant 64 : index
      %swap3A_848 = tpu.vector_load %arg6[%swap3A_846, %swap3A_847] {strides = array<i32>} : memref<514x128xf32, #tpu.memory_space<vmem>>, vector<1x16xf32>,
      %swap3A_849 = vector.shape_cast %swap3A_848 : vector<1x16xf32> to vector<16xf32>
      %swap3A_850 = vector.shape_cast %add3A_845 : vector<16xf32> to vector<1x16xf32>
      tpu.vector_store %arg6[%swap3A_846, %swap3A_847], %swap3A_850 {strides = array<i32>} : memref<514x128xf32, #tpu.memory_space<vmem>>, vector<1x16xf32>,
      %mul3A_851 = arith.mulf %get3A_469, %add3A_845 : vector<16xf32>
      %add3A_852 = arith.addf %add3A_818, %mul3A_851 : vector<16xf32>
      %mul3A_853 = arith.mulf %get3A_474, %add3A_845 : vector<16xf32>
      %add3A_854 = arith.addf %add3A_820, %mul3A_853 : vector<16xf32>
      %mul3A_855 = arith.mulf %get3A_479, %add3A_845 : vector<16xf32>
      %add3A_856 = arith.addf %add3A_822, %mul3A_855 : vector<16xf32>
      %mul3A_857 = arith.mulf %get3A_484, %add3A_845 : vector<16xf32>
      %add3A_858 = arith.addf %add3A_824, %mul3A_857 : vector<16xf32>
      %mul3A_859 = arith.mulf %get3A_489, %add3A_845 : vector<16xf32>
      %add3A_860 = arith.addf %add3A_826, %mul3A_859 : vector<16xf32>
      %mul3A_861 = arith.mulf %get3A_494, %add3A_845 : vector<16xf32>
      %add3A_862 = arith.addf %add3A_828, %mul3A_861 : vector<16xf32>
      %mul3A_863 = arith.mulf %get3A_499, %add3A_845 : vector<16xf32>
      %add3A_864 = arith.addf %add3A_830, %mul3A_863 : vector<16xf32>
      %mul3A_865 = arith.mulf %get3A_504, %add3A_845 : vector<16xf32>
      %add3A_866 = arith.addf %mul3A_831, %mul3A_865 : vector<16xf32>
      %mul3A_867 = arith.mulf %get3A_509, %add3A_845 : vector<16xf32>
      %mul3A_868 = arith.mulf %get3A_514, %get3A_842 : vector<16xf32>
      %add3A_869 = arith.addf %mul3A_834, %mul3A_868 : vector<16xf32>
      %mul3A_870 = arith.mulf %add3A_464, %get3A_842 : vector<16xf32>
      %scan3A_871 = arith.constant 2 : i32
      %scan3A_872 = arith.addi %scan3A_789, %scan3A_871 : i32
      %add3A_873 = arith.constant 2 : i32
      %add3A_874 = arith.addi %scan3A_872, %add3A_873 : i32
      %get3A_875 = arith.index_cast %add3A_874 : i32 to index
      %get3A_876 = arith.constant 64 : index
      %get3A_877 = tpu.vector_load %arg6[%get3A_875, %get3A_876] {strides = array<i32>} : memref<514x128xf32, #tpu.memory_space<vmem>>, vector<1x16xf32>,
      %get3A_878 = vector.shape_cast %get3A_877 : vector<1x16xf32> to vector<16xf32>
      %mul3A_879 = arith.mulf %get3A_519, %get3A_878 : vector<16xf32>
      %add3A_880 = arith.addf %add3A_869, %mul3A_879 : vector<16xf32>
      %add3A_881 = arith.addf %add3A_880, %add3A_852 : vector<16xf32>
      %swap3A_882 = arith.index_cast %scan3A_872 : i32 to index
      %swap3A_883 = arith.constant 64 : index
      %swap3A_884 = tpu.vector_load %arg6[%swap3A_882, %swap3A_883] {strides = array<i32>} : memref<514x128xf32, #tpu.memory_space<vmem>>, vector<1x16xf32>,
      %swap3A_885 = vector.shape_cast %swap3A_884 : vector<1x16xf32> to vector<16xf32>
      %swap3A_886 = vector.shape_cast %add3A_881 : vector<16xf32> to vector<1x16xf32>
      tpu.vector_store %arg6[%swap3A_882, %swap3A_883], %swap3A_886 {strides = array<i32>} : memref<514x128xf32, #tpu.memory_space<vmem>>, vector<1x16xf32>,
      %mul3A_887 = arith.mulf %get3A_469, %add3A_881 : vector<16xf32>
      %add3A_888 = arith.addf %add3A_854, %mul3A_887 : vector<16xf32>
      %mul3A_889 = arith.mulf %get3A_474, %add3A_881 : vector<16xf32>
      %add3A_890 = arith.addf %add3A_856, %mul3A_889 : vector<16xf32>
      %mul3A_891 = arith.mulf %get3A_479, %add3A_881 : vector<16xf32>
      %add3A_892 = arith.addf %add3A_858, %mul3A_891 : vector<16xf32>
      %mul3A_893 = arith.mulf %get3A_484, %add3A_881 : vector<16xf32>
      %add3A_894 = arith.addf %add3A_860, %mul3A_893 : vector<16xf32>
      %mul3A_895 = arith.mulf %get3A_489, %add3A_881 : vector<16xf32>
      %add3A_896 = arith.addf %add3A_862, %mul3A_895 : vector<16xf32>
      %mul3A_897 = arith.mulf %get3A_494, %add3A_881 : vector<16xf32>
      %add3A_898 = arith.addf %add3A_864, %mul3A_897 : vector<16xf32>
      %mul3A_899 = arith.mulf %get3A_499, %add3A_881 : vector<16xf32>
      %add3A_900 = arith.addf %add3A_866, %mul3A_899 : vector<16xf32>
      %mul3A_901 = arith.mulf %get3A_504, %add3A_881 : vector<16xf32>
      %add3A_902 = arith.addf %mul3A_867, %mul3A_901 : vector<16xf32>
      %mul3A_903 = arith.mulf %get3A_509, %add3A_881 : vector<16xf32>
      %mul3A_904 = arith.mulf %get3A_514, %get3A_878 : vector<16xf32>
      %add3A_905 = arith.addf %mul3A_870, %mul3A_904 : vector<16xf32>
      %mul3A_906 = arith.mulf %add3A_464, %get3A_878 : vector<16xf32>
      %scan3A_907 = arith.constant 3 : i32
      %scan3A_908 = arith.addi %scan3A_789, %scan3A_907 : i32
      %add3A_909 = arith.constant 2 : i32
      %add3A_910 = arith.addi %scan3A_908, %add3A_909 : i32
      %get3A_911 = arith.index_cast %add3A_910 : i32 to index
      %get3A_912 = arith.constant 64 : index
      %get3A_913 = tpu.vector_load %arg6[%get3A_911, %get3A_912] {strides = array<i32>} : memref<514x128xf32, #tpu.memory_space<vmem>>, vector<1x16xf32>,
      %get3A_914 = vector.shape_cast %get3A_913 : vector<1x16xf32> to vector<16xf32>
      %mul3A_915 = arith.mulf %get3A_519, %get3A_914 : vector<16xf32>
      %add3A_916 = arith.addf %add3A_905, %mul3A_915 : vector<16xf32>
      %add3A_917 = arith.addf %add3A_916, %add3A_888 : vector<16xf32>
      %swap3A_918 = arith.index_cast %scan3A_908 : i32 to index
      %swap3A_919 = arith.constant 64 : index
      %swap3A_920 = tpu.vector_load %arg6[%swap3A_918, %swap3A_919] {strides = array<i32>} : memref<514x128xf32, #tpu.memory_space<vmem>>, vector<1x16xf32>,
      %swap3A_921 = vector.shape_cast %swap3A_920 : vector<1x16xf32> to vector<16xf32>
      %swap3A_922 = vector.shape_cast %add3A_917 : vector<16xf32> to vector<1x16xf32>
      tpu.vector_store %arg6[%swap3A_918, %swap3A_919], %swap3A_922 {strides = array<i32>} : memref<514x128xf32, #tpu.memory_space<vmem>>, vector<1x16xf32>,
      %mul3A_923 = arith.mulf %get3A_469, %add3A_917 : vector<16xf32>
      %add3A_924 = arith.addf %add3A_890, %mul3A_923 : vector<16xf32>
      %mul3A_925 = arith.mulf %get3A_474, %add3A_917 : vector<16xf32>
      %add3A_926 = arith.addf %add3A_892, %mul3A_925 : vector<16xf32>
      %mul3A_927 = arith.mulf %get3A_479, %add3A_917 : vector<16xf32>
      %add3A_928 = arith.addf %add3A_894, %mul3A_927 : vector<16xf32>
      %mul3A_929 = arith.mulf %get3A_484, %add3A_917 : vector<16xf32>
      %add3A_930 = arith.addf %add3A_896, %mul3A_929 : vector<16xf32>
      %mul3A_931 = arith.mulf %get3A_489, %add3A_917 : vector<16xf32>
      %add3A_932 = arith.addf %add3A_898, %mul3A_931 : vector<16xf32>
      %mul3A_933 = arith.mulf %get3A_494, %add3A_917 : vector<16xf32>
      %add3A_934 = arith.addf %add3A_900, %mul3A_933 : vector<16xf32>
      %mul3A_935 = arith.mulf %get3A_499, %add3A_917 : vector<16xf32>
      %add3A_936 = arith.addf %add3A_902, %mul3A_935 : vector<16xf32>
      %mul3A_937 = arith.mulf %get3A_504, %add3A_917 : vector<16xf32>
      %add3A_938 = arith.addf %mul3A_903, %mul3A_937 : vector<16xf32>
      %mul3A_939 = arith.mulf %get3A_509, %add3A_917 : vector<16xf32>
      %mul3A_940 = arith.mulf %get3A_514, %get3A_914 : vector<16xf32>
      %add3A_941 = arith.addf %mul3A_906, %mul3A_940 : vector<16xf32>
      %mul3A_942 = arith.mulf %add3A_464, %get3A_914 : vector<16xf32>
      scf.yield %add3A_924, %add3A_926, %add3A_928, %add3A_930, %add3A_932, %add3A_934, %add3A_936, %add3A_938, %mul3A_939, %add3A_941, %mul3A_942 : vector<16xf32>, vector<16xf32>, vector<16xf32>, vector<16xf32>, vector<16xf32>, vector<16xf32>, vector<16xf32>, vector<16xf32>, vector<16xf32>, vector<16xf32>, vector<16xf32>
    }
    %scan3A_539 = arith.constant 512 : i32
    %get3A_540 = arith.constant 0 : i32
    %get3A_541 = arith.index_cast %get3A_540 : i32 to index
    %get3A_542 = arith.constant 80 : index
    %get3A_543 = tpu.vector_load %arg7[%get3A_541, %get3A_542] {strides = array<i32>} : memref<10x128xf32, #tpu.memory_space<vmem>>, vector<1x16xf32>,
    %get3A_544 = vector.shape_cast %get3A_543 : vector<1x16xf32> to vector<16xf32>
    %add3A_545 = arith.constant 1.000000e+00 : f32
    %add3A_546 = vector.broadcast %add3A_545 : f32 to vector<16xf32>
    %add3A_547 = arith.addf %get3A_544, %add3A_546 : vector<16xf32>
    %get3A_548 = arith.constant 1 : i32
    %get3A_549 = arith.index_cast %get3A_548 : i32 to index
    %get3A_550 = arith.constant 80 : index
    %get3A_551 = tpu.vector_load %arg7[%get3A_549, %get3A_550] {strides = array<i32>} : memref<10x128xf32, #tpu.memory_space<vmem>>, vector<1x16xf32>,
    %get3A_552 = vector.shape_cast %get3A_551 : vector<1x16xf32> to vector<16xf32>
    %get3A_553 = arith.constant 2 : i32
    %get3A_554 = arith.index_cast %get3A_553 : i32 to index
    %get3A_555 = arith.constant 80 : index
    %get3A_556 = tpu.vector_load %arg7[%get3A_554, %get3A_555] {strides = array<i32>} : memref<10x128xf32, #tpu.memory_space<vmem>>, vector<1x16xf32>,
    %get3A_557 = vector.shape_cast %get3A_556 : vector<1x16xf32> to vector<16xf32>
    %get3A_558 = arith.constant 3 : i32
    %get3A_559 = arith.index_cast %get3A_558 : i32 to index
    %get3A_560 = arith.constant 80 : index
    %get3A_561 = tpu.vector_load %arg7[%get3A_559, %get3A_560] {strides = array<i32>} : memref<10x128xf32, #tpu.memory_space<vmem>>, vector<1x16xf32>,
    %get3A_562 = vector.shape_cast %get3A_561 : vector<1x16xf32> to vector<16xf32>
    %get3A_563 = arith.constant 4 : i32
    %get3A_564 = arith.index_cast %get3A_563 : i32 to index
    %get3A_565 = arith.constant 80 : index
    %get3A_566 = tpu.vector_load %arg7[%get3A_564, %get3A_565] {strides = array<i32>} : memref<10x128xf32, #tpu.memory_space<vmem>>, vector<1x16xf32>,
    %get3A_567 = vector.shape_cast %get3A_566 : vector<1x16xf32> to vector<16xf32>
    %get3A_568 = arith.constant 5 : i32
    %get3A_569 = arith.index_cast %get3A_568 : i32 to index
    %get3A_570 = arith.constant 80 : index
    %get3A_571 = tpu.vector_load %arg7[%get3A_569, %get3A_570] {strides = array<i32>} : memref<10x128xf32, #tpu.memory_space<vmem>>, vector<1x16xf32>,
    %get3A_572 = vector.shape_cast %get3A_571 : vector<1x16xf32> to vector<16xf32>
    %get3A_573 = arith.constant 6 : i32
    %get3A_574 = arith.index_cast %get3A_573 : i32 to index
    %get3A_575 = arith.constant 80 : index
    %get3A_576 = tpu.vector_load %arg7[%get3A_574, %get3A_575] {strides = array<i32>} : memref<10x128xf32, #tpu.memory_space<vmem>>, vector<1x16xf32>,
    %get3A_577 = vector.shape_cast %get3A_576 : vector<1x16xf32> to vector<16xf32>
    %get3A_578 = arith.constant 7 : i32
    %get3A_579 = arith.index_cast %get3A_578 : i32 to index
    %get3A_580 = arith.constant 80 : index
    %get3A_581 = tpu.vector_load %arg7[%get3A_579, %get3A_580] {strides = array<i32>} : memref<10x128xf32, #tpu.memory_space<vmem>>, vector<1x16xf32>,
    %get3A_582 = vector.shape_cast %get3A_581 : vector<1x16xf32> to vector<16xf32>
    %get3A_583 = arith.constant 8 : i32
    %get3A_584 = arith.index_cast %get3A_583 : i32 to index
    %get3A_585 = arith.constant 80 : index
    %get3A_586 = tpu.vector_load %arg7[%get3A_584, %get3A_585] {strides = array<i32>} : memref<10x128xf32, #tpu.memory_space<vmem>>, vector<1x16xf32>,
    %get3A_587 = vector.shape_cast %get3A_586 : vector<1x16xf32> to vector<16xf32>
    %get3A_588 = arith.constant 9 : i32
    %get3A_589 = arith.index_cast %get3A_588 : i32 to index
    %get3A_590 = arith.constant 80 : index
    %get3A_591 = tpu.vector_load %arg7[%get3A_589, %get3A_590] {strides = array<i32>} : memref<10x128xf32, #tpu.memory_space<vmem>>, vector<1x16xf32>,
    %get3A_592 = vector.shape_cast %get3A_591 : vector<1x16xf32> to vector<16xf32>
    %get3A_593 = arith.constant 0 : i32
    %get3A_594 = arith.index_cast %get3A_593 : i32 to index
    %get3A_595 = arith.constant 80 : index
    %get3A_596 = tpu.vector_load %arg8[%get3A_594, %get3A_595] {strides = array<i32>} : memref<2x128xf32, #tpu.memory_space<vmem>>, vector<1x16xf32>,
    %get3A_597 = vector.shape_cast %get3A_596 : vector<1x16xf32> to vector<16xf32>
    %get3A_598 = arith.constant 1 : i32
    %get3A_599 = arith.index_cast %get3A_598 : i32 to index
    %get3A_600 = arith.constant 80 : index
    %get3A_601 = tpu.vector_load %arg8[%get3A_599, %get3A_600] {strides = array<i32>} : memref<2x128xf32, #tpu.memory_space<vmem>>, vector<1x16xf32>,
    %get3A_602 = vector.shape_cast %get3A_601 : vector<1x16xf32> to vector<16xf32>
    %get3A_603 = arith.constant 0 : i32
    %get3A_604 = arith.index_cast %get3A_603 : i32 to index
    %get3A_605 = arith.constant 80 : index
    %get3A_606 = tpu.vector_load %arg6[%get3A_604, %get3A_605] {strides = array<i32>} : memref<514x128xf32, #tpu.memory_space<vmem>>, vector<1x16xf32>,
    %get3A_607 = vector.shape_cast %get3A_606 : vector<1x16xf32> to vector<16xf32>
    %get3A_608 = arith.constant 1 : i32
    %get3A_609 = arith.index_cast %get3A_608 : i32 to index
    %get3A_610 = arith.constant 80 : index
    %get3A_611 = tpu.vector_load %arg6[%get3A_609, %get3A_610] {strides = array<i32>} : memref<514x128xf32, #tpu.memory_space<vmem>>, vector<1x16xf32>,
    %get3A_612 = vector.shape_cast %get3A_611 : vector<1x16xf32> to vector<16xf32>
    %mul3A_613 = arith.mulf %add3A_547, %get3A_607 : vector<16xf32>
    %mul3A_614 = arith.mulf %get3A_597, %get3A_612 : vector<16xf32>
    %add3A_615 = arith.addf %mul3A_613, %mul3A_614 : vector<16xf32>
    %mul3A_616 = arith.mulf %add3A_547, %get3A_612 : vector<16xf32>
    %scan3A_617 = arith.constant 0 : i32
    %scan3A_618 = arith.constant 512 : i32
    %scan3A_619 = arith.addi %scan3A_617, %scan3A_618 : i32
    %scan3A_620 = arith.constant 4 : i32
    %scan3A_621:11 = scf.for %scan3A_789 = %scan3A_617 to %scan3A_619 step %scan3A_620 iter_args(%scan3A_790 = %broadcast_in_dim3A_31, %scan3A_791 = %broadcast_in_dim3A_31, %scan3A_792 = %broadcast_in_dim3A_31, %scan3A_793 = %broadcast_in_dim3A_31, %scan3A_794 = %broadcast_in_dim3A_31, %scan3A_795 = %broadcast_in_dim3A_31, %scan3A_796 = %broadcast_in_dim3A_31, %scan3A_797 = %broadcast_in_dim3A_31, %scan3A_798 = %broadcast_in_dim3A_31, %scan3A_799 = %add3A_615, %scan3A_800 = %mul3A_616) -> (vector<16xf32>, vector<16xf32>, vector<16xf32>, vector<16xf32>, vector<16xf32>, vector<16xf32>, vector<16xf32>, vector<16xf32>, vector<16xf32>, vector<16xf32>, vector<16xf32>)  : i32 {
      %add3A_801 = arith.constant 2 : i32
      %add3A_802 = arith.addi %scan3A_789, %add3A_801 : i32
      %get3A_803 = arith.index_cast %add3A_802 : i32 to index
      %get3A_804 = arith.constant 80 : index
      %get3A_805 = tpu.vector_load %arg6[%get3A_803, %get3A_804] {strides = array<i32>} : memref<514x128xf32, #tpu.memory_space<vmem>>, vector<1x16xf32>,
      %get3A_806 = vector.shape_cast %get3A_805 : vector<1x16xf32> to vector<16xf32>
      %mul3A_807 = arith.mulf %get3A_602, %get3A_806 : vector<16xf32>
      %add3A_808 = arith.addf %scan3A_799, %mul3A_807 : vector<16xf32>
      %add3A_809 = arith.addf %add3A_808, %scan3A_790 : vector<16xf32>
      %swap3A_810 = arith.index_cast %scan3A_789 : i32 to index
      %swap3A_811 = arith.constant 80 : index
      %swap3A_812 = tpu.vector_load %arg6[%swap3A_810, %swap3A_811] {strides = array<i32>} : memref<514x128xf32, #tpu.memory_space<vmem>>, vector<1x16xf32>,
      %swap3A_813 = vector.shape_cast %swap3A_812 : vector<1x16xf32> to vector<16xf32>
      %swap3A_814 = vector.shape_cast %add3A_809 : vector<16xf32> to vector<1x16xf32>
      tpu.vector_store %arg6[%swap3A_810, %swap3A_811], %swap3A_814 {strides = array<i32>} : memref<514x128xf32, #tpu.memory_space<vmem>>, vector<1x16xf32>,
      %mul3A_815 = arith.mulf %get3A_552, %add3A_809 : vector<16xf32>
      %add3A_816 = arith.addf %scan3A_791, %mul3A_815 : vector<16xf32>
      %mul3A_817 = arith.mulf %get3A_557, %add3A_809 : vector<16xf32>
      %add3A_818 = arith.addf %scan3A_792, %mul3A_817 : vector<16xf32>
      %mul3A_819 = arith.mulf %get3A_562, %add3A_809 : vector<16xf32>
      %add3A_820 = arith.addf %scan3A_793, %mul3A_819 : vector<16xf32>
      %mul3A_821 = arith.mulf %get3A_567, %add3A_809 : vector<16xf32>
      %add3A_822 = arith.addf %scan3A_794, %mul3A_821 : vector<16xf32>
      %mul3A_823 = arith.mulf %get3A_572, %add3A_809 : vector<16xf32>
      %add3A_824 = arith.addf %scan3A_795, %mul3A_823 : vector<16xf32>
      %mul3A_825 = arith.mulf %get3A_577, %add3A_809 : vector<16xf32>
      %add3A_826 = arith.addf %scan3A_796, %mul3A_825 : vector<16xf32>
      %mul3A_827 = arith.mulf %get3A_582, %add3A_809 : vector<16xf32>
      %add3A_828 = arith.addf %scan3A_797, %mul3A_827 : vector<16xf32>
      %mul3A_829 = arith.mulf %get3A_587, %add3A_809 : vector<16xf32>
      %add3A_830 = arith.addf %scan3A_798, %mul3A_829 : vector<16xf32>
      %mul3A_831 = arith.mulf %get3A_592, %add3A_809 : vector<16xf32>
      %mul3A_832 = arith.mulf %get3A_597, %get3A_806 : vector<16xf32>
      %add3A_833 = arith.addf %scan3A_800, %mul3A_832 : vector<16xf32>
      %mul3A_834 = arith.mulf %add3A_547, %get3A_806 : vector<16xf32>
      %scan3A_835 = arith.constant 1 : i32
      %scan3A_836 = arith.addi %scan3A_789, %scan3A_835 : i32
      %add3A_837 = arith.constant 2 : i32
      %add3A_838 = arith.addi %scan3A_836, %add3A_837 : i32
      %get3A_839 = arith.index_cast %add3A_838 : i32 to index
      %get3A_840 = arith.constant 80 : index
      %get3A_841 = tpu.vector_load %arg6[%get3A_839, %get3A_840] {strides = array<i32>} : memref<514x128xf32, #tpu.memory_space<vmem>>, vector<1x16xf32>,
      %get3A_842 = vector.shape_cast %get3A_841 : vector<1x16xf32> to vector<16xf32>
      %mul3A_843 = arith.mulf %get3A_602, %get3A_842 : vector<16xf32>
      %add3A_844 = arith.addf %add3A_833, %mul3A_843 : vector<16xf32>
      %add3A_845 = arith.addf %add3A_844, %add3A_816 : vector<16xf32>
      %swap3A_846 = arith.index_cast %scan3A_836 : i32 to index
      %swap3A_847 = arith.constant 80 : index
      %swap3A_848 = tpu.vector_load %arg6[%swap3A_846, %swap3A_847] {strides = array<i32>} : memref<514x128xf32, #tpu.memory_space<vmem>>, vector<1x16xf32>,
      %swap3A_849 = vector.shape_cast %swap3A_848 : vector<1x16xf32> to vector<16xf32>
      %swap3A_850 = vector.shape_cast %add3A_845 : vector<16xf32> to vector<1x16xf32>
      tpu.vector_store %arg6[%swap3A_846, %swap3A_847], %swap3A_850 {strides = array<i32>} : memref<514x128xf32, #tpu.memory_space<vmem>>, vector<1x16xf32>,
      %mul3A_851 = arith.mulf %get3A_552, %add3A_845 : vector<16xf32>
      %add3A_852 = arith.addf %add3A_818, %mul3A_851 : vector<16xf32>
      %mul3A_853 = arith.mulf %get3A_557, %add3A_845 : vector<16xf32>
      %add3A_854 = arith.addf %add3A_820, %mul3A_853 : vector<16xf32>
      %mul3A_855 = arith.mulf %get3A_562, %add3A_845 : vector<16xf32>
      %add3A_856 = arith.addf %add3A_822, %mul3A_855 : vector<16xf32>
      %mul3A_857 = arith.mulf %get3A_567, %add3A_845 : vector<16xf32>
      %add3A_858 = arith.addf %add3A_824, %mul3A_857 : vector<16xf32>
      %mul3A_859 = arith.mulf %get3A_572, %add3A_845 : vector<16xf32>
      %add3A_860 = arith.addf %add3A_826, %mul3A_859 : vector<16xf32>
      %mul3A_861 = arith.mulf %get3A_577, %add3A_845 : vector<16xf32>
      %add3A_862 = arith.addf %add3A_828, %mul3A_861 : vector<16xf32>
      %mul3A_863 = arith.mulf %get3A_582, %add3A_845 : vector<16xf32>
      %add3A_864 = arith.addf %add3A_830, %mul3A_863 : vector<16xf32>
      %mul3A_865 = arith.mulf %get3A_587, %add3A_845 : vector<16xf32>
      %add3A_866 = arith.addf %mul3A_831, %mul3A_865 : vector<16xf32>
      %mul3A_867 = arith.mulf %get3A_592, %add3A_845 : vector<16xf32>
      %mul3A_868 = arith.mulf %get3A_597, %get3A_842 : vector<16xf32>
      %add3A_869 = arith.addf %mul3A_834, %mul3A_868 : vector<16xf32>
      %mul3A_870 = arith.mulf %add3A_547, %get3A_842 : vector<16xf32>
      %scan3A_871 = arith.constant 2 : i32
      %scan3A_872 = arith.addi %scan3A_789, %scan3A_871 : i32
      %add3A_873 = arith.constant 2 : i32
      %add3A_874 = arith.addi %scan3A_872, %add3A_873 : i32
      %get3A_875 = arith.index_cast %add3A_874 : i32 to index
      %get3A_876 = arith.constant 80 : index
      %get3A_877 = tpu.vector_load %arg6[%get3A_875, %get3A_876] {strides = array<i32>} : memref<514x128xf32, #tpu.memory_space<vmem>>, vector<1x16xf32>,
      %get3A_878 = vector.shape_cast %get3A_877 : vector<1x16xf32> to vector<16xf32>
      %mul3A_879 = arith.mulf %get3A_602, %get3A_878 : vector<16xf32>
      %add3A_880 = arith.addf %add3A_869, %mul3A_879 : vector<16xf32>
      %add3A_881 = arith.addf %add3A_880, %add3A_852 : vector<16xf32>
      %swap3A_882 = arith.index_cast %scan3A_872 : i32 to index
      %swap3A_883 = arith.constant 80 : index
      %swap3A_884 = tpu.vector_load %arg6[%swap3A_882, %swap3A_883] {strides = array<i32>} : memref<514x128xf32, #tpu.memory_space<vmem>>, vector<1x16xf32>,
      %swap3A_885 = vector.shape_cast %swap3A_884 : vector<1x16xf32> to vector<16xf32>
      %swap3A_886 = vector.shape_cast %add3A_881 : vector<16xf32> to vector<1x16xf32>
      tpu.vector_store %arg6[%swap3A_882, %swap3A_883], %swap3A_886 {strides = array<i32>} : memref<514x128xf32, #tpu.memory_space<vmem>>, vector<1x16xf32>,
      %mul3A_887 = arith.mulf %get3A_552, %add3A_881 : vector<16xf32>
      %add3A_888 = arith.addf %add3A_854, %mul3A_887 : vector<16xf32>
      %mul3A_889 = arith.mulf %get3A_557, %add3A_881 : vector<16xf32>
      %add3A_890 = arith.addf %add3A_856, %mul3A_889 : vector<16xf32>
      %mul3A_891 = arith.mulf %get3A_562, %add3A_881 : vector<16xf32>
      %add3A_892 = arith.addf %add3A_858, %mul3A_891 : vector<16xf32>
      %mul3A_893 = arith.mulf %get3A_567, %add3A_881 : vector<16xf32>
      %add3A_894 = arith.addf %add3A_860, %mul3A_893 : vector<16xf32>
      %mul3A_895 = arith.mulf %get3A_572, %add3A_881 : vector<16xf32>
      %add3A_896 = arith.addf %add3A_862, %mul3A_895 : vector<16xf32>
      %mul3A_897 = arith.mulf %get3A_577, %add3A_881 : vector<16xf32>
      %add3A_898 = arith.addf %add3A_864, %mul3A_897 : vector<16xf32>
      %mul3A_899 = arith.mulf %get3A_582, %add3A_881 : vector<16xf32>
      %add3A_900 = arith.addf %add3A_866, %mul3A_899 : vector<16xf32>
      %mul3A_901 = arith.mulf %get3A_587, %add3A_881 : vector<16xf32>
      %add3A_902 = arith.addf %mul3A_867, %mul3A_901 : vector<16xf32>
      %mul3A_903 = arith.mulf %get3A_592, %add3A_881 : vector<16xf32>
      %mul3A_904 = arith.mulf %get3A_597, %get3A_878 : vector<16xf32>
      %add3A_905 = arith.addf %mul3A_870, %mul3A_904 : vector<16xf32>
      %mul3A_906 = arith.mulf %add3A_547, %get3A_878 : vector<16xf32>
      %scan3A_907 = arith.constant 3 : i32
      %scan3A_908 = arith.addi %scan3A_789, %scan3A_907 : i32
      %add3A_909 = arith.constant 2 : i32
      %add3A_910 = arith.addi %scan3A_908, %add3A_909 : i32
      %get3A_911 = arith.index_cast %add3A_910 : i32 to index
      %get3A_912 = arith.constant 80 : index
      %get3A_913 = tpu.vector_load %arg6[%get3A_911, %get3A_912] {strides = array<i32>} : memref<514x128xf32, #tpu.memory_space<vmem>>, vector<1x16xf32>,
      %get3A_914 = vector.shape_cast %get3A_913 : vector<1x16xf32> to vector<16xf32>
      %mul3A_915 = arith.mulf %get3A_602, %get3A_914 : vector<16xf32>
      %add3A_916 = arith.addf %add3A_905, %mul3A_915 : vector<16xf32>
      %add3A_917 = arith.addf %add3A_916, %add3A_888 : vector<16xf32>
      %swap3A_918 = arith.index_cast %scan3A_908 : i32 to index
      %swap3A_919 = arith.constant 80 : index
      %swap3A_920 = tpu.vector_load %arg6[%swap3A_918, %swap3A_919] {strides = array<i32>} : memref<514x128xf32, #tpu.memory_space<vmem>>, vector<1x16xf32>,
      %swap3A_921 = vector.shape_cast %swap3A_920 : vector<1x16xf32> to vector<16xf32>
      %swap3A_922 = vector.shape_cast %add3A_917 : vector<16xf32> to vector<1x16xf32>
      tpu.vector_store %arg6[%swap3A_918, %swap3A_919], %swap3A_922 {strides = array<i32>} : memref<514x128xf32, #tpu.memory_space<vmem>>, vector<1x16xf32>,
      %mul3A_923 = arith.mulf %get3A_552, %add3A_917 : vector<16xf32>
      %add3A_924 = arith.addf %add3A_890, %mul3A_923 : vector<16xf32>
      %mul3A_925 = arith.mulf %get3A_557, %add3A_917 : vector<16xf32>
      %add3A_926 = arith.addf %add3A_892, %mul3A_925 : vector<16xf32>
      %mul3A_927 = arith.mulf %get3A_562, %add3A_917 : vector<16xf32>
      %add3A_928 = arith.addf %add3A_894, %mul3A_927 : vector<16xf32>
      %mul3A_929 = arith.mulf %get3A_567, %add3A_917 : vector<16xf32>
      %add3A_930 = arith.addf %add3A_896, %mul3A_929 : vector<16xf32>
      %mul3A_931 = arith.mulf %get3A_572, %add3A_917 : vector<16xf32>
      %add3A_932 = arith.addf %add3A_898, %mul3A_931 : vector<16xf32>
      %mul3A_933 = arith.mulf %get3A_577, %add3A_917 : vector<16xf32>
      %add3A_934 = arith.addf %add3A_900, %mul3A_933 : vector<16xf32>
      %mul3A_935 = arith.mulf %get3A_582, %add3A_917 : vector<16xf32>
      %add3A_936 = arith.addf %add3A_902, %mul3A_935 : vector<16xf32>
      %mul3A_937 = arith.mulf %get3A_587, %add3A_917 : vector<16xf32>
      %add3A_938 = arith.addf %mul3A_903, %mul3A_937 : vector<16xf32>
      %mul3A_939 = arith.mulf %get3A_592, %add3A_917 : vector<16xf32>
      %mul3A_940 = arith.mulf %get3A_597, %get3A_914 : vector<16xf32>
      %add3A_941 = arith.addf %mul3A_906, %mul3A_940 : vector<16xf32>
      %mul3A_942 = arith.mulf %add3A_547, %get3A_914 : vector<16xf32>
      scf.yield %add3A_924, %add3A_926, %add3A_928, %add3A_930, %add3A_932, %add3A_934, %add3A_936, %add3A_938, %mul3A_939, %add3A_941, %mul3A_942 : vector<16xf32>, vector<16xf32>, vector<16xf32>, vector<16xf32>, vector<16xf32>, vector<16xf32>, vector<16xf32>, vector<16xf32>, vector<16xf32>, vector<16xf32>, vector<16xf32>
    }
    %scan3A_622 = arith.constant 512 : i32
    %get3A_623 = arith.constant 0 : i32
    %get3A_624 = arith.index_cast %get3A_623 : i32 to index
    %get3A_625 = arith.constant 96 : index
    %get3A_626 = tpu.vector_load %arg7[%get3A_624, %get3A_625] {strides = array<i32>} : memref<10x128xf32, #tpu.memory_space<vmem>>, vector<1x16xf32>,
    %get3A_627 = vector.shape_cast %get3A_626 : vector<1x16xf32> to vector<16xf32>
    %add3A_628 = arith.constant 1.000000e+00 : f32
    %add3A_629 = vector.broadcast %add3A_628 : f32 to vector<16xf32>
    %add3A_630 = arith.addf %get3A_627, %add3A_629 : vector<16xf32>
    %get3A_631 = arith.constant 1 : i32
    %get3A_632 = arith.index_cast %get3A_631 : i32 to index
    %get3A_633 = arith.constant 96 : index
    %get3A_634 = tpu.vector_load %arg7[%get3A_632, %get3A_633] {strides = array<i32>} : memref<10x128xf32, #tpu.memory_space<vmem>>, vector<1x16xf32>,
    %get3A_635 = vector.shape_cast %get3A_634 : vector<1x16xf32> to vector<16xf32>
    %get3A_636 = arith.constant 2 : i32
    %get3A_637 = arith.index_cast %get3A_636 : i32 to index
    %get3A_638 = arith.constant 96 : index
    %get3A_639 = tpu.vector_load %arg7[%get3A_637, %get3A_638] {strides = array<i32>} : memref<10x128xf32, #tpu.memory_space<vmem>>, vector<1x16xf32>,
    %get3A_640 = vector.shape_cast %get3A_639 : vector<1x16xf32> to vector<16xf32>
    %get3A_641 = arith.constant 3 : i32
    %get3A_642 = arith.index_cast %get3A_641 : i32 to index
    %get3A_643 = arith.constant 96 : index
    %get3A_644 = tpu.vector_load %arg7[%get3A_642, %get3A_643] {strides = array<i32>} : memref<10x128xf32, #tpu.memory_space<vmem>>, vector<1x16xf32>,
    %get3A_645 = vector.shape_cast %get3A_644 : vector<1x16xf32> to vector<16xf32>
    %get3A_646 = arith.constant 4 : i32
    %get3A_647 = arith.index_cast %get3A_646 : i32 to index
    %get3A_648 = arith.constant 96 : index
    %get3A_649 = tpu.vector_load %arg7[%get3A_647, %get3A_648] {strides = array<i32>} : memref<10x128xf32, #tpu.memory_space<vmem>>, vector<1x16xf32>,
    %get3A_650 = vector.shape_cast %get3A_649 : vector<1x16xf32> to vector<16xf32>
    %get3A_651 = arith.constant 5 : i32
    %get3A_652 = arith.index_cast %get3A_651 : i32 to index
    %get3A_653 = arith.constant 96 : index
    %get3A_654 = tpu.vector_load %arg7[%get3A_652, %get3A_653] {strides = array<i32>} : memref<10x128xf32, #tpu.memory_space<vmem>>, vector<1x16xf32>,
    %get3A_655 = vector.shape_cast %get3A_654 : vector<1x16xf32> to vector<16xf32>
    %get3A_656 = arith.constant 6 : i32
    %get3A_657 = arith.index_cast %get3A_656 : i32 to index
    %get3A_658 = arith.constant 96 : index
    %get3A_659 = tpu.vector_load %arg7[%get3A_657, %get3A_658] {strides = array<i32>} : memref<10x128xf32, #tpu.memory_space<vmem>>, vector<1x16xf32>,
    %get3A_660 = vector.shape_cast %get3A_659 : vector<1x16xf32> to vector<16xf32>
    %get3A_661 = arith.constant 7 : i32
    %get3A_662 = arith.index_cast %get3A_661 : i32 to index
    %get3A_663 = arith.constant 96 : index
    %get3A_664 = tpu.vector_load %arg7[%get3A_662, %get3A_663] {strides = array<i32>} : memref<10x128xf32, #tpu.memory_space<vmem>>, vector<1x16xf32>,
    %get3A_665 = vector.shape_cast %get3A_664 : vector<1x16xf32> to vector<16xf32>
    %get3A_666 = arith.constant 8 : i32
    %get3A_667 = arith.index_cast %get3A_666 : i32 to index
    %get3A_668 = arith.constant 96 : index
    %get3A_669 = tpu.vector_load %arg7[%get3A_667, %get3A_668] {strides = array<i32>} : memref<10x128xf32, #tpu.memory_space<vmem>>, vector<1x16xf32>,
    %get3A_670 = vector.shape_cast %get3A_669 : vector<1x16xf32> to vector<16xf32>
    %get3A_671 = arith.constant 9 : i32
    %get3A_672 = arith.index_cast %get3A_671 : i32 to index
    %get3A_673 = arith.constant 96 : index
    %get3A_674 = tpu.vector_load %arg7[%get3A_672, %get3A_673] {strides = array<i32>} : memref<10x128xf32, #tpu.memory_space<vmem>>, vector<1x16xf32>,
    %get3A_675 = vector.shape_cast %get3A_674 : vector<1x16xf32> to vector<16xf32>
    %get3A_676 = arith.constant 0 : i32
    %get3A_677 = arith.index_cast %get3A_676 : i32 to index
    %get3A_678 = arith.constant 96 : index
    %get3A_679 = tpu.vector_load %arg8[%get3A_677, %get3A_678] {strides = array<i32>} : memref<2x128xf32, #tpu.memory_space<vmem>>, vector<1x16xf32>,
    %get3A_680 = vector.shape_cast %get3A_679 : vector<1x16xf32> to vector<16xf32>
    %get3A_681 = arith.constant 1 : i32
    %get3A_682 = arith.index_cast %get3A_681 : i32 to index
    %get3A_683 = arith.constant 96 : index
    %get3A_684 = tpu.vector_load %arg8[%get3A_682, %get3A_683] {strides = array<i32>} : memref<2x128xf32, #tpu.memory_space<vmem>>, vector<1x16xf32>,
    %get3A_685 = vector.shape_cast %get3A_684 : vector<1x16xf32> to vector<16xf32>
    %get3A_686 = arith.constant 0 : i32
    %get3A_687 = arith.index_cast %get3A_686 : i32 to index
    %get3A_688 = arith.constant 96 : index
    %get3A_689 = tpu.vector_load %arg6[%get3A_687, %get3A_688] {strides = array<i32>} : memref<514x128xf32, #tpu.memory_space<vmem>>, vector<1x16xf32>,
    %get3A_690 = vector.shape_cast %get3A_689 : vector<1x16xf32> to vector<16xf32>
    %get3A_691 = arith.constant 1 : i32
    %get3A_692 = arith.index_cast %get3A_691 : i32 to index
    %get3A_693 = arith.constant 96 : index
    %get3A_694 = tpu.vector_load %arg6[%get3A_692, %get3A_693] {strides = array<i32>} : memref<514x128xf32, #tpu.memory_space<vmem>>, vector<1x16xf32>,
    %get3A_695 = vector.shape_cast %get3A_694 : vector<1x16xf32> to vector<16xf32>
    %mul3A_696 = arith.mulf %add3A_630, %get3A_690 : vector<16xf32>
    %mul3A_697 = arith.mulf %get3A_680, %get3A_695 : vector<16xf32>
    %add3A_698 = arith.addf %mul3A_696, %mul3A_697 : vector<16xf32>
    %mul3A_699 = arith.mulf %add3A_630, %get3A_695 : vector<16xf32>
    %scan3A_700 = arith.constant 0 : i32
    %scan3A_701 = arith.constant 512 : i32
    %scan3A_702 = arith.addi %scan3A_700, %scan3A_701 : i32
    %scan3A_703 = arith.constant 4 : i32
    %scan3A_704:11 = scf.for %scan3A_789 = %scan3A_700 to %scan3A_702 step %scan3A_703 iter_args(%scan3A_790 = %broadcast_in_dim3A_31, %scan3A_791 = %broadcast_in_dim3A_31, %scan3A_792 = %broadcast_in_dim3A_31, %scan3A_793 = %broadcast_in_dim3A_31, %scan3A_794 = %broadcast_in_dim3A_31, %scan3A_795 = %broadcast_in_dim3A_31, %scan3A_796 = %broadcast_in_dim3A_31, %scan3A_797 = %broadcast_in_dim3A_31, %scan3A_798 = %broadcast_in_dim3A_31, %scan3A_799 = %add3A_698, %scan3A_800 = %mul3A_699) -> (vector<16xf32>, vector<16xf32>, vector<16xf32>, vector<16xf32>, vector<16xf32>, vector<16xf32>, vector<16xf32>, vector<16xf32>, vector<16xf32>, vector<16xf32>, vector<16xf32>)  : i32 {
      %add3A_801 = arith.constant 2 : i32
      %add3A_802 = arith.addi %scan3A_789, %add3A_801 : i32
      %get3A_803 = arith.index_cast %add3A_802 : i32 to index
      %get3A_804 = arith.constant 96 : index
      %get3A_805 = tpu.vector_load %arg6[%get3A_803, %get3A_804] {strides = array<i32>} : memref<514x128xf32, #tpu.memory_space<vmem>>, vector<1x16xf32>,
      %get3A_806 = vector.shape_cast %get3A_805 : vector<1x16xf32> to vector<16xf32>
      %mul3A_807 = arith.mulf %get3A_685, %get3A_806 : vector<16xf32>
      %add3A_808 = arith.addf %scan3A_799, %mul3A_807 : vector<16xf32>
      %add3A_809 = arith.addf %add3A_808, %scan3A_790 : vector<16xf32>
      %swap3A_810 = arith.index_cast %scan3A_789 : i32 to index
      %swap3A_811 = arith.constant 96 : index
      %swap3A_812 = tpu.vector_load %arg6[%swap3A_810, %swap3A_811] {strides = array<i32>} : memref<514x128xf32, #tpu.memory_space<vmem>>, vector<1x16xf32>,
      %swap3A_813 = vector.shape_cast %swap3A_812 : vector<1x16xf32> to vector<16xf32>
      %swap3A_814 = vector.shape_cast %add3A_809 : vector<16xf32> to vector<1x16xf32>
      tpu.vector_store %arg6[%swap3A_810, %swap3A_811], %swap3A_814 {strides = array<i32>} : memref<514x128xf32, #tpu.memory_space<vmem>>, vector<1x16xf32>,
      %mul3A_815 = arith.mulf %get3A_635, %add3A_809 : vector<16xf32>
      %add3A_816 = arith.addf %scan3A_791, %mul3A_815 : vector<16xf32>
      %mul3A_817 = arith.mulf %get3A_640, %add3A_809 : vector<16xf32>
      %add3A_818 = arith.addf %scan3A_792, %mul3A_817 : vector<16xf32>
      %mul3A_819 = arith.mulf %get3A_645, %add3A_809 : vector<16xf32>
      %add3A_820 = arith.addf %scan3A_793, %mul3A_819 : vector<16xf32>
      %mul3A_821 = arith.mulf %get3A_650, %add3A_809 : vector<16xf32>
      %add3A_822 = arith.addf %scan3A_794, %mul3A_821 : vector<16xf32>
      %mul3A_823 = arith.mulf %get3A_655, %add3A_809 : vector<16xf32>
      %add3A_824 = arith.addf %scan3A_795, %mul3A_823 : vector<16xf32>
      %mul3A_825 = arith.mulf %get3A_660, %add3A_809 : vector<16xf32>
      %add3A_826 = arith.addf %scan3A_796, %mul3A_825 : vector<16xf32>
      %mul3A_827 = arith.mulf %get3A_665, %add3A_809 : vector<16xf32>
      %add3A_828 = arith.addf %scan3A_797, %mul3A_827 : vector<16xf32>
      %mul3A_829 = arith.mulf %get3A_670, %add3A_809 : vector<16xf32>
      %add3A_830 = arith.addf %scan3A_798, %mul3A_829 : vector<16xf32>
      %mul3A_831 = arith.mulf %get3A_675, %add3A_809 : vector<16xf32>
      %mul3A_832 = arith.mulf %get3A_680, %get3A_806 : vector<16xf32>
      %add3A_833 = arith.addf %scan3A_800, %mul3A_832 : vector<16xf32>
      %mul3A_834 = arith.mulf %add3A_630, %get3A_806 : vector<16xf32>
      %scan3A_835 = arith.constant 1 : i32
      %scan3A_836 = arith.addi %scan3A_789, %scan3A_835 : i32
      %add3A_837 = arith.constant 2 : i32
      %add3A_838 = arith.addi %scan3A_836, %add3A_837 : i32
      %get3A_839 = arith.index_cast %add3A_838 : i32 to index
      %get3A_840 = arith.constant 96 : index
      %get3A_841 = tpu.vector_load %arg6[%get3A_839, %get3A_840] {strides = array<i32>} : memref<514x128xf32, #tpu.memory_space<vmem>>, vector<1x16xf32>,
      %get3A_842 = vector.shape_cast %get3A_841 : vector<1x16xf32> to vector<16xf32>
      %mul3A_843 = arith.mulf %get3A_685, %get3A_842 : vector<16xf32>
      %add3A_844 = arith.addf %add3A_833, %mul3A_843 : vector<16xf32>
      %add3A_845 = arith.addf %add3A_844, %add3A_816 : vector<16xf32>
      %swap3A_846 = arith.index_cast %scan3A_836 : i32 to index
      %swap3A_847 = arith.constant 96 : index
      %swap3A_848 = tpu.vector_load %arg6[%swap3A_846, %swap3A_847] {strides = array<i32>} : memref<514x128xf32, #tpu.memory_space<vmem>>, vector<1x16xf32>,
      %swap3A_849 = vector.shape_cast %swap3A_848 : vector<1x16xf32> to vector<16xf32>
      %swap3A_850 = vector.shape_cast %add3A_845 : vector<16xf32> to vector<1x16xf32>
      tpu.vector_store %arg6[%swap3A_846, %swap3A_847], %swap3A_850 {strides = array<i32>} : memref<514x128xf32, #tpu.memory_space<vmem>>, vector<1x16xf32>,
      %mul3A_851 = arith.mulf %get3A_635, %add3A_845 : vector<16xf32>
      %add3A_852 = arith.addf %add3A_818, %mul3A_851 : vector<16xf32>
      %mul3A_853 = arith.mulf %get3A_640, %add3A_845 : vector<16xf32>
      %add3A_854 = arith.addf %add3A_820, %mul3A_853 : vector<16xf32>
      %mul3A_855 = arith.mulf %get3A_645, %add3A_845 : vector<16xf32>
      %add3A_856 = arith.addf %add3A_822, %mul3A_855 : vector<16xf32>
      %mul3A_857 = arith.mulf %get3A_650, %add3A_845 : vector<16xf32>
      %add3A_858 = arith.addf %add3A_824, %mul3A_857 : vector<16xf32>
      %mul3A_859 = arith.mulf %get3A_655, %add3A_845 : vector<16xf32>
      %add3A_860 = arith.addf %add3A_826, %mul3A_859 : vector<16xf32>
      %mul3A_861 = arith.mulf %get3A_660, %add3A_845 : vector<16xf32>
      %add3A_862 = arith.addf %add3A_828, %mul3A_861 : vector<16xf32>
      %mul3A_863 = arith.mulf %get3A_665, %add3A_845 : vector<16xf32>
      %add3A_864 = arith.addf %add3A_830, %mul3A_863 : vector<16xf32>
      %mul3A_865 = arith.mulf %get3A_670, %add3A_845 : vector<16xf32>
      %add3A_866 = arith.addf %mul3A_831, %mul3A_865 : vector<16xf32>
      %mul3A_867 = arith.mulf %get3A_675, %add3A_845 : vector<16xf32>
      %mul3A_868 = arith.mulf %get3A_680, %get3A_842 : vector<16xf32>
      %add3A_869 = arith.addf %mul3A_834, %mul3A_868 : vector<16xf32>
      %mul3A_870 = arith.mulf %add3A_630, %get3A_842 : vector<16xf32>
      %scan3A_871 = arith.constant 2 : i32
      %scan3A_872 = arith.addi %scan3A_789, %scan3A_871 : i32
      %add3A_873 = arith.constant 2 : i32
      %add3A_874 = arith.addi %scan3A_872, %add3A_873 : i32
      %get3A_875 = arith.index_cast %add3A_874 : i32 to index
      %get3A_876 = arith.constant 96 : index
      %get3A_877 = tpu.vector_load %arg6[%get3A_875, %get3A_876] {strides = array<i32>} : memref<514x128xf32, #tpu.memory_space<vmem>>, vector<1x16xf32>,
      %get3A_878 = vector.shape_cast %get3A_877 : vector<1x16xf32> to vector<16xf32>
      %mul3A_879 = arith.mulf %get3A_685, %get3A_878 : vector<16xf32>
      %add3A_880 = arith.addf %add3A_869, %mul3A_879 : vector<16xf32>
      %add3A_881 = arith.addf %add3A_880, %add3A_852 : vector<16xf32>
      %swap3A_882 = arith.index_cast %scan3A_872 : i32 to index
      %swap3A_883 = arith.constant 96 : index
      %swap3A_884 = tpu.vector_load %arg6[%swap3A_882, %swap3A_883] {strides = array<i32>} : memref<514x128xf32, #tpu.memory_space<vmem>>, vector<1x16xf32>,
      %swap3A_885 = vector.shape_cast %swap3A_884 : vector<1x16xf32> to vector<16xf32>
      %swap3A_886 = vector.shape_cast %add3A_881 : vector<16xf32> to vector<1x16xf32>
      tpu.vector_store %arg6[%swap3A_882, %swap3A_883], %swap3A_886 {strides = array<i32>} : memref<514x128xf32, #tpu.memory_space<vmem>>, vector<1x16xf32>,
      %mul3A_887 = arith.mulf %get3A_635, %add3A_881 : vector<16xf32>
      %add3A_888 = arith.addf %add3A_854, %mul3A_887 : vector<16xf32>
      %mul3A_889 = arith.mulf %get3A_640, %add3A_881 : vector<16xf32>
      %add3A_890 = arith.addf %add3A_856, %mul3A_889 : vector<16xf32>
      %mul3A_891 = arith.mulf %get3A_645, %add3A_881 : vector<16xf32>
      %add3A_892 = arith.addf %add3A_858, %mul3A_891 : vector<16xf32>
      %mul3A_893 = arith.mulf %get3A_650, %add3A_881 : vector<16xf32>
      %add3A_894 = arith.addf %add3A_860, %mul3A_893 : vector<16xf32>
      %mul3A_895 = arith.mulf %get3A_655, %add3A_881 : vector<16xf32>
      %add3A_896 = arith.addf %add3A_862, %mul3A_895 : vector<16xf32>
      %mul3A_897 = arith.mulf %get3A_660, %add3A_881 : vector<16xf32>
      %add3A_898 = arith.addf %add3A_864, %mul3A_897 : vector<16xf32>
      %mul3A_899 = arith.mulf %get3A_665, %add3A_881 : vector<16xf32>
      %add3A_900 = arith.addf %add3A_866, %mul3A_899 : vector<16xf32>
      %mul3A_901 = arith.mulf %get3A_670, %add3A_881 : vector<16xf32>
      %add3A_902 = arith.addf %mul3A_867, %mul3A_901 : vector<16xf32>
      %mul3A_903 = arith.mulf %get3A_675, %add3A_881 : vector<16xf32>
      %mul3A_904 = arith.mulf %get3A_680, %get3A_878 : vector<16xf32>
      %add3A_905 = arith.addf %mul3A_870, %mul3A_904 : vector<16xf32>
      %mul3A_906 = arith.mulf %add3A_630, %get3A_878 : vector<16xf32>
      %scan3A_907 = arith.constant 3 : i32
      %scan3A_908 = arith.addi %scan3A_789, %scan3A_907 : i32
      %add3A_909 = arith.constant 2 : i32
      %add3A_910 = arith.addi %scan3A_908, %add3A_909 : i32
      %get3A_911 = arith.index_cast %add3A_910 : i32 to index
      %get3A_912 = arith.constant 96 : index
      %get3A_913 = tpu.vector_load %arg6[%get3A_911, %get3A_912] {strides = array<i32>} : memref<514x128xf32, #tpu.memory_space<vmem>>, vector<1x16xf32>,
      %get3A_914 = vector.shape_cast %get3A_913 : vector<1x16xf32> to vector<16xf32>
      %mul3A_915 = arith.mulf %get3A_685, %get3A_914 : vector<16xf32>
      %add3A_916 = arith.addf %add3A_905, %mul3A_915 : vector<16xf32>
      %add3A_917 = arith.addf %add3A_916, %add3A_888 : vector<16xf32>
      %swap3A_918 = arith.index_cast %scan3A_908 : i32 to index
      %swap3A_919 = arith.constant 96 : index
      %swap3A_920 = tpu.vector_load %arg6[%swap3A_918, %swap3A_919] {strides = array<i32>} : memref<514x128xf32, #tpu.memory_space<vmem>>, vector<1x16xf32>,
      %swap3A_921 = vector.shape_cast %swap3A_920 : vector<1x16xf32> to vector<16xf32>
      %swap3A_922 = vector.shape_cast %add3A_917 : vector<16xf32> to vector<1x16xf32>
      tpu.vector_store %arg6[%swap3A_918, %swap3A_919], %swap3A_922 {strides = array<i32>} : memref<514x128xf32, #tpu.memory_space<vmem>>, vector<1x16xf32>,
      %mul3A_923 = arith.mulf %get3A_635, %add3A_917 : vector<16xf32>
      %add3A_924 = arith.addf %add3A_890, %mul3A_923 : vector<16xf32>
      %mul3A_925 = arith.mulf %get3A_640, %add3A_917 : vector<16xf32>
      %add3A_926 = arith.addf %add3A_892, %mul3A_925 : vector<16xf32>
      %mul3A_927 = arith.mulf %get3A_645, %add3A_917 : vector<16xf32>
      %add3A_928 = arith.addf %add3A_894, %mul3A_927 : vector<16xf32>
      %mul3A_929 = arith.mulf %get3A_650, %add3A_917 : vector<16xf32>
      %add3A_930 = arith.addf %add3A_896, %mul3A_929 : vector<16xf32>
      %mul3A_931 = arith.mulf %get3A_655, %add3A_917 : vector<16xf32>
      %add3A_932 = arith.addf %add3A_898, %mul3A_931 : vector<16xf32>
      %mul3A_933 = arith.mulf %get3A_660, %add3A_917 : vector<16xf32>
      %add3A_934 = arith.addf %add3A_900, %mul3A_933 : vector<16xf32>
      %mul3A_935 = arith.mulf %get3A_665, %add3A_917 : vector<16xf32>
      %add3A_936 = arith.addf %add3A_902, %mul3A_935 : vector<16xf32>
      %mul3A_937 = arith.mulf %get3A_670, %add3A_917 : vector<16xf32>
      %add3A_938 = arith.addf %mul3A_903, %mul3A_937 : vector<16xf32>
      %mul3A_939 = arith.mulf %get3A_675, %add3A_917 : vector<16xf32>
      %mul3A_940 = arith.mulf %get3A_680, %get3A_914 : vector<16xf32>
      %add3A_941 = arith.addf %mul3A_906, %mul3A_940 : vector<16xf32>
      %mul3A_942 = arith.mulf %add3A_630, %get3A_914 : vector<16xf32>
      scf.yield %add3A_924, %add3A_926, %add3A_928, %add3A_930, %add3A_932, %add3A_934, %add3A_936, %add3A_938, %mul3A_939, %add3A_941, %mul3A_942 : vector<16xf32>, vector<16xf32>, vector<16xf32>, vector<16xf32>, vector<16xf32>, vector<16xf32>, vector<16xf32>, vector<16xf32>, vector<16xf32>, vector<16xf32>, vector<16xf32>
    }
    %scan3A_705 = arith.constant 512 : i32
    %get3A_706 = arith.constant 0 : i32
    %get3A_707 = arith.index_cast %get3A_706 : i32 to index
    %get3A_708 = arith.constant 112 : index
    %get3A_709 = tpu.vector_load %arg7[%get3A_707, %get3A_708] {strides = array<i32>} : memref<10x128xf32, #tpu.memory_space<vmem>>, vector<1x16xf32>,
    %get3A_710 = vector.shape_cast %get3A_709 : vector<1x16xf32> to vector<16xf32>
    %add3A_711 = arith.constant 1.000000e+00 : f32
    %add3A_712 = vector.broadcast %add3A_711 : f32 to vector<16xf32>
    %add3A_713 = arith.addf %get3A_710, %add3A_712 : vector<16xf32>
    %get3A_714 = arith.constant 1 : i32
    %get3A_715 = arith.index_cast %get3A_714 : i32 to index
    %get3A_716 = arith.constant 112 : index
    %get3A_717 = tpu.vector_load %arg7[%get3A_715, %get3A_716] {strides = array<i32>} : memref<10x128xf32, #tpu.memory_space<vmem>>, vector<1x16xf32>,
    %get3A_718 = vector.shape_cast %get3A_717 : vector<1x16xf32> to vector<16xf32>
    %get3A_719 = arith.constant 2 : i32
    %get3A_720 = arith.index_cast %get3A_719 : i32 to index
    %get3A_721 = arith.constant 112 : index
    %get3A_722 = tpu.vector_load %arg7[%get3A_720, %get3A_721] {strides = array<i32>} : memref<10x128xf32, #tpu.memory_space<vmem>>, vector<1x16xf32>,
    %get3A_723 = vector.shape_cast %get3A_722 : vector<1x16xf32> to vector<16xf32>
    %get3A_724 = arith.constant 3 : i32
    %get3A_725 = arith.index_cast %get3A_724 : i32 to index
    %get3A_726 = arith.constant 112 : index
    %get3A_727 = tpu.vector_load %arg7[%get3A_725, %get3A_726] {strides = array<i32>} : memref<10x128xf32, #tpu.memory_space<vmem>>, vector<1x16xf32>,
    %get3A_728 = vector.shape_cast %get3A_727 : vector<1x16xf32> to vector<16xf32>
    %get3A_729 = arith.constant 4 : i32
    %get3A_730 = arith.index_cast %get3A_729 : i32 to index
    %get3A_731 = arith.constant 112 : index
    %get3A_732 = tpu.vector_load %arg7[%get3A_730, %get3A_731] {strides = array<i32>} : memref<10x128xf32, #tpu.memory_space<vmem>>, vector<1x16xf32>,
    %get3A_733 = vector.shape_cast %get3A_732 : vector<1x16xf32> to vector<16xf32>
    %get3A_734 = arith.constant 5 : i32
    %get3A_735 = arith.index_cast %get3A_734 : i32 to index
    %get3A_736 = arith.constant 112 : index
    %get3A_737 = tpu.vector_load %arg7[%get3A_735, %get3A_736] {strides = array<i32>} : memref<10x128xf32, #tpu.memory_space<vmem>>, vector<1x16xf32>,
    %get3A_738 = vector.shape_cast %get3A_737 : vector<1x16xf32> to vector<16xf32>
    %get3A_739 = arith.constant 6 : i32
    %get3A_740 = arith.index_cast %get3A_739 : i32 to index
    %get3A_741 = arith.constant 112 : index
    %get3A_742 = tpu.vector_load %arg7[%get3A_740, %get3A_741] {strides = array<i32>} : memref<10x128xf32, #tpu.memory_space<vmem>>, vector<1x16xf32>,
    %get3A_743 = vector.shape_cast %get3A_742 : vector<1x16xf32> to vector<16xf32>
    %get3A_744 = arith.constant 7 : i32
    %get3A_745 = arith.index_cast %get3A_744 : i32 to index
    %get3A_746 = arith.constant 112 : index
    %get3A_747 = tpu.vector_load %arg7[%get3A_745, %get3A_746] {strides = array<i32>} : memref<10x128xf32, #tpu.memory_space<vmem>>, vector<1x16xf32>,
    %get3A_748 = vector.shape_cast %get3A_747 : vector<1x16xf32> to vector<16xf32>
    %get3A_749 = arith.constant 8 : i32
    %get3A_750 = arith.index_cast %get3A_749 : i32 to index
    %get3A_751 = arith.constant 112 : index
    %get3A_752 = tpu.vector_load %arg7[%get3A_750, %get3A_751] {strides = array<i32>} : memref<10x128xf32, #tpu.memory_space<vmem>>, vector<1x16xf32>,
    %get3A_753 = vector.shape_cast %get3A_752 : vector<1x16xf32> to vector<16xf32>
    %get3A_754 = arith.constant 9 : i32
    %get3A_755 = arith.index_cast %get3A_754 : i32 to index
    %get3A_756 = arith.constant 112 : index
    %get3A_757 = tpu.vector_load %arg7[%get3A_755, %get3A_756] {strides = array<i32>} : memref<10x128xf32, #tpu.memory_space<vmem>>, vector<1x16xf32>,
    %get3A_758 = vector.shape_cast %get3A_757 : vector<1x16xf32> to vector<16xf32>
    %get3A_759 = arith.constant 0 : i32
    %get3A_760 = arith.index_cast %get3A_759 : i32 to index
    %get3A_761 = arith.constant 112 : index
    %get3A_762 = tpu.vector_load %arg8[%get3A_760, %get3A_761] {strides = array<i32>} : memref<2x128xf32, #tpu.memory_space<vmem>>, vector<1x16xf32>,
    %get3A_763 = vector.shape_cast %get3A_762 : vector<1x16xf32> to vector<16xf32>
    %get3A_764 = arith.constant 1 : i32
    %get3A_765 = arith.index_cast %get3A_764 : i32 to index
    %get3A_766 = arith.constant 112 : index
    %get3A_767 = tpu.vector_load %arg8[%get3A_765, %get3A_766] {strides = array<i32>} : memref<2x128xf32, #tpu.memory_space<vmem>>, vector<1x16xf32>,
    %get3A_768 = vector.shape_cast %get3A_767 : vector<1x16xf32> to vector<16xf32>
    %get3A_769 = arith.constant 0 : i32
    %get3A_770 = arith.index_cast %get3A_769 : i32 to index
    %get3A_771 = arith.constant 112 : index
    %get3A_772 = tpu.vector_load %arg6[%get3A_770, %get3A_771] {strides = array<i32>} : memref<514x128xf32, #tpu.memory_space<vmem>>, vector<1x16xf32>,
    %get3A_773 = vector.shape_cast %get3A_772 : vector<1x16xf32> to vector<16xf32>
    %get3A_774 = arith.constant 1 : i32
    %get3A_775 = arith.index_cast %get3A_774 : i32 to index
    %get3A_776 = arith.constant 112 : index
    %get3A_777 = tpu.vector_load %arg6[%get3A_775, %get3A_776] {strides = array<i32>} : memref<514x128xf32, #tpu.memory_space<vmem>>, vector<1x16xf32>,
    %get3A_778 = vector.shape_cast %get3A_777 : vector<1x16xf32> to vector<16xf32>
    %mul3A_779 = arith.mulf %add3A_713, %get3A_773 : vector<16xf32>
    %mul3A_780 = arith.mulf %get3A_763, %get3A_778 : vector<16xf32>
    %add3A_781 = arith.addf %mul3A_779, %mul3A_780 : vector<16xf32>
    %mul3A_782 = arith.mulf %add3A_713, %get3A_778 : vector<16xf32>
    %scan3A_783 = arith.constant 0 : i32
    %scan3A_784 = arith.constant 512 : i32
    %scan3A_785 = arith.addi %scan3A_783, %scan3A_784 : i32
    %scan3A_786 = arith.constant 4 : i32
    %scan3A_787:11 = scf.for %scan3A_789 = %scan3A_783 to %scan3A_785 step %scan3A_786 iter_args(%scan3A_790 = %broadcast_in_dim3A_31, %scan3A_791 = %broadcast_in_dim3A_31, %scan3A_792 = %broadcast_in_dim3A_31, %scan3A_793 = %broadcast_in_dim3A_31, %scan3A_794 = %broadcast_in_dim3A_31, %scan3A_795 = %broadcast_in_dim3A_31, %scan3A_796 = %broadcast_in_dim3A_31, %scan3A_797 = %broadcast_in_dim3A_31, %scan3A_798 = %broadcast_in_dim3A_31, %scan3A_799 = %add3A_781, %scan3A_800 = %mul3A_782) -> (vector<16xf32>, vector<16xf32>, vector<16xf32>, vector<16xf32>, vector<16xf32>, vector<16xf32>, vector<16xf32>, vector<16xf32>, vector<16xf32>, vector<16xf32>, vector<16xf32>)  : i32 {
      %add3A_801 = arith.constant 2 : i32
      %add3A_802 = arith.addi %scan3A_789, %add3A_801 : i32
      %get3A_803 = arith.index_cast %add3A_802 : i32 to index
      %get3A_804 = arith.constant 112 : index
      %get3A_805 = tpu.vector_load %arg6[%get3A_803, %get3A_804] {strides = array<i32>} : memref<514x128xf32, #tpu.memory_space<vmem>>, vector<1x16xf32>,
      %get3A_806 = vector.shape_cast %get3A_805 : vector<1x16xf32> to vector<16xf32>
      %mul3A_807 = arith.mulf %get3A_768, %get3A_806 : vector<16xf32>
      %add3A_808 = arith.addf %scan3A_799, %mul3A_807 : vector<16xf32>
      %add3A_809 = arith.addf %add3A_808, %scan3A_790 : vector<16xf32>
      %swap3A_810 = arith.index_cast %scan3A_789 : i32 to index
      %swap3A_811 = arith.constant 112 : index
      %swap3A_812 = tpu.vector_load %arg6[%swap3A_810, %swap3A_811] {strides = array<i32>} : memref<514x128xf32, #tpu.memory_space<vmem>>, vector<1x16xf32>,
      %swap3A_813 = vector.shape_cast %swap3A_812 : vector<1x16xf32> to vector<16xf32>
      %swap3A_814 = vector.shape_cast %add3A_809 : vector<16xf32> to vector<1x16xf32>
      tpu.vector_store %arg6[%swap3A_810, %swap3A_811], %swap3A_814 {strides = array<i32>} : memref<514x128xf32, #tpu.memory_space<vmem>>, vector<1x16xf32>,
      %mul3A_815 = arith.mulf %get3A_718, %add3A_809 : vector<16xf32>
      %add3A_816 = arith.addf %scan3A_791, %mul3A_815 : vector<16xf32>
      %mul3A_817 = arith.mulf %get3A_723, %add3A_809 : vector<16xf32>
      %add3A_818 = arith.addf %scan3A_792, %mul3A_817 : vector<16xf32>
      %mul3A_819 = arith.mulf %get3A_728, %add3A_809 : vector<16xf32>
      %add3A_820 = arith.addf %scan3A_793, %mul3A_819 : vector<16xf32>
      %mul3A_821 = arith.mulf %get3A_733, %add3A_809 : vector<16xf32>
      %add3A_822 = arith.addf %scan3A_794, %mul3A_821 : vector<16xf32>
      %mul3A_823 = arith.mulf %get3A_738, %add3A_809 : vector<16xf32>
      %add3A_824 = arith.addf %scan3A_795, %mul3A_823 : vector<16xf32>
      %mul3A_825 = arith.mulf %get3A_743, %add3A_809 : vector<16xf32>
      %add3A_826 = arith.addf %scan3A_796, %mul3A_825 : vector<16xf32>
      %mul3A_827 = arith.mulf %get3A_748, %add3A_809 : vector<16xf32>
      %add3A_828 = arith.addf %scan3A_797, %mul3A_827 : vector<16xf32>
      %mul3A_829 = arith.mulf %get3A_753, %add3A_809 : vector<16xf32>
      %add3A_830 = arith.addf %scan3A_798, %mul3A_829 : vector<16xf32>
      %mul3A_831 = arith.mulf %get3A_758, %add3A_809 : vector<16xf32>
      %mul3A_832 = arith.mulf %get3A_763, %get3A_806 : vector<16xf32>
      %add3A_833 = arith.addf %scan3A_800, %mul3A_832 : vector<16xf32>
      %mul3A_834 = arith.mulf %add3A_713, %get3A_806 : vector<16xf32>
      %scan3A_835 = arith.constant 1 : i32
      %scan3A_836 = arith.addi %scan3A_789, %scan3A_835 : i32
      %add3A_837 = arith.constant 2 : i32
      %add3A_838 = arith.addi %scan3A_836, %add3A_837 : i32
      %get3A_839 = arith.index_cast %add3A_838 : i32 to index
      %get3A_840 = arith.constant 112 : index
      %get3A_841 = tpu.vector_load %arg6[%get3A_839, %get3A_840] {strides = array<i32>} : memref<514x128xf32, #tpu.memory_space<vmem>>, vector<1x16xf32>,
      %get3A_842 = vector.shape_cast %get3A_841 : vector<1x16xf32> to vector<16xf32>
      %mul3A_843 = arith.mulf %get3A_768, %get3A_842 : vector<16xf32>
      %add3A_844 = arith.addf %add3A_833, %mul3A_843 : vector<16xf32>
      %add3A_845 = arith.addf %add3A_844, %add3A_816 : vector<16xf32>
      %swap3A_846 = arith.index_cast %scan3A_836 : i32 to index
      %swap3A_847 = arith.constant 112 : index
      %swap3A_848 = tpu.vector_load %arg6[%swap3A_846, %swap3A_847] {strides = array<i32>} : memref<514x128xf32, #tpu.memory_space<vmem>>, vector<1x16xf32>,
      %swap3A_849 = vector.shape_cast %swap3A_848 : vector<1x16xf32> to vector<16xf32>
      %swap3A_850 = vector.shape_cast %add3A_845 : vector<16xf32> to vector<1x16xf32>
      tpu.vector_store %arg6[%swap3A_846, %swap3A_847], %swap3A_850 {strides = array<i32>} : memref<514x128xf32, #tpu.memory_space<vmem>>, vector<1x16xf32>,
      %mul3A_851 = arith.mulf %get3A_718, %add3A_845 : vector<16xf32>
      %add3A_852 = arith.addf %add3A_818, %mul3A_851 : vector<16xf32>
      %mul3A_853 = arith.mulf %get3A_723, %add3A_845 : vector<16xf32>
      %add3A_854 = arith.addf %add3A_820, %mul3A_853 : vector<16xf32>
      %mul3A_855 = arith.mulf %get3A_728, %add3A_845 : vector<16xf32>
      %add3A_856 = arith.addf %add3A_822, %mul3A_855 : vector<16xf32>
      %mul3A_857 = arith.mulf %get3A_733, %add3A_845 : vector<16xf32>
      %add3A_858 = arith.addf %add3A_824, %mul3A_857 : vector<16xf32>
      %mul3A_859 = arith.mulf %get3A_738, %add3A_845 : vector<16xf32>
      %add3A_860 = arith.addf %add3A_826, %mul3A_859 : vector<16xf32>
      %mul3A_861 = arith.mulf %get3A_743, %add3A_845 : vector<16xf32>
      %add3A_862 = arith.addf %add3A_828, %mul3A_861 : vector<16xf32>
      %mul3A_863 = arith.mulf %get3A_748, %add3A_845 : vector<16xf32>
      %add3A_864 = arith.addf %add3A_830, %mul3A_863 : vector<16xf32>
      %mul3A_865 = arith.mulf %get3A_753, %add3A_845 : vector<16xf32>
      %add3A_866 = arith.addf %mul3A_831, %mul3A_865 : vector<16xf32>
      %mul3A_867 = arith.mulf %get3A_758, %add3A_845 : vector<16xf32>
      %mul3A_868 = arith.mulf %get3A_763, %get3A_842 : vector<16xf32>
      %add3A_869 = arith.addf %mul3A_834, %mul3A_868 : vector<16xf32>
      %mul3A_870 = arith.mulf %add3A_713, %get3A_842 : vector<16xf32>
      %scan3A_871 = arith.constant 2 : i32
      %scan3A_872 = arith.addi %scan3A_789, %scan3A_871 : i32
      %add3A_873 = arith.constant 2 : i32
      %add3A_874 = arith.addi %scan3A_872, %add3A_873 : i32
      %get3A_875 = arith.index_cast %add3A_874 : i32 to index
      %get3A_876 = arith.constant 112 : index
      %get3A_877 = tpu.vector_load %arg6[%get3A_875, %get3A_876] {strides = array<i32>} : memref<514x128xf32, #tpu.memory_space<vmem>>, vector<1x16xf32>,
      %get3A_878 = vector.shape_cast %get3A_877 : vector<1x16xf32> to vector<16xf32>
      %mul3A_879 = arith.mulf %get3A_768, %get3A_878 : vector<16xf32>
      %add3A_880 = arith.addf %add3A_869, %mul3A_879 : vector<16xf32>
      %add3A_881 = arith.addf %add3A_880, %add3A_852 : vector<16xf32>
      %swap3A_882 = arith.index_cast %scan3A_872 : i32 to index
      %swap3A_883 = arith.constant 112 : index
      %swap3A_884 = tpu.vector_load %arg6[%swap3A_882, %swap3A_883] {strides = array<i32>} : memref<514x128xf32, #tpu.memory_space<vmem>>, vector<1x16xf32>,
      %swap3A_885 = vector.shape_cast %swap3A_884 : vector<1x16xf32> to vector<16xf32>
      %swap3A_886 = vector.shape_cast %add3A_881 : vector<16xf32> to vector<1x16xf32>
      tpu.vector_store %arg6[%swap3A_882, %swap3A_883], %swap3A_886 {strides = array<i32>} : memref<514x128xf32, #tpu.memory_space<vmem>>, vector<1x16xf32>,
      %mul3A_887 = arith.mulf %get3A_718, %add3A_881 : vector<16xf32>
      %add3A_888 = arith.addf %add3A_854, %mul3A_887 : vector<16xf32>
      %mul3A_889 = arith.mulf %get3A_723, %add3A_881 : vector<16xf32>
      %add3A_890 = arith.addf %add3A_856, %mul3A_889 : vector<16xf32>
      %mul3A_891 = arith.mulf %get3A_728, %add3A_881 : vector<16xf32>
      %add3A_892 = arith.addf %add3A_858, %mul3A_891 : vector<16xf32>
      %mul3A_893 = arith.mulf %get3A_733, %add3A_881 : vector<16xf32>
      %add3A_894 = arith.addf %add3A_860, %mul3A_893 : vector<16xf32>
      %mul3A_895 = arith.mulf %get3A_738, %add3A_881 : vector<16xf32>
      %add3A_896 = arith.addf %add3A_862, %mul3A_895 : vector<16xf32>
      %mul3A_897 = arith.mulf %get3A_743, %add3A_881 : vector<16xf32>
      %add3A_898 = arith.addf %add3A_864, %mul3A_897 : vector<16xf32>
      %mul3A_899 = arith.mulf %get3A_748, %add3A_881 : vector<16xf32>
      %add3A_900 = arith.addf %add3A_866, %mul3A_899 : vector<16xf32>
      %mul3A_901 = arith.mulf %get3A_753, %add3A_881 : vector<16xf32>
      %add3A_902 = arith.addf %mul3A_867, %mul3A_901 : vector<16xf32>
      %mul3A_903 = arith.mulf %get3A_758, %add3A_881 : vector<16xf32>
      %mul3A_904 = arith.mulf %get3A_763, %get3A_878 : vector<16xf32>
      %add3A_905 = arith.addf %mul3A_870, %mul3A_904 : vector<16xf32>
      %mul3A_906 = arith.mulf %add3A_713, %get3A_878 : vector<16xf32>
      %scan3A_907 = arith.constant 3 : i32
      %scan3A_908 = arith.addi %scan3A_789, %scan3A_907 : i32
      %add3A_909 = arith.constant 2 : i32
      %add3A_910 = arith.addi %scan3A_908, %add3A_909 : i32
      %get3A_911 = arith.index_cast %add3A_910 : i32 to index
      %get3A_912 = arith.constant 112 : index
      %get3A_913 = tpu.vector_load %arg6[%get3A_911, %get3A_912] {strides = array<i32>} : memref<514x128xf32, #tpu.memory_space<vmem>>, vector<1x16xf32>,
      %get3A_914 = vector.shape_cast %get3A_913 : vector<1x16xf32> to vector<16xf32>
      %mul3A_915 = arith.mulf %get3A_768, %get3A_914 : vector<16xf32>
      %add3A_916 = arith.addf %add3A_905, %mul3A_915 : vector<16xf32>
      %add3A_917 = arith.addf %add3A_916, %add3A_888 : vector<16xf32>
      %swap3A_918 = arith.index_cast %scan3A_908 : i32 to index
      %swap3A_919 = arith.constant 112 : index
      %swap3A_920 = tpu.vector_load %arg6[%swap3A_918, %swap3A_919] {strides = array<i32>} : memref<514x128xf32, #tpu.memory_space<vmem>>, vector<1x16xf32>,
      %swap3A_921 = vector.shape_cast %swap3A_920 : vector<1x16xf32> to vector<16xf32>
      %swap3A_922 = vector.shape_cast %add3A_917 : vector<16xf32> to vector<1x16xf32>
      tpu.vector_store %arg6[%swap3A_918, %swap3A_919], %swap3A_922 {strides = array<i32>} : memref<514x128xf32, #tpu.memory_space<vmem>>, vector<1x16xf32>,
      %mul3A_923 = arith.mulf %get3A_718, %add3A_917 : vector<16xf32>
      %add3A_924 = arith.addf %add3A_890, %mul3A_923 : vector<16xf32>
      %mul3A_925 = arith.mulf %get3A_723, %add3A_917 : vector<16xf32>
      %add3A_926 = arith.addf %add3A_892, %mul3A_925 : vector<16xf32>
      %mul3A_927 = arith.mulf %get3A_728, %add3A_917 : vector<16xf32>
      %add3A_928 = arith.addf %add3A_894, %mul3A_927 : vector<16xf32>
      %mul3A_929 = arith.mulf %get3A_733, %add3A_917 : vector<16xf32>
      %add3A_930 = arith.addf %add3A_896, %mul3A_929 : vector<16xf32>
      %mul3A_931 = arith.mulf %get3A_738, %add3A_917 : vector<16xf32>
      %add3A_932 = arith.addf %add3A_898, %mul3A_931 : vector<16xf32>
      %mul3A_933 = arith.mulf %get3A_743, %add3A_917 : vector<16xf32>
      %add3A_934 = arith.addf %add3A_900, %mul3A_933 : vector<16xf32>
      %mul3A_935 = arith.mulf %get3A_748, %add3A_917 : vector<16xf32>
      %add3A_936 = arith.addf %add3A_902, %mul3A_935 : vector<16xf32>
      %mul3A_937 = arith.mulf %get3A_753, %add3A_917 : vector<16xf32>
      %add3A_938 = arith.addf %mul3A_903, %mul3A_937 : vector<16xf32>
      %mul3A_939 = arith.mulf %get3A_758, %add3A_917 : vector<16xf32>
      %mul3A_940 = arith.mulf %get3A_763, %get3A_914 : vector<16xf32>
      %add3A_941 = arith.addf %mul3A_906, %mul3A_940 : vector<16xf32>
      %mul3A_942 = arith.mulf %add3A_713, %get3A_914 : vector<16xf32>
      scf.yield %add3A_924, %add3A_926, %add3A_928, %add3A_930, %add3A_932, %add3A_934, %add3A_936, %add3A_938, %mul3A_939, %add3A_941, %mul3A_942 : vector<16xf32>, vector<16xf32>, vector<16xf32>, vector<16xf32>, vector<16xf32>, vector<16xf32>, vector<16xf32>, vector<16xf32>, vector<16xf32>, vector<16xf32>, vector<16xf32>
    }
    %scan3A_788 = arith.constant 512 : i32
    "tpu.region"() ({
      %run_scoped3A = tpu.sem_alloc : memref<!tpu.dma_semaphore, #tpu.memory_space<semaphore_mem>>
      %dma_start3A = arith.constant 0 : i32
      %dma_start3A_789 = arith.constant 0 : i32
      %dma_start3A_790 = tpu.memref_slice %arg6[%dma_start3A, %dma_start3A_789] : memref<514x128xf32, #tpu.memory_space<vmem>> -> memref<512x128xf32, #tpu.memory_space<vmem>>
      %dma_start3A_791 = arith.constant 0 : i32
      %dma_start3A_792 = arith.constant 0 : i32
      %dma_start3A_793 = tpu.memref_slice %arg5[%select_n3A, %dma_start3A_791, %select_n3A_30, %dma_start3A_792] : memref<16x512x2x128xf32, #tpu.memory_space<hbm>> -> memref<1x512x1x128xf32, #tpu.memory_space<hbm>>
      %dma_start3A_794 = tpu.memref_squeeze %dma_start3A_793 : memref<1x512x1x128xf32, #tpu.memory_space<hbm>> -> memref<512x128xf32, #tpu.memory_space<hbm>>
      %dma_start3A_795 = arith.constant 0 : i32
      %dma_start3A_796 = arith.constant 0 : i32
      %dma_start3A_797 = tpu.memref_slice %arg5[%select_n3A, %dma_start3A_795, %select_n3A_30, %dma_start3A_796] : memref<16x512x2x128xf32, #tpu.memory_space<hbm>> -> memref<1x512x1x128xf32, #tpu.memory_space<hbm>>
      %dma_start3A_798 = tpu.memref_squeeze %dma_start3A_797 : memref<1x512x1x128xf32, #tpu.memory_space<hbm>> -> memref<512x128xf32, #tpu.memory_space<hbm>>
      %dma_start3A_799 = arith.constant 0 : i32
      %dma_start3A_800 = arith.constant 0 : i32
      %dma_start3A_801 = tpu.memref_slice %arg6[%dma_start3A_799, %dma_start3A_800] : memref<514x128xf32, #tpu.memory_space<vmem>> -> memref<512x128xf32, #tpu.memory_space<vmem>>
      tpu.enqueue_dma source(%dma_start3A_801 : memref<512x128xf32, #tpu.memory_space<vmem>>) target(%dma_start3A_798 : memref<512x128xf32, #tpu.memory_space<hbm>>) target_semaphore(%run_scoped3A : memref<!tpu.dma_semaphore, #tpu.memory_space<semaphore_mem>>)
      %dma_wait3A = arith.constant 0 : i32
      %dma_wait3A_802 = arith.constant 0 : i32
      %dma_wait3A_803 = tpu.memref_slice %arg6[%dma_wait3A, %dma_wait3A_802] : memref<514x128xf32, #tpu.memory_space<vmem>> -> memref<512x128xf32, #tpu.memory_space<vmem>>
      %dma_wait3A_804 = arith.constant 0 : i32
      %dma_wait3A_805 = arith.constant 0 : i32
      %dma_wait3A_806 = tpu.memref_slice %arg5[%select_n3A, %dma_wait3A_804, %select_n3A_30, %dma_wait3A_805] : memref<16x512x2x128xf32, #tpu.memory_space<hbm>> -> memref<1x512x1x128xf32, #tpu.memory_space<hbm>>
      %dma_wait3A_807 = tpu.memref_squeeze %dma_wait3A_806 : memref<1x512x1x128xf32, #tpu.memory_space<hbm>> -> memref<512x128xf32, #tpu.memory_space<hbm>>
      %dma_wait3A_808 = arith.constant 0 : i32
      %dma_wait3A_809 = arith.constant 0 : i32
      %dma_wait3A_810 = tpu.memref_slice %arg5[%select_n3A, %dma_wait3A_808, %select_n3A_30, %dma_wait3A_809] : memref<16x512x2x128xf32, #tpu.memory_space<hbm>> -> memref<1x512x1x128xf32, #tpu.memory_space<hbm>>
      %dma_wait3A_811 = tpu.memref_squeeze %dma_wait3A_810 : memref<1x512x1x128xf32, #tpu.memory_space<hbm>> -> memref<512x128xf32, #tpu.memory_space<hbm>>
      %dma_wait3A_812 = arith.constant 0 : i32
      %dma_wait3A_813 = arith.constant 0 : i32
      %dma_wait3A_814 = tpu.memref_slice %arg6[%dma_wait3A_812, %dma_wait3A_813] : memref<514x128xf32, #tpu.memory_space<vmem>> -> memref<512x128xf32, #tpu.memory_space<vmem>>
      tpu.wait_dma2 semaphore(%run_scoped3A : memref<!tpu.dma_semaphore, #tpu.memory_space<semaphore_mem>>) src(%dma_wait3A_814 : memref<512x128xf32, #tpu.memory_space<vmem>>) dst(%dma_wait3A_811 : memref<512x128xf32, #tpu.memory_space<hbm>>)
      tpu.yield
    }) : () -> ()
    return
  }
}

</mosaic_0001>

<sc_bundles>
// kernel: kernel.3.cloned.1.call-start
scs
__scs_entry_jumppad:
0x0: {  	(pc) =	sbr.rel $0x88, $3  }
0x1: {  	(tag) =	ssettag $0x0;
	lr =	simm.s32 $0x1  }
0x2: {  	[smem:$0x3F9E] =	sst lr;
	_ =	strace $0xD0000000  }
0x3: {  	_ = 	snop  }
0x4: {  	_ = 	snop  }
0x5: {  	_ = 	snop  }
0x6: {  	_ = 	snop  }
0x7: {  	_ = 	snop  }
__scs_overlays_trampoline_lowered:
0x8: {  	[smem:$0x3FAD] =	sst s0  }
0x9: {  	[smem:$0x3FAE] =	sst s1  }
0xa: {  	[smem:$0x3FAF] =	sst s2  }
0xb: {  	[smem:$0x3FB0] =	sst s3  }
0xc: {  	[smem:$0x3FB1] =	sst s4  }
0xd: {  	[smem:$0x3FB2] =	sst s5  }
0xe: {  	[smem:$0x3FB3] =	sst s6  }
0xf: {  	[smem:$0x3FB4] =	sst s7  }
0x10: {  	[smem:$0x3FB5] =	sst s8  }
0x11: {  	[smem:$0x3FB6] =	sst s9;
	s0 =	simm.s32 @!p0 $0x0  }
0x12: {  	s1 =	sld [smem:$0x3F9C];
	s0 =	simm.s32 @p0 $0x1  }
0x13: {  	[smem:$0x3FB7] =	sst s0;
	s0 =	simm.s32 @!p1 $0x0  }
0x14: {  	s2 =	sld [smem:$0x3F9B];
	s0 =	simm.s32 @p1 $0x1  }
0x15: {  	[smem:$0x3FB8] =	sst s0;
	s0 =	simm.s32 @!p2 $0x0  }
0x16: {  	s3 =	sld [smem:$0x3FDB];
	s0 =	simm.s32 @p2 $0x1  }
0x17: {  	s4 =	simm.s32 $0x1BF5;
	[smem:$0x3FBA] =	sst s0  }
0x18: {  	s0 =	sld [smem:$0x3F9D];
	_ =	swait.ge [sflag:s4], $0x0  }
0x19: {  	s7 =	sld [smem:$0x3F9E]  }
0x1a: {  	s8 =	sadd.s32 $0xFFFFE003, lr  }
0x1b: {  	s9 =	sadd.s32 $0xFFFFFEF7, lr;
	s5 =	simm.s32 $0xFFFFFFFF;
	p2 =	slt.u32 s8, $0xFFFFF086  }
0x1c: {  	p1 =	slt.u32 s9, $0xF7A;
	s5 =	simm.s32 @!p2 $0x0  }
0x1d: {  	s5 =	simm.s32 @p1 $0x1;
	p0 =	seq.s32 s7, s2  }
0x1e: {  	s7 =	smul.u32 @!p0 $0xF7A, s2;
	p2 =	seq.s32 @!p0 s5, $0x0  }
0x1f: {  	s9 =	smul.u32 $0xF7A, s1;
	s8 =	simm.s32 @!p0 $0x1BF5;
	p2 =	por !p2, p0  }
0x20: {  	[sflag:s8] =	ssyncset.s32 @!p0 $0xFFFFF086;
	s6 =	sadd.s32 @!p0 s3, s7;
	s7 =	simm.s32 @!p0 $0x108  }
0x21: {  	s3 =	sadd.s32 s3, s9;
	s6 =	sadd.s32 @!p0 $0x88, s6;
	s7 =	simm.s32 @p2 $0x1082  }
0x22: {  	[simem:s7], [sflag:s8] =	dma.local @!p0 [hbm:s6], $0xF7A  }
0x23: {  	s9 =	sor.u32 $0xD0000000, s2;
	s6 =	simm.s32 $0x108;
	_ =	swait.ge @!p0 [sflag:s8], $0x0  }
0x24: {  	s3 =	sadd.s32 $0x88, s3;
	s6 =	simm.s32 @!p1 $0x1082;
	[sflag:s4] =	ssyncset.s32 $0xFFFFF086  }
0x25: {  	[simem:s6], [sflag:s4] =	dma.local [hbm:s3], $0xF7A  }
0x26: {  	[smem:$0x3F9E] =	sst s1;
	(tag) =	ssettag s2;
	_ =	strace s9  }
0x27: {  	s1 =	sld [smem:$0x3FAE]  }
0x28: {  	s2 =	sld [smem:$0x3FAF]  }
0x29: {  	s4 =	sld [smem:$0x3FB1]  }
0x2a: {  	p0 =	seq.s32 s5, $0x0;
	s5 =	sld [smem:$0x3FB2]  }
0x2b: {  	s6 =	sld [smem:$0x3FB3]  }
0x2c: {  	s7 =	sld [smem:$0x3FB4]  }
0x2d: {  	s3 =	simm.s32 $0x108;
	s8 =	sld [smem:$0x3FB5]  }
0x2e: {  	s3 =	simm.s32 @!p0 $0x1082;
	s9 =	sld [smem:$0x3FB6]  }
0x2f: {  	lr =	sadd.s32 s0, s3;
	s0 =	sld [smem:$0x3FAD]  }
0x30: {  	s3 =	sld [smem:$0x3FB0]  }
0x31: {  	[smem:$0x3FB9] =	sst s10  }
0x32: {  	s10 =	sld [smem:$0x3FB7];
	_ =	sdelay $0x3  }
0x33: {  	p0 =	seq.s32 s10, $0x1;
	s10 =	sld [smem:$0x3FB9];
	_ =	sdelay $0x3  }
0x34: {  	[smem:$0x3FB9] =	sst s10  }
0x35: {  	s10 =	sld [smem:$0x3FB8];
	_ =	sdelay $0x3  }
0x36: {  	p1 =	seq.s32 s10, $0x1;
	s10 =	sld [smem:$0x3FB9];
	_ =	sdelay $0x3  }
0x37: {  	[smem:$0x3FB9] =	sst s10  }
0x38: {  	s10 =	sld [smem:$0x3FBA]  }
0x39: {  	_ = 	snop;
	(pc) =	sbr.ind lr, $3  }
0x3a: {  	_ = 	snop  }
0x3b: {  	_ = 	snop  }
0x3c: {  	p2 =	seq.s32 s10, $0x1;
	s10 =	sld [smem:$0x3FB9]  }
0x3d: {  	_ =	shalt  }
0x3e: {  	_ =	shalt  }
0x3f: {  	_ =	shalt  }
0x40: {  	_ =	shalt  }
0x41: {  	_ =	shalt  }
0x42: {  	_ =	shalt  }
0x43: {  	_ =	shalt  }
0x44: {  	_ =	shalt  }
0x45: {  	_ =	shalt  }
0x46: {  	_ =	shalt  }
0x47: {  	_ =	shalt  }
0x48: {  	_ =	shalt  }
0x49: {  	_ =	shalt  }
0x4a: {  	_ =	shalt  }
0x4b: {  	_ =	shalt  }
0x4c: {  	_ =	shalt  }
0x4d: {  	_ =	shalt  }
0x4e: {  	_ =	shalt  }
0x4f: {  	_ =	shalt  }
0x50: {  	_ =	shalt  }
0x51: {  	_ =	shalt  }
0x52: {  	_ =	shalt  }
0x53: {  	_ =	shalt  }
0x54: {  	_ =	shalt  }
0x55: {  	_ =	shalt  }
0x56: {  	_ =	shalt  }
0x57: {  	_ =	shalt  }
0x58: {  	_ =	shalt  }
0x59: {  	_ =	shalt  }
0x5a: {  	_ =	shalt  }
0x5b: {  	_ =	shalt  }
0x5c: {  	_ =	shalt  }
0x5d: {  	_ =	shalt  }
0x5e: {  	_ =	shalt  }
0x5f: {  	_ =	shalt  }
0x60: {  	_ =	shalt  }
0x61: {  	_ =	shalt  }
0x62: {  	_ =	shalt  }
0x63: {  	_ =	shalt  }
0x64: {  	_ =	shalt  }
0x65: {  	_ =	shalt  }
0x66: {  	_ =	shalt  }
0x67: {  	_ =	shalt  }
0x68: {  	_ =	shalt  }
0x69: {  	_ =	shalt  }
0x6a: {  	_ =	shalt  }
0x6b: {  	_ =	shalt  }
0x6c: {  	_ =	shalt  }
0x6d: {  	_ =	shalt  }
0x6e: {  	_ =	shalt  }
0x6f: {  	_ =	shalt  }
0x70: {  	_ =	shalt  }
0x71: {  	_ =	shalt  }
0x72: {  	_ =	shalt  }
0x73: {  	_ =	shalt  }
0x74: {  	_ =	shalt  }
0x75: {  	_ =	shalt  }
0x76: {  	_ =	shalt  }
0x77: {  	_ =	shalt  }
0x78: {  	_ =	shalt  }
0x79: {  	_ =	shalt  }
0x7a: {  	_ =	shalt  }
0x7b: {  	_ =	shalt  }
0x7c: {  	_ =	shalt  }
0x7d: {  	_ =	shalt  }
0x7e: {  	_ =	shalt  }
0x7f: {  	_ =	shalt  }
0x80: {  	_ =	shalt  }
0x81: {  	_ =	shalt  }
0x82: {  	_ =	shalt  }
0x83: {  	_ =	shalt  }
0x84: {  	_ =	shalt  }
0x85: {  	_ =	shalt  }
0x86: {  	_ =	shalt  }
0x87: {  	_ =	shalt  }
.Lfunc_end0:
.L_simem_size_0:
called_computation_lowered:
.L_overlay_start_0:
0x88: {  	s2 =	sld [smem:$0x3FD9]  }
0x89: {  	s3 =	sld [smem:$0x3FFE];
	_ =	sdelay $0x1  }
0x8a: {  	s1 =	srdreg.scid  }
0x8b: {  	s0 =	sand.u32 $0x1, s1  }
0x8c: {  	s17 =	sshll.u32 s0, $0xA;
	s2 =	sadd.s32 s3, s2  }
0x8d: {  	s2 =	sadd.s32 s2, s17  }
0x8e: {  	[smem:$0x3FC5] =	sst s2  }
0x8f: {  	_ = 	snop  }
0x90: {  	s2 =	sld [smem:$0x3FD0];
	(tm) =	ssettm $0x1  }
0x91: {  	s18 =	sld [smem:$0x3FFB];
	_ =	sdelay $0x3  }
0x92: {  	_ =	strace s18  }
0x93: {  	s3 =	sld [smem:$0x3FFC];
	_ =	sdelay $0x3  }
0x94: {  	_ =	strace s3  }
0x95: {  	s3 =	sld [smem:$0x3FFD];
	_ =	sdelay $0x3  }
0x96: {  	_ =	strace s3  }
0x97: {  	_ =	strace $0x8FFFFFFF  }
0x98: {  	s19 =	sld [smem:$0x3FDB];
	_ =	sdelay $0x1  }
0x99: {  	s4 =	simm.s32 $_scs_section_size  }
0x9a: {  	s5 =	simm.s32 $_size__tile_overlayer_lowered;
	s6 =	simm.s32 $_tile_overlayer_lowered  }
0x9b: {  	s22 =	simm.s32 $0x1BFF;
	s21 =	sshll.u32 s6, $0x1;
	s3 =	sadd.s32 s4, s19  }
0x9c: {  	s7 =	simm.s32 $0x0;
	s20 =	sshll.u32 s5, $0x1;
	s5 =	sadd.s32 s21, s3  }
0x9d: {  	[timem:s7], [sflag:s22] =	dma.local [hbm:s5], s20  }
0x9e: {  	_ =	swait.ge [sflag:s22], s20  }
0x9f: {  	s4 =	ssub.s32 $0x0, s20;
	[sflag:s22] =	ssyncset.done $0x0  }
0xa0: {  	[sflag:s22] =	ssyncadd.s32 s4;
	_ =	sdelay $0x1  }
0xa1: {  	s23 =	simm.s32 $0x1B8B  }
0xa2: {  	_ =	swait.ge [sflag:s23], $0x1  }
0xa3: {  	[sflag:s23] =	ssyncset.done $0x0  }
0xa4: {  	s25 =	simm.s32 $0x1B8E;
	s24 =	sld [smem:$0x3FFE];
	[sflag:s23] =	ssyncadd.s32 $0xFFFFFFFF  }
0xa5: {  	s26 =	simm.s32 $execute0_lowered;
	[smem:$0x3FD2] =	sst s25  }
0xa6: {  	s5 =	sshll.u32 s26, $0x1;
	_ =	strace $0x80000046;
	[dreg:$0x1] =	wrdreg $0xFFFFFFFF  }
0xa7: {  	s28 =	simm.s32 $_size_execute0_lowered;
	s3 =	sadd.s32 s3, s5;
	[dreg:$0x0] =	wrdreg $0x0  }
0xa8: {  	s5 =	sshll.u32 s28, $0x1;
	[dreg:$0x2] =	wrdreg s3  }
0xa9: {  	[dreg:$0x3] =	wrdreg s5  }
0xaa: {  	[dreg:$0x4] =	wrdreg $0xC0  }
0xab: {  	_ =	task [dreg:s7], $0x5FFFF  }
0xac: {  	[dreg:$0x1] =	wrdreg $0xFFFFFFFF  }
0xad: {  	[dreg:$0x0] =	wrdreg $0x60  }
0xae: {  	[dreg:$0x2] =	wrdreg s2  }
0xaf: {  	[dreg:$0x3] =	wrdreg s24  }
0xb0: {  	[dreg:$0x4] =	wrdreg $0x9  }
0xb1: {  	_ =	task.clear_ibuf [dreg:s7], $0x5FFFF;
	_ =	strace $0x90000046  }
0xb2: {  	s29 =	simm.s32 $0x9;
	_ =	strace $0x80000048  }
0xb3: {  	_ =	swait.ge [sflag:s29], $0x1  }
0xb4: {  	[sflag:s29] =	ssyncadd.s32 $0xFFFFFFFF  }
0xb5: {  	_ =	strace $0x90000048  }
0xb6: {  	_ =	sfence  }
0xb7: {  	s30 =	sld [smem:$0x0];
	_ =	sdelay $0x2  }
0xb8: {  	s31 =	sshll.u32 s1, $0xD;
	s1 =	sshrl.u32 s1, $0x2  }
0xb9: {  	s3 =	sand.u32 $0x4000, s31;
	s1 =	sadd.s32 s1, s30  }
0xba: {  	s0 =	sor.u32 s3, s0;
	s1 =	sshll.u32 s1, $0x11  }
0xbb: {  	s0 =	sor.u32 s1, s0  }
0xbc: {  	s0 =	sadd.s32 $0x8F2B, s0  }
0xbd: {  	[sflag:s0] =	ssyncadd.remote.s32 $0x1  }
0xbe: {  	_ =	sfence.sel $0xFFFF  }
0xbf: {  	[dreg:$0x0] =	wrdreg $0xFFFFFFFF;
	(pc) =	sbr.abs _section_cstart, $3  }
0xc0: {  	[dreg:$0x1] =	wrdreg $0xFFFFFFFF  }
0xc1: {  	_ =	task.clear_ibuf [dreg:s7], $0x2FFFF;
	_ =	strace $0x9FFFFFFF  }
0xc2: {  	(tm) =	ssettm $0x7FFFFFFF  }
0xc3: {  	_ =	shalt  }
tec
execute0_lowered:
.L_overlay_start_1:
0x0: {  	(tag) =	ssettag $0x1  }
0x1: {  	s0 =	srdreg.scid;
	s4 =	rddreg [dreg:$0x0]  }
0x2: {  	s5 =	rddreg [dreg:$0x1];
	s3 =	sand.u32 $0x1, s0;
	s0 =	stileid.u32  }
0x3: {  	s2 =	simm.s32 $0x0;
	s6 =	simm.s32 $0x1;
	s1 =	sor.u32 s3, s0  }
0x4: {  	s11 =	simm.s32 $0x10400;
	p1 =	seq.s32 s3, $0x1;
	p0 =	seq.s32 s1, $0x0  }
0x5: {  	s12 =	simm.s32 $0x10C00;
	s13 =	simm.s32 $0x0;
	p0 =	por !p0, !p1  }
0x6: {  	[smem:$0x7FF] =	sst s2;
	s7 =	sshll.u32 s3, $0x4;
	p0 =	por !p0, !p0  }
0x7: {  	s8 =	sshll.u32 s3, $0x7;
	s31 =	ssub.s32 $0x2, s3;
	s6 =	simm.s32 @!p0 $0x0  }
0x8: {  	s3 =	simm.s32 $0x1;
	s1 =	rddreg [dreg:$0x2];
	s6 =	ssub.s32 s0, s6  }
0x9: {  	_ =	strace $0x80000047;
	s9 =	sshrl.u32 s31, $0x1;
	s6 =	sshll.u32 s6, $0x11  }
0xa: {  	s7 =	sadd.s32 s7, s5;
	s6 =	sor.u32 s8, s6;
	s8 =	ssub.s32 s31, s9  }
0xb: {  	s9 =	simm.s32 $0x80;
	s6 =	sshrl.u32 s6, $0x3;
	s8 =	smax.u32 s8, $0x1  }
0xc: {  	s10 =	sadd.s32 s6, s5;
	s4 =	sadd.s32 s4, s6;
	s5 =	sadd.s32 $0x600, s7  }
0xd: {  	s6 =	sadd.s32 $0x400, s7;
	s7 =	sadd.s32 $0x800, s10;
	s10 =	simm.s32 $0x100  }
.LBB2_1:
0xe: {  	[tilespmem:s2], [sflag:$0x1] =	stream.strided.gather [hbm4b:s4+s9], $0x10000, s10, s9, $0x38;
	[tilespmem:$0x10D00] =	vst v63  }
0xf: {  	_ =	swait.ge [sflag:s3], $0x10000  }
0x10: {  	[sflag:s3] =	ssyncset.done $0x0  }
0x11: {  	[sflag:s3] =	ssyncadd.s32 $0xFFFF0000  }
0x12: {  	[tilespmem:s11], [sflag:$0x1] =	stream.strided.gather [hbm4b:s5+s9], $0x500, s10, s9, $0x38;
	[tilespmem:$0x10D00] =	vst v63  }
0x13: {  	_ =	swait.ge [sflag:s3], $0x500  }
0x14: {  	[sflag:s3] =	ssyncset.done $0x0  }
0x15: {  	[sflag:s3] =	ssyncadd.s32 $0xFFFFFB00  }
0x16: {  	[tilespmem:s12], [sflag:$0x1] =	stream.strided.gather [hbm4b:s6+s9], $0x100, s10, s9, $0x38;
	[tilespmem:$0x10D00] =	vst v63  }
0x17: {  	_ =	swait.ge [sflag:s3], $0x100  }
0x18: {  	[sflag:s3] =	ssyncset.done $0x0  }
0x19: {  	v2 =	vimm.f32 $0.0e+00;
	[sflag:s3] =	ssyncadd.s32 $0xFFFFFF00  }
0x1a: {  	[tilespmem:$0x10000] =	vst v2  }
0x1b: {  	[tilespmem:$0x10080] =	vst v2  }
0x1c: {  	[tilespmem:$0x10010] =	vst v2  }
0x1d: {  	[tilespmem:$0x10090] =	vst v2  }
0x1e: {  	[tilespmem:$0x10020] =	vst v2  }
0x1f: {  	[tilespmem:$0x100A0] =	vst v2  }
0x20: {  	[tilespmem:$0x10030] =	vst v2  }
0x21: {  	[tilespmem:$0x100B0] =	vst v2  }
0x22: {  	[tilespmem:$0x10040] =	vst v2  }
0x23: {  	[tilespmem:$0x100C0] =	vst v2  }
0x24: {  	[tilespmem:$0x10050] =	vst v2  }
0x25: {  	[tilespmem:$0x100D0] =	vst v2;
	v3 =	vld [tilespmem:$0x10400]  }
0x26: {  	[tilespmem:$0x10060] =	vst v2;
	v0 =	vld [tilespmem:$0x10C00]  }
0x27: {  	[tilespmem:$0x100E0] =	vst v2;
	v5 =	vld [tilespmem:$0x0]  }
0x28: {  	[tilespmem:$0x10070] =	vst v2;
	v11 =	vld [tilespmem:$0x80]  }
0x29: {  	s15 =	simm.s32 $0x180;
	[tilespmem:$0x100F0] =	vst v2;
	v1 =	vld [tilespmem:$0x10C80]  }
0x2a: {  	v12 =	vld [tilespmem:s15+$0xFFFFFF80]  }
0x2b: {  	v4 =	vld [tilespmem:s15+$0x100];
	v3 =	vadd.f32 $1.000000000e+00, v3  }
0x2c: {  	v13 =	vld [tilespmem:s15+$0x0]  }
0x2d: {  	v16 =	vld [tilespmem:s15+$0x80];
	v8 =	vmul.f32 v11, v0;
	v7 =	vmul.f32 v5, v3  }
0x2e: {  	v6 =	vld [tilespmem:$0x10500]  }
0x2f: {  	v10 =	vmul.f32 v12, v1;
	v5 =	vld [tilespmem:$0x10480];
	v9 =	vadd.f32 v8, v7  }
0x30: {  	v21 =	vmul.f32 v11, v3;
	v11 =	vld [tilespmem:$0x10800]  }
0x31: {  	v17 =	vmul.f32 v4, v0;
	v18 =	vmul.f32 v13, v0;
	v7 =	vld [tilespmem:$0x10780];
	v15 =	vadd.f32 v10, v9  }
0x32: {  	v20 =	vmul.f32 v16, v0;
	v14 =	vmul.f32 v12, v3;
	v8 =	vld [tilespmem:$0x10580]  }
0x33: {  	v28 =	vmul.f32 v16, v1;
	v9 =	vld [tilespmem:$0x10600];
	v22 =	vadd.f32 v15, v2;
	v15 =	vmul.f32 v12, v0  }
0x34: {  	v19 =	vmul.f32 v13, v3;
	v18 =	vadd.f32 v18, v14;
	v14 =	vmul.f32 v16, v3;
	v10 =	vld [tilespmem:$0x10680]  }
0x35: {  	v13 =	vmul.f32 v13, v1;
	v23 =	vmul.f32 v22, v5;
	v21 =	vadd.f32 v15, v21  }
0x36: {  	v19 =	vadd.f32 v20, v19;
	v14 =	vadd.f32 v17, v14;
	v12 =	vld [tilespmem:$0x10880];
	v24 =	vmul.f32 v22, v7  }
0x37: {  	v25 =	vmul.f32 v22, v6;
	v20 =	vadd.f32 v23, v2;
	v21 =	vadd.f32 v13, v21  }
0x38: {  	v18 =	vadd.f32 v28, v18;
	v26 =	vmul.f32 v22, v8;
	v17 =	vmul.f32 v22, v11  }
0x39: {  	v15 =	vmul.f32 v22, v9;
	v23 =	vmul.f32 v22, v10;
	v27 =	vadd.f32 v20, v21  }
0x3a: {  	v24 =	vadd.f32 v24, v2;
	v13 =	vld [tilespmem:$0x10700];
	v25 =	vadd.f32 v25, v2;
	v20 =	vmul.f32 v4, v1  }
0x3b: {  	v21 =	vadd.f32 v23, v2;
	v23 =	vmul.f32 v22, v12;
	v29 =	vmul.f32 v27, v5  }
0x3c: {  	v30 =	vadd.f32 v20, v19;
	v19 =	vadd.f32 v26, v2;
	v16 =	vmul.f32 v27, v8  }
0x3d: {  	v26 =	vmul.f32 v27, v12;
	v31 =	vmul.f32 v27, v11;
	v20 =	vadd.f32 v29, v25  }
0x3e: {  	v28 =	vadd.f32 v17, v2;
	v32 =	vmul.f32 v27, v6;
	v33 =	vmul.f32 v27, v9  }
0x3f: {  	v25 =	vmul.f32 v27, v10;
	v29 =	vmul.f32 v27, v13;
	v17 =	vadd.f32 v20, v18  }
0x40: {  	v18 =	vmul.f32 v27, v7;
	v20 =	vadd.f32 v31, v23;
	v23 =	vmul.f32 v22, v13  }
0x41: {  	v19 =	vadd.f32 v32, v19;
	v24 =	vadd.f32 v29, v24;
	v31 =	vmul.f32 v17, v5  }
0x42: {  	v28 =	vadd.f32 v18, v28;
	v63 =	vmul.f32 v17, v10;
	v34 =	vadd.f32 v23, v2  }
0x43: {  	v18 =	vmul.f32 v17, v8;
	v23 =	vmul.f32 v17, v7;
	v29 =	vadd.f32 v31, v19  }
0x44: {  	[tilespmem:s15+$0xFFFFFE80] =	vst v22;
	v22 =	vmul.f32 v17, v13;
	v31 =	vadd.f32 v25, v34;
	v25 =	vmul.f32 v17, v11  }
0x45: {  	[tilespmem:s15+$0xFFFFFF00] =	vst v27;
	v27 =	vmul.f32 v17, v12;
	v19 =	vadd.f32 v33, v21;
	v21 =	vadd.f32 v29, v30  }
0x46: {  	v24 =	vadd.f32 v63, v24;
	v29 =	vmul.f32 v17, v9;
	v26 =	vadd.f32 v25, v26  }
0x47: {  	[tilespmem:s15+$0xFFFFFF80] =	vst v17;
	v25 =	vadd.f32 v22, v28;
	v22 =	vmul.f32 v21, v5;
	v28 =	vmul.f32 v21, v7  }
0x48: {  	s14 =	simm.s32 $0x0;
	[tilespmem:s15+$0x0] =	vst v21;
	v29 =	vadd.f32 v29, v31;
	v30 =	vmul.f32 v21, v8;
	v31 =	vmul.f32 v21, v11;
	s15 =	simm.s32 $0x380  }
.LBB2_2:
0x49: {  	v32 =	vld [tilespmem:s15+$0xFFFFFF80];
	s14 =	sadd.s32 $0x4, s14;
	v2 =	vadd.f32 v15, v2;
	v15 =	vadd.f32 v23, v20;
	v20 =	vmul.f32 v21, v9;
	v23 =	vmovc v4  }
0x4a: {  	v4 =	vld [tilespmem:s15+$0x100];
	p0 =	slt.u32 s14, $0x1FC;
	v29 =	vadd.f32 v30, v29;
	v30 =	vmul.f32 v21, v13;
	v27 =	vadd.f32 v31, v27  }
0x4b: {  	v26 =	vadd.f32 v28, v26;
	v31 =	vld [tilespmem:s15+$0x0];
	v20 =	vadd.f32 v20, v24;
	v24 =	vmul.f32 v21, v10  }
0x4c: {  	v17 =	vmul.f32 v17, v6;
	v16 =	vadd.f32 v16, v2;
	v28 =	vld [tilespmem:s15+$0x80];
	v30 =	vadd.f32 v30, v15  }
0x4d: {  	v2 =	vadd.f32 v24, v25;
	v24 =	vmul.f32 v21, v12  }
0x4e: {  	v16 =	vadd.f32 v17, v16;
	v17 =	vmul.f32 v21, v6;
	v15 =	vmul.f32 v32, v1  }
0x4f: {  	v18 =	vadd.f32 v18, v19;
	v21 =	vmul.f32 v32, v3;
	v25 =	vmul.f32 v4, v0  }
0x50: {  	v16 =	vadd.f32 v22, v16;
	v14 =	vadd.f32 v15, v14;
	v15 =	vmul.f32 v31, v0  }
0x51: {  	v17 =	vadd.f32 v17, v18;
	v19 =	vmul.f32 v31, v3;
	v22 =	vmul.f32 v28, v0  }
0x52: {  	v18 =	vmul.f32 v23, v3;
	v23 =	vadd.f32 v14, v16;
	v14 =	vmul.f32 v32, v0  }
0x53: {  	v16 =	vmul.f32 v31, v1;
	v21 =	vadd.f32 v15, v21;
	v31 =	vmul.f32 v28, v3  }
0x54: {  	[tilespmem:s15+$0xFFFFFE80] =	vst v23;
	v15 =	vmul.f32 v23, v5;
	v32 =	vmul.f32 v23, v7;
	v14 =	vadd.f32 v14, v18  }
0x55: {  	v19 =	vadd.f32 v22, v19;
	v18 =	vmul.f32 v23, v6;
	v33 =	vmul.f32 v23, v8  }
0x56: {  	v17 =	vadd.f32 v15, v17;
	v15 =	vmul.f32 v23, v9;
	v16 =	vadd.f32 v16, v14  }
0x57: {  	v22 =	vmul.f32 v23, v10;
	v27 =	vadd.f32 v32, v27;
	v14 =	vadd.f32 v25, v31  }
0x58: {  	v25 =	vmul.f32 v23, v11;
	v31 =	vadd.f32 v17, v16;
	v16 =	vmul.f32 v4, v1  }
0x59: {  	v22 =	vadd.f32 v22, v30;
	v30 =	vmul.f32 v23, v12;
	v17 =	vmul.f32 v28, v1  }
0x5a: {  	v18 =	vadd.f32 v18, v29;
	[tilespmem:s15+$0xFFFFFF00] =	vst v31;
	v28 =	vmul.f32 v31, v5;
	v29 =	vadd.f32 v16, v19  }
0x5b: {  	v19 =	vadd.f32 v33, v20;
	v16 =	vmul.f32 v31, v8;
	v32 =	vmul.f32 v31, v12  }
0x5c: {  	v17 =	vadd.f32 v17, v21;
	v18 =	vadd.f32 v28, v18;
	v28 =	vmul.f32 v31, v10  }
0x5d: {  	v21 =	vadd.f32 v25, v24;
	v24 =	vmul.f32 v31, v13;
	v20 =	vmul.f32 v31, v11  }
0x5e: {  	v25 =	vmul.f32 v31, v6;
	v33 =	vmul.f32 v31, v9;
	v17 =	vadd.f32 v18, v17  }
0x5f: {  	v20 =	vadd.f32 v20, v30;
	v18 =	vmul.f32 v23, v13;
	v23 =	vmul.f32 v31, v7  }
0x60: {  	v19 =	vadd.f32 v25, v19;
	[tilespmem:s15+$0xFFFFFF80] =	vst v17;
	v25 =	vmul.f32 v17, v5;
	v30 =	vmul.f32 v17, v10  }
0x61: {  	v26 =	vadd.f32 v18, v26;
	v31 =	vadd.f32 v23, v21;
	v18 =	vmul.f32 v17, v8  }
0x62: {  	v21 =	vadd.f32 v24, v27;
	v23 =	vmul.f32 v17, v7;
	v25 =	vadd.f32 v25, v19  }
.Ltmp0:
0x63: {  	v19 =	vadd.f32 v33, v22;
	v33 =	vadd.f32 v28, v26;
	v22 =	vmul.f32 v17, v11;
	(pc) =	sbr.rel @p0 .LBB2_2-.Ltmp0, $4  }
0x64: {  	v24 =	vadd.f32 v30, v21;
	v28 =	vmul.f32 v17, v13;
	v21 =	vadd.f32 v25, v29  }
0x65: {  	v27 =	vmul.f32 v17, v12;
	v29 =	vmul.f32 v17, v9;
	v26 =	vadd.f32 v22, v32  }
0x66: {  	v25 =	vadd.f32 v28, v31;
	[tilespmem:s15+$0x0] =	vst v21;
	v22 =	vmul.f32 v21, v5;
	v28 =	vmul.f32 v21, v7  }
0x67: {  	v29 =	vadd.f32 v29, v33;
	v30 =	vmul.f32 v21, v8;
	v31 =	vmul.f32 v21, v11;
	s15 =	sadd.s32 $0x200, s15  }
0x68: {  	v2 =	vld [tilespmem:$0x10410]  }
0x69: {  	v0 =	vld [tilespmem:$0x10C10]  }
0x6a: {  	v4 =	vld [tilespmem:$0x10]  }
0x6b: {  	v10 =	vld [tilespmem:$0x90]  }
0x6c: {  	v1 =	vld [tilespmem:$0x10C90];
	s15 =	simm.s32 $0x190  }
0x6d: {  	v11 =	vld [tilespmem:s15+$0xFFFFFF80]  }
0x6e: {  	v3 =	vld [tilespmem:s15+$0x100];
	v2 =	vadd.f32 $1.000000000e+00, v2  }
0x6f: {  	v13 =	vld [tilespmem:s15+$0x0]  }
0x70: {  	v16 =	vld [tilespmem:s15+$0x80];
	v7 =	vmul.f32 v10, v0;
	v6 =	vmul.f32 v4, v2  }
0x71: {  	v5 =	vld [tilespmem:$0x10510]  }
0x72: {  	v9 =	vmul.f32 v11, v1;
	v4 =	vld [tilespmem:$0x10490];
	v8 =	vadd.f32 v7, v6  }
0x73: {  	v21 =	vmul.f32 v10, v2;
	v10 =	vld [tilespmem:$0x10810]  }
0x74: {  	v17 =	vmul.f32 v3, v0;
	v18 =	vmul.f32 v13, v0;
	v6 =	vld [tilespmem:$0x10790];
	v15 =	vadd.f32 v9, v8  }
0x75: {  	v12 =	vimm.f32 $0.0e+00;
	v20 =	vmul.f32 v16, v0;
	v14 =	vmul.f32 v11, v2;
	v7 =	vld [tilespmem:$0x10590]  }
0x76: {  	v28 =	vmul.f32 v16, v1;
	v8 =	vld [tilespmem:$0x10610];
	v22 =	vadd.f32 v15, v12;
	v15 =	vmul.f32 v11, v0  }
0x77: {  	v19 =	vmul.f32 v13, v2;
	v18 =	vadd.f32 v18, v14;
	v14 =	vmul.f32 v16, v2;
	v9 =	vld [tilespmem:$0x10690]  }
0x78: {  	v13 =	vmul.f32 v13, v1;
	v23 =	vmul.f32 v22, v4;
	v21 =	vadd.f32 v15, v21  }
0x79: {  	v19 =	vadd.f32 v20, v19;
	v14 =	vadd.f32 v17, v14;
	v11 =	vld [tilespmem:$0x10890];
	v24 =	vmul.f32 v22, v6  }
0x7a: {  	v25 =	vmul.f32 v22, v5;
	v20 =	vadd.f32 v23, v12;
	v21 =	vadd.f32 v13, v21  }
0x7b: {  	v18 =	vadd.f32 v28, v18;
	v26 =	vmul.f32 v22, v7;
	v17 =	vmul.f32 v22, v10  }
0x7c: {  	v15 =	vmul.f32 v22, v8;
	v23 =	vmul.f32 v22, v9;
	v27 =	vadd.f32 v20, v21  }
0x7d: {  	v24 =	vadd.f32 v24, v12;
	v13 =	vld [tilespmem:$0x10710];
	v25 =	vadd.f32 v25, v12;
	v20 =	vmul.f32 v3, v1  }
0x7e: {  	v21 =	vadd.f32 v23, v12;
	v23 =	vmul.f32 v22, v11;
	v29 =	vmul.f32 v27, v4  }
0x7f: {  	v30 =	vadd.f32 v20, v19;
	v19 =	vadd.f32 v26, v12;
	v16 =	vmul.f32 v27, v7  }
0x80: {  	v26 =	vmul.f32 v27, v11;
	v31 =	vmul.f32 v27, v10;
	v20 =	vadd.f32 v29, v25  }
0x81: {  	v28 =	vadd.f32 v17, v12;
	v32 =	vmul.f32 v27, v5;
	v33 =	vmul.f32 v27, v8  }
0x82: {  	v25 =	vmul.f32 v27, v9;
	v29 =	vmul.f32 v27, v13;
	v17 =	vadd.f32 v20, v18  }
0x83: {  	v18 =	vmul.f32 v27, v6;
	v20 =	vadd.f32 v31, v23;
	v23 =	vmul.f32 v22, v13  }
0x84: {  	v19 =	vadd.f32 v32, v19;
	v24 =	vadd.f32 v29, v24;
	v31 =	vmul.f32 v17, v4  }
0x85: {  	v28 =	vadd.f32 v18, v28;
	v63 =	vmul.f32 v17, v9;
	v34 =	vadd.f32 v23, v12  }
0x86: {  	v18 =	vmul.f32 v17, v7;
	v23 =	vmul.f32 v17, v6;
	v29 =	vadd.f32 v31, v19  }
0x87: {  	[tilespmem:s15+$0xFFFFFE80] =	vst v22;
	v22 =	vmul.f32 v17, v13;
	v31 =	vadd.f32 v25, v34;
	v25 =	vmul.f32 v17, v10  }
0x88: {  	[tilespmem:s15+$0xFFFFFF00] =	vst v27;
	v27 =	vmul.f32 v17, v11;
	v19 =	vadd.f32 v33, v21;
	v21 =	vadd.f32 v29, v30  }
0x89: {  	v24 =	vadd.f32 v63, v24;
	v29 =	vmul.f32 v17, v8;
	v26 =	vadd.f32 v25, v26  }
0x8a: {  	[tilespmem:s15+$0xFFFFFF80] =	vst v17;
	v25 =	vadd.f32 v22, v28;
	v22 =	vmul.f32 v21, v4;
	v28 =	vmul.f32 v21, v6  }
0x8b: {  	s14 =	simm.s32 $0x0;
	[tilespmem:s15+$0x0] =	vst v21;
	v29 =	vadd.f32 v29, v31;
	v30 =	vmul.f32 v21, v7;
	v31 =	vmul.f32 v21, v10;
	s15 =	simm.s32 $0x390  }
.LBB2_4:
0x8c: {  	v32 =	vld [tilespmem:s15+$0xFFFFFF80];
	s14 =	sadd.s32 $0x4, s14;
	v12 =	vadd.f32 v15, v12;
	v15 =	vadd.f32 v23, v20;
	v20 =	vmul.f32 v21, v8;
	v23 =	vmovc v3  }
0x8d: {  	v3 =	vld [tilespmem:s15+$0x100];
	p0 =	slt.u32 s14, $0x1FC;
	v29 =	vadd.f32 v30, v29;
	v30 =	vmul.f32 v21, v13;
	v27 =	vadd.f32 v31, v27  }
0x8e: {  	v26 =	vadd.f32 v28, v26;
	v31 =	vld [tilespmem:s15+$0x0];
	v20 =	vadd.f32 v20, v24;
	v24 =	vmul.f32 v21, v9  }
0x8f: {  	v17 =	vmul.f32 v17, v5;
	v16 =	vadd.f32 v16, v12;
	v28 =	vld [tilespmem:s15+$0x80];
	v30 =	vadd.f32 v30, v15  }
0x90: {  	v12 =	vadd.f32 v24, v25;
	v24 =	vmul.f32 v21, v11  }
0x91: {  	v16 =	vadd.f32 v17, v16;
	v17 =	vmul.f32 v21, v5;
	v15 =	vmul.f32 v32, v1  }
0x92: {  	v18 =	vadd.f32 v18, v19;
	v21 =	vmul.f32 v32, v2;
	v25 =	vmul.f32 v3, v0  }
0x93: {  	v16 =	vadd.f32 v22, v16;
	v14 =	vadd.f32 v15, v14;
	v15 =	vmul.f32 v31, v0  }
0x94: {  	v17 =	vadd.f32 v17, v18;
	v19 =	vmul.f32 v31, v2;
	v22 =	vmul.f32 v28, v0  }
0x95: {  	v18 =	vmul.f32 v23, v2;
	v23 =	vadd.f32 v14, v16;
	v14 =	vmul.f32 v32, v0  }
0x96: {  	v16 =	vmul.f32 v31, v1;
	v21 =	vadd.f32 v15, v21;
	v31 =	vmul.f32 v28, v2  }
0x97: {  	[tilespmem:s15+$0xFFFFFE80] =	vst v23;
	v15 =	vmul.f32 v23, v4;
	v32 =	vmul.f32 v23, v6;
	v14 =	vadd.f32 v14, v18  }
0x98: {  	v19 =	vadd.f32 v22, v19;
	v18 =	vmul.f32 v23, v5;
	v33 =	vmul.f32 v23, v7  }
0x99: {  	v17 =	vadd.f32 v15, v17;
	v15 =	vmul.f32 v23, v8;
	v16 =	vadd.f32 v16, v14  }
0x9a: {  	v22 =	vmul.f32 v23, v9;
	v27 =	vadd.f32 v32, v27;
	v14 =	vadd.f32 v25, v31  }
0x9b: {  	v25 =	vmul.f32 v23, v10;
	v31 =	vadd.f32 v17, v16;
	v16 =	vmul.f32 v3, v1  }
0x9c: {  	v22 =	vadd.f32 v22, v30;
	v30 =	vmul.f32 v23, v11;
	v17 =	vmul.f32 v28, v1  }
0x9d: {  	v18 =	vadd.f32 v18, v29;
	[tilespmem:s15+$0xFFFFFF00] =	vst v31;
	v28 =	vmul.f32 v31, v4;
	v29 =	vadd.f32 v16, v19  }
0x9e: {  	v19 =	vadd.f32 v33, v20;
	v16 =	vmul.f32 v31, v7;
	v32 =	vmul.f32 v31, v11  }
0x9f: {  	v17 =	vadd.f32 v17, v21;
	v18 =	vadd.f32 v28, v18;
	v28 =	vmul.f32 v31, v9  }
0xa0: {  	v21 =	vadd.f32 v25, v24;
	v24 =	vmul.f32 v31, v13;
	v20 =	vmul.f32 v31, v10  }
0xa1: {  	v25 =	vmul.f32 v31, v5;
	v33 =	vmul.f32 v31, v8;
	v17 =	vadd.f32 v18, v17  }
0xa2: {  	v20 =	vadd.f32 v20, v30;
	v18 =	vmul.f32 v23, v13;
	v23 =	vmul.f32 v31, v6  }
0xa3: {  	v19 =	vadd.f32 v25, v19;
	[tilespmem:s15+$0xFFFFFF80] =	vst v17;
	v25 =	vmul.f32 v17, v4;
	v30 =	vmul.f32 v17, v9  }
0xa4: {  	v26 =	vadd.f32 v18, v26;
	v31 =	vadd.f32 v23, v21;
	v18 =	vmul.f32 v17, v7  }
0xa5: {  	v21 =	vadd.f32 v24, v27;
	v23 =	vmul.f32 v17, v6;
	v25 =	vadd.f32 v25, v19  }
.Ltmp1:
0xa6: {  	v19 =	vadd.f32 v33, v22;
	v33 =	vadd.f32 v28, v26;
	v22 =	vmul.f32 v17, v10;
	(pc) =	sbr.rel @p0 .LBB2_4-.Ltmp1, $4  }
0xa7: {  	v24 =	vadd.f32 v30, v21;
	v28 =	vmul.f32 v17, v13;
	v21 =	vadd.f32 v25, v29  }
0xa8: {  	v27 =	vmul.f32 v17, v11;
	v29 =	vmul.f32 v17, v8;
	v26 =	vadd.f32 v22, v32  }
0xa9: {  	v25 =	vadd.f32 v28, v31;
	[tilespmem:s15+$0x0] =	vst v21;
	v22 =	vmul.f32 v21, v4;
	v28 =	vmul.f32 v21, v6  }
0xaa: {  	v29 =	vadd.f32 v29, v33;
	v30 =	vmul.f32 v21, v7;
	v31 =	vmul.f32 v21, v10;
	s15 =	sadd.s32 $0x200, s15  }
0xab: {  	v2 =	vld [tilespmem:$0x10420]  }
0xac: {  	v0 =	vld [tilespmem:$0x10C20]  }
0xad: {  	v4 =	vld [tilespmem:$0x20]  }
0xae: {  	v10 =	vld [tilespmem:$0xA0]  }
0xaf: {  	v1 =	vld [tilespmem:$0x10CA0];
	s15 =	simm.s32 $0x1A0  }
0xb0: {  	v11 =	vld [tilespmem:s15+$0xFFFFFF80]  }
0xb1: {  	v3 =	vld [tilespmem:s15+$0x100];
	v2 =	vadd.f32 $1.000000000e+00, v2  }
0xb2: {  	v13 =	vld [tilespmem:s15+$0x0]  }
0xb3: {  	v16 =	vld [tilespmem:s15+$0x80];
	v7 =	vmul.f32 v10, v0;
	v6 =	vmul.f32 v4, v2  }
0xb4: {  	v5 =	vld [tilespmem:$0x10520]  }
0xb5: {  	v9 =	vmul.f32 v11, v1;
	v4 =	vld [tilespmem:$0x104A0];
	v8 =	vadd.f32 v7, v6  }
0xb6: {  	v21 =	vmul.f32 v10, v2;
	v10 =	vld [tilespmem:$0x10820]  }
0xb7: {  	v17 =	vmul.f32 v3, v0;
	v18 =	vmul.f32 v13, v0;
	v6 =	vld [tilespmem:$0x107A0];
	v15 =	vadd.f32 v9, v8  }
0xb8: {  	v12 =	vimm.f32 $0.0e+00;
	v20 =	vmul.f32 v16, v0;
	v14 =	vmul.f32 v11, v2;
	v7 =	vld [tilespmem:$0x105A0]  }
0xb9: {  	v28 =	vmul.f32 v16, v1;
	v8 =	vld [tilespmem:$0x10620];
	v22 =	vadd.f32 v15, v12;
	v15 =	vmul.f32 v11, v0  }
0xba: {  	v19 =	vmul.f32 v13, v2;
	v18 =	vadd.f32 v18, v14;
	v14 =	vmul.f32 v16, v2;
	v9 =	vld [tilespmem:$0x106A0]  }
0xbb: {  	v13 =	vmul.f32 v13, v1;
	v23 =	vmul.f32 v22, v4;
	v21 =	vadd.f32 v15, v21  }
0xbc: {  	v19 =	vadd.f32 v20, v19;
	v14 =	vadd.f32 v17, v14;
	v11 =	vld [tilespmem:$0x108A0];
	v24 =	vmul.f32 v22, v6  }
0xbd: {  	v25 =	vmul.f32 v22, v5;
	v20 =	vadd.f32 v23, v12;
	v21 =	vadd.f32 v13, v21  }
0xbe: {  	v18 =	vadd.f32 v28, v18;
	v26 =	vmul.f32 v22, v7;
	v17 =	vmul.f32 v22, v10  }
0xbf: {  	v15 =	vmul.f32 v22, v8;
	v23 =	vmul.f32 v22, v9;
	v27 =	vadd.f32 v20, v21  }
0xc0: {  	v24 =	vadd.f32 v24, v12;
	v13 =	vld [tilespmem:$0x10720];
	v25 =	vadd.f32 v25, v12;
	v20 =	vmul.f32 v3, v1  }
0xc1: {  	v21 =	vadd.f32 v23, v12;
	v23 =	vmul.f32 v22, v11;
	v29 =	vmul.f32 v27, v4  }
0xc2: {  	v30 =	vadd.f32 v20, v19;
	v19 =	vadd.f32 v26, v12;
	v16 =	vmul.f32 v27, v7  }
0xc3: {  	v26 =	vmul.f32 v27, v11;
	v31 =	vmul.f32 v27, v10;
	v20 =	vadd.f32 v29, v25  }
0xc4: {  	v28 =	vadd.f32 v17, v12;
	v32 =	vmul.f32 v27, v5;
	v33 =	vmul.f32 v27, v8  }
0xc5: {  	v25 =	vmul.f32 v27, v9;
	v29 =	vmul.f32 v27, v13;
	v17 =	vadd.f32 v20, v18  }
0xc6: {  	v18 =	vmul.f32 v27, v6;
	v20 =	vadd.f32 v31, v23;
	v23 =	vmul.f32 v22, v13  }
0xc7: {  	v19 =	vadd.f32 v32, v19;
	v24 =	vadd.f32 v29, v24;
	v31 =	vmul.f32 v17, v4  }
0xc8: {  	v28 =	vadd.f32 v18, v28;
	v63 =	vmul.f32 v17, v9;
	v34 =	vadd.f32 v23, v12  }
0xc9: {  	v18 =	vmul.f32 v17, v7;
	v23 =	vmul.f32 v17, v6;
	v29 =	vadd.f32 v31, v19  }
0xca: {  	[tilespmem:s15+$0xFFFFFE80] =	vst v22;
	v22 =	vmul.f32 v17, v13;
	v31 =	vadd.f32 v25, v34;
	v25 =	vmul.f32 v17, v10  }
0xcb: {  	[tilespmem:s15+$0xFFFFFF00] =	vst v27;
	v27 =	vmul.f32 v17, v11;
	v19 =	vadd.f32 v33, v21;
	v21 =	vadd.f32 v29, v30  }
0xcc: {  	v24 =	vadd.f32 v63, v24;
	v29 =	vmul.f32 v17, v8;
	v26 =	vadd.f32 v25, v26  }
0xcd: {  	[tilespmem:s15+$0xFFFFFF80] =	vst v17;
	v25 =	vadd.f32 v22, v28;
	v22 =	vmul.f32 v21, v4;
	v28 =	vmul.f32 v21, v6  }
0xce: {  	s14 =	simm.s32 $0x0;
	[tilespmem:s15+$0x0] =	vst v21;
	v29 =	vadd.f32 v29, v31;
	v30 =	vmul.f32 v21, v7;
	v31 =	vmul.f32 v21, v10;
	s15 =	simm.s32 $0x3A0  }
.LBB2_6:
0xcf: {  	v32 =	vld [tilespmem:s15+$0xFFFFFF80];
	s14 =	sadd.s32 $0x4, s14;
	v12 =	vadd.f32 v15, v12;
	v15 =	vadd.f32 v23, v20;
	v20 =	vmul.f32 v21, v8;
	v23 =	vmovc v3  }
0xd0: {  	v3 =	vld [tilespmem:s15+$0x100];
	p0 =	slt.u32 s14, $0x1FC;
	v29 =	vadd.f32 v30, v29;
	v30 =	vmul.f32 v21, v13;
	v27 =	vadd.f32 v31, v27  }
0xd1: {  	v26 =	vadd.f32 v28, v26;
	v31 =	vld [tilespmem:s15+$0x0];
	v20 =	vadd.f32 v20, v24;
	v24 =	vmul.f32 v21, v9  }
0xd2: {  	v17 =	vmul.f32 v17, v5;
	v16 =	vadd.f32 v16, v12;
	v28 =	vld [tilespmem:s15+$0x80];
	v30 =	vadd.f32 v30, v15  }
0xd3: {  	v12 =	vadd.f32 v24, v25;
	v24 =	vmul.f32 v21, v11  }
0xd4: {  	v16 =	vadd.f32 v17, v16;
	v17 =	vmul.f32 v21, v5;
	v15 =	vmul.f32 v32, v1  }
0xd5: {  	v18 =	vadd.f32 v18, v19;
	v21 =	vmul.f32 v32, v2;
	v25 =	vmul.f32 v3, v0  }
0xd6: {  	v16 =	vadd.f32 v22, v16;
	v14 =	vadd.f32 v15, v14;
	v15 =	vmul.f32 v31, v0  }
0xd7: {  	v17 =	vadd.f32 v17, v18;
	v19 =	vmul.f32 v31, v2;
	v22 =	vmul.f32 v28, v0  }
0xd8: {  	v18 =	vmul.f32 v23, v2;
	v23 =	vadd.f32 v14, v16;
	v14 =	vmul.f32 v32, v0  }
0xd9: {  	v16 =	vmul.f32 v31, v1;
	v21 =	vadd.f32 v15, v21;
	v31 =	vmul.f32 v28, v2  }
0xda: {  	[tilespmem:s15+$0xFFFFFE80] =	vst v23;
	v15 =	vmul.f32 v23, v4;
	v32 =	vmul.f32 v23, v6;
	v14 =	vadd.f32 v14, v18  }
0xdb: {  	v19 =	vadd.f32 v22, v19;
	v18 =	vmul.f32 v23, v5;
	v33 =	vmul.f32 v23, v7  }
0xdc: {  	v17 =	vadd.f32 v15, v17;
	v15 =	vmul.f32 v23, v8;
	v16 =	vadd.f32 v16, v14  }
0xdd: {  	v22 =	vmul.f32 v23, v9;
	v27 =	vadd.f32 v32, v27;
	v14 =	vadd.f32 v25, v31  }
0xde: {  	v25 =	vmul.f32 v23, v10;
	v31 =	vadd.f32 v17, v16;
	v16 =	vmul.f32 v3, v1  }
0xdf: {  	v22 =	vadd.f32 v22, v30;
	v30 =	vmul.f32 v23, v11;
	v17 =	vmul.f32 v28, v1  }
0xe0: {  	v18 =	vadd.f32 v18, v29;
	[tilespmem:s15+$0xFFFFFF00] =	vst v31;
	v28 =	vmul.f32 v31, v4;
	v29 =	vadd.f32 v16, v19  }
0xe1: {  	v19 =	vadd.f32 v33, v20;
	v16 =	vmul.f32 v31, v7;
	v32 =	vmul.f32 v31, v11  }
0xe2: {  	v17 =	vadd.f32 v17, v21;
	v18 =	vadd.f32 v28, v18;
	v28 =	vmul.f32 v31, v9  }
0xe3: {  	v21 =	vadd.f32 v25, v24;
	v24 =	vmul.f32 v31, v13;
	v20 =	vmul.f32 v31, v10  }
0xe4: {  	v25 =	vmul.f32 v31, v5;
	v33 =	vmul.f32 v31, v8;
	v17 =	vadd.f32 v18, v17  }
0xe5: {  	v20 =	vadd.f32 v20, v30;
	v18 =	vmul.f32 v23, v13;
	v23 =	vmul.f32 v31, v6  }
0xe6: {  	v19 =	vadd.f32 v25, v19;
	[tilespmem:s15+$0xFFFFFF80] =	vst v17;
	v25 =	vmul.f32 v17, v4;
	v30 =	vmul.f32 v17, v9  }
0xe7: {  	v26 =	vadd.f32 v18, v26;
	v31 =	vadd.f32 v23, v21;
	v18 =	vmul.f32 v17, v7  }
0xe8: {  	v21 =	vadd.f32 v24, v27;
	v23 =	vmul.f32 v17, v6;
	v25 =	vadd.f32 v25, v19  }
.Ltmp2:
0xe9: {  	v19 =	vadd.f32 v33, v22;
	v33 =	vadd.f32 v28, v26;
	v22 =	vmul.f32 v17, v10;
	(pc) =	sbr.rel @p0 .LBB2_6-.Ltmp2, $4  }
0xea: {  	v24 =	vadd.f32 v30, v21;
	v28 =	vmul.f32 v17, v13;
	v21 =	vadd.f32 v25, v29  }
0xeb: {  	v27 =	vmul.f32 v17, v11;
	v29 =	vmul.f32 v17, v8;
	v26 =	vadd.f32 v22, v32  }
0xec: {  	v25 =	vadd.f32 v28, v31;
	[tilespmem:s15+$0x0] =	vst v21;
	v22 =	vmul.f32 v21, v4;
	v28 =	vmul.f32 v21, v6  }
0xed: {  	v29 =	vadd.f32 v29, v33;
	v30 =	vmul.f32 v21, v7;
	v31 =	vmul.f32 v21, v10;
	s15 =	sadd.s32 $0x200, s15  }
0xee: {  	v2 =	vld [tilespmem:$0x10430]  }
0xef: {  	v0 =	vld [tilespmem:$0x10C30]  }
0xf0: {  	v4 =	vld [tilespmem:$0x30]  }
0xf1: {  	v10 =	vld [tilespmem:$0xB0]  }
0xf2: {  	v1 =	vld [tilespmem:$0x10CB0];
	s15 =	simm.s32 $0x1B0  }
0xf3: {  	v11 =	vld [tilespmem:s15+$0xFFFFFF80]  }
0xf4: {  	v3 =	vld [tilespmem:s15+$0x100];
	v2 =	vadd.f32 $1.000000000e+00, v2  }
0xf5: {  	v13 =	vld [tilespmem:s15+$0x0]  }
0xf6: {  	v16 =	vld [tilespmem:s15+$0x80];
	v7 =	vmul.f32 v10, v0;
	v6 =	vmul.f32 v4, v2  }
0xf7: {  	v5 =	vld [tilespmem:$0x10530]  }
0xf8: {  	v9 =	vmul.f32 v11, v1;
	v4 =	vld [tilespmem:$0x104B0];
	v8 =	vadd.f32 v7, v6  }
0xf9: {  	v21 =	vmul.f32 v10, v2;
	v10 =	vld [tilespmem:$0x10830]  }
0xfa: {  	v17 =	vmul.f32 v3, v0;
	v18 =	vmul.f32 v13, v0;
	v6 =	vld [tilespmem:$0x107B0];
	v15 =	vadd.f32 v9, v8  }
0xfb: {  	v12 =	vimm.f32 $0.0e+00;
	v20 =	vmul.f32 v16, v0;
	v14 =	vmul.f32 v11, v2;
	v7 =	vld [tilespmem:$0x105B0]  }
0xfc: {  	v28 =	vmul.f32 v16, v1;
	v8 =	vld [tilespmem:$0x10630];
	v22 =	vadd.f32 v15, v12;
	v15 =	vmul.f32 v11, v0  }
0xfd: {  	v19 =	vmul.f32 v13, v2;
	v18 =	vadd.f32 v18, v14;
	v14 =	vmul.f32 v16, v2;
	v9 =	vld [tilespmem:$0x106B0]  }
0xfe: {  	v13 =	vmul.f32 v13, v1;
	v23 =	vmul.f32 v22, v4;
	v21 =	vadd.f32 v15, v21  }
0xff: {  	v19 =	vadd.f32 v20, v19;
	v14 =	vadd.f32 v17, v14;
	v11 =	vld [tilespmem:$0x108B0];
	v24 =	vmul.f32 v22, v6  }
0x100: {  	v25 =	vmul.f32 v22, v5;
	v20 =	vadd.f32 v23, v12;
	v21 =	vadd.f32 v13, v21  }
0x101: {  	v18 =	vadd.f32 v28, v18;
	v26 =	vmul.f32 v22, v7;
	v17 =	vmul.f32 v22, v10  }
0x102: {  	v15 =	vmul.f32 v22, v8;
	v23 =	vmul.f32 v22, v9;
	v27 =	vadd.f32 v20, v21  }
0x103: {  	v24 =	vadd.f32 v24, v12;
	v13 =	vld [tilespmem:$0x10730];
	v25 =	vadd.f32 v25, v12;
	v20 =	vmul.f32 v3, v1  }
0x104: {  	v21 =	vadd.f32 v23, v12;
	v23 =	vmul.f32 v22, v11;
	v29 =	vmul.f32 v27, v4  }
0x105: {  	v30 =	vadd.f32 v20, v19;
	v19 =	vadd.f32 v26, v12;
	v16 =	vmul.f32 v27, v7  }
0x106: {  	v26 =	vmul.f32 v27, v11;
	v31 =	vmul.f32 v27, v10;
	v20 =	vadd.f32 v29, v25  }
0x107: {  	v28 =	vadd.f32 v17, v12;
	v32 =	vmul.f32 v27, v5;
	v33 =	vmul.f32 v27, v8  }
0x108: {  	v25 =	vmul.f32 v27, v9;
	v29 =	vmul.f32 v27, v13;
	v17 =	vadd.f32 v20, v18  }
0x109: {  	v18 =	vmul.f32 v27, v6;
	v20 =	vadd.f32 v31, v23;
	v23 =	vmul.f32 v22, v13  }
0x10a: {  	v19 =	vadd.f32 v32, v19;
	v24 =	vadd.f32 v29, v24;
	v31 =	vmul.f32 v17, v4  }
0x10b: {  	v28 =	vadd.f32 v18, v28;
	v63 =	vmul.f32 v17, v9;
	v34 =	vadd.f32 v23, v12  }
0x10c: {  	v18 =	vmul.f32 v17, v7;
	v23 =	vmul.f32 v17, v6;
	v29 =	vadd.f32 v31, v19  }
0x10d: {  	[tilespmem:s15+$0xFFFFFE80] =	vst v22;
	v22 =	vmul.f32 v17, v13;
	v31 =	vadd.f32 v25, v34;
	v25 =	vmul.f32 v17, v10  }
0x10e: {  	[tilespmem:s15+$0xFFFFFF00] =	vst v27;
	v27 =	vmul.f32 v17, v11;
	v19 =	vadd.f32 v33, v21;
	v21 =	vadd.f32 v29, v30  }
0x10f: {  	v24 =	vadd.f32 v63, v24;
	v29 =	vmul.f32 v17, v8;
	v26 =	vadd.f32 v25, v26  }
0x110: {  	[tilespmem:s15+$0xFFFFFF80] =	vst v17;
	v25 =	vadd.f32 v22, v28;
	v22 =	vmul.f32 v21, v4;
	v28 =	vmul.f32 v21, v6  }
0x111: {  	s14 =	simm.s32 $0x0;
	[tilespmem:s15+$0x0] =	vst v21;
	v29 =	vadd.f32 v29, v31;
	v30 =	vmul.f32 v21, v7;
	v31 =	vmul.f32 v21, v10;
	s15 =	simm.s32 $0x3B0  }
.LBB2_8:
0x112: {  	v32 =	vld [tilespmem:s15+$0xFFFFFF80];
	s14 =	sadd.s32 $0x4, s14;
	v12 =	vadd.f32 v15, v12;
	v15 =	vadd.f32 v23, v20;
	v20 =	vmul.f32 v21, v8;
	v23 =	vmovc v3  }
0x113: {  	v3 =	vld [tilespmem:s15+$0x100];
	p0 =	slt.u32 s14, $0x1FC;
	v29 =	vadd.f32 v30, v29;
	v30 =	vmul.f32 v21, v13;
	v27 =	vadd.f32 v31, v27  }
0x114: {  	v26 =	vadd.f32 v28, v26;
	v31 =	vld [tilespmem:s15+$0x0];
	v20 =	vadd.f32 v20, v24;
	v24 =	vmul.f32 v21, v9  }
0x115: {  	v17 =	vmul.f32 v17, v5;
	v16 =	vadd.f32 v16, v12;
	v28 =	vld [tilespmem:s15+$0x80];
	v30 =	vadd.f32 v30, v15  }
0x116: {  	v12 =	vadd.f32 v24, v25;
	v24 =	vmul.f32 v21, v11  }
0x117: {  	v16 =	vadd.f32 v17, v16;
	v17 =	vmul.f32 v21, v5;
	v15 =	vmul.f32 v32, v1  }
0x118: {  	v18 =	vadd.f32 v18, v19;
	v21 =	vmul.f32 v32, v2;
	v25 =	vmul.f32 v3, v0  }
0x119: {  	v16 =	vadd.f32 v22, v16;
	v14 =	vadd.f32 v15, v14;
	v15 =	vmul.f32 v31, v0  }
0x11a: {  	v17 =	vadd.f32 v17, v18;
	v19 =	vmul.f32 v31, v2;
	v22 =	vmul.f32 v28, v0  }
0x11b: {  	v18 =	vmul.f32 v23, v2;
	v23 =	vadd.f32 v14, v16;
	v14 =	vmul.f32 v32, v0  }
0x11c: {  	v16 =	vmul.f32 v31, v1;
	v21 =	vadd.f32 v15, v21;
	v31 =	vmul.f32 v28, v2  }
0x11d: {  	[tilespmem:s15+$0xFFFFFE80] =	vst v23;
	v15 =	vmul.f32 v23, v4;
	v32 =	vmul.f32 v23, v6;
	v14 =	vadd.f32 v14, v18  }
0x11e: {  	v19 =	vadd.f32 v22, v19;
	v18 =	vmul.f32 v23, v5;
	v33 =	vmul.f32 v23, v7  }
0x11f: {  	v17 =	vadd.f32 v15, v17;
	v15 =	vmul.f32 v23, v8;
	v16 =	vadd.f32 v16, v14  }
0x120: {  	v22 =	vmul.f32 v23, v9;
	v27 =	vadd.f32 v32, v27;
	v14 =	vadd.f32 v25, v31  }
0x121: {  	v25 =	vmul.f32 v23, v10;
	v31 =	vadd.f32 v17, v16;
	v16 =	vmul.f32 v3, v1  }
0x122: {  	v22 =	vadd.f32 v22, v30;
	v30 =	vmul.f32 v23, v11;
	v17 =	vmul.f32 v28, v1  }
0x123: {  	v18 =	vadd.f32 v18, v29;
	[tilespmem:s15+$0xFFFFFF00] =	vst v31;
	v28 =	vmul.f32 v31, v4;
	v29 =	vadd.f32 v16, v19  }
0x124: {  	v19 =	vadd.f32 v33, v20;
	v16 =	vmul.f32 v31, v7;
	v32 =	vmul.f32 v31, v11  }
0x125: {  	v17 =	vadd.f32 v17, v21;
	v18 =	vadd.f32 v28, v18;
	v28 =	vmul.f32 v31, v9  }
0x126: {  	v21 =	vadd.f32 v25, v24;
	v24 =	vmul.f32 v31, v13;
	v20 =	vmul.f32 v31, v10  }
0x127: {  	v25 =	vmul.f32 v31, v5;
	v33 =	vmul.f32 v31, v8;
	v17 =	vadd.f32 v18, v17  }
0x128: {  	v20 =	vadd.f32 v20, v30;
	v18 =	vmul.f32 v23, v13;
	v23 =	vmul.f32 v31, v6  }
0x129: {  	v19 =	vadd.f32 v25, v19;
	[tilespmem:s15+$0xFFFFFF80] =	vst v17;
	v25 =	vmul.f32 v17, v4;
	v30 =	vmul.f32 v17, v9  }
0x12a: {  	v26 =	vadd.f32 v18, v26;
	v31 =	vadd.f32 v23, v21;
	v18 =	vmul.f32 v17, v7  }
0x12b: {  	v21 =	vadd.f32 v24, v27;
	v23 =	vmul.f32 v17, v6;
	v25 =	vadd.f32 v25, v19  }
.Ltmp3:
0x12c: {  	v19 =	vadd.f32 v33, v22;
	v33 =	vadd.f32 v28, v26;
	v22 =	vmul.f32 v17, v10;
	(pc) =	sbr.rel @p0 .LBB2_8-.Ltmp3, $4  }
0x12d: {  	v24 =	vadd.f32 v30, v21;
	v28 =	vmul.f32 v17, v13;
	v21 =	vadd.f32 v25, v29  }
0x12e: {  	v27 =	vmul.f32 v17, v11;
	v29 =	vmul.f32 v17, v8;
	v26 =	vadd.f32 v22, v32  }
0x12f: {  	v25 =	vadd.f32 v28, v31;
	[tilespmem:s15+$0x0] =	vst v21;
	v22 =	vmul.f32 v21, v4;
	v28 =	vmul.f32 v21, v6  }
0x130: {  	v29 =	vadd.f32 v29, v33;
	v30 =	vmul.f32 v21, v7;
	v31 =	vmul.f32 v21, v10;
	s15 =	sadd.s32 $0x200, s15  }
0x131: {  	v2 =	vld [tilespmem:$0x10440]  }
0x132: {  	v0 =	vld [tilespmem:$0x10C40]  }
0x133: {  	v4 =	vld [tilespmem:$0x40]  }
0x134: {  	v10 =	vld [tilespmem:$0xC0]  }
0x135: {  	v1 =	vld [tilespmem:$0x10CC0];
	s15 =	simm.s32 $0x1C0  }
0x136: {  	v11 =	vld [tilespmem:s15+$0xFFFFFF80]  }
0x137: {  	v3 =	vld [tilespmem:s15+$0x100];
	v2 =	vadd.f32 $1.000000000e+00, v2  }
0x138: {  	v13 =	vld [tilespmem:s15+$0x0]  }
0x139: {  	v16 =	vld [tilespmem:s15+$0x80];
	v7 =	vmul.f32 v10, v0;
	v6 =	vmul.f32 v4, v2  }
0x13a: {  	v5 =	vld [tilespmem:$0x10540]  }
0x13b: {  	v9 =	vmul.f32 v11, v1;
	v4 =	vld [tilespmem:$0x104C0];
	v8 =	vadd.f32 v7, v6  }
0x13c: {  	v21 =	vmul.f32 v10, v2;
	v10 =	vld [tilespmem:$0x10840]  }
0x13d: {  	v17 =	vmul.f32 v3, v0;
	v18 =	vmul.f32 v13, v0;
	v6 =	vld [tilespmem:$0x107C0];
	v15 =	vadd.f32 v9, v8  }
0x13e: {  	v12 =	vimm.f32 $0.0e+00;
	v20 =	vmul.f32 v16, v0;
	v14 =	vmul.f32 v11, v2;
	v7 =	vld [tilespmem:$0x105C0]  }
0x13f: {  	v28 =	vmul.f32 v16, v1;
	v8 =	vld [tilespmem:$0x10640];
	v22 =	vadd.f32 v15, v12;
	v15 =	vmul.f32 v11, v0  }
0x140: {  	v19 =	vmul.f32 v13, v2;
	v18 =	vadd.f32 v18, v14;
	v14 =	vmul.f32 v16, v2;
	v9 =	vld [tilespmem:$0x106C0]  }
0x141: {  	v13 =	vmul.f32 v13, v1;
	v23 =	vmul.f32 v22, v4;
	v21 =	vadd.f32 v15, v21  }
0x142: {  	v19 =	vadd.f32 v20, v19;
	v14 =	vadd.f32 v17, v14;
	v11 =	vld [tilespmem:$0x108C0];
	v24 =	vmul.f32 v22, v6  }
0x143: {  	v25 =	vmul.f32 v22, v5;
	v20 =	vadd.f32 v23, v12;
	v21 =	vadd.f32 v13, v21  }
0x144: {  	v18 =	vadd.f32 v28, v18;
	v26 =	vmul.f32 v22, v7;
	v17 =	vmul.f32 v22, v10  }
0x145: {  	v15 =	vmul.f32 v22, v8;
	v23 =	vmul.f32 v22, v9;
	v27 =	vadd.f32 v20, v21  }
0x146: {  	v24 =	vadd.f32 v24, v12;
	v13 =	vld [tilespmem:$0x10740];
	v25 =	vadd.f32 v25, v12;
	v20 =	vmul.f32 v3, v1  }
0x147: {  	v21 =	vadd.f32 v23, v12;
	v23 =	vmul.f32 v22, v11;
	v29 =	vmul.f32 v27, v4  }
0x148: {  	v30 =	vadd.f32 v20, v19;
	v19 =	vadd.f32 v26, v12;
	v16 =	vmul.f32 v27, v7  }
0x149: {  	v26 =	vmul.f32 v27, v11;
	v31 =	vmul.f32 v27, v10;
	v20 =	vadd.f32 v29, v25  }
0x14a: {  	v28 =	vadd.f32 v17, v12;
	v32 =	vmul.f32 v27, v5;
	v33 =	vmul.f32 v27, v8  }
0x14b: {  	v25 =	vmul.f32 v27, v9;
	v29 =	vmul.f32 v27, v13;
	v17 =	vadd.f32 v20, v18  }
0x14c: {  	v18 =	vmul.f32 v27, v6;
	v20 =	vadd.f32 v31, v23;
	v23 =	vmul.f32 v22, v13  }
0x14d: {  	v19 =	vadd.f32 v32, v19;
	v24 =	vadd.f32 v29, v24;
	v31 =	vmul.f32 v17, v4  }
0x14e: {  	v28 =	vadd.f32 v18, v28;
	v63 =	vmul.f32 v17, v9;
	v34 =	vadd.f32 v23, v12  }
0x14f: {  	v18 =	vmul.f32 v17, v7;
	v23 =	vmul.f32 v17, v6;
	v29 =	vadd.f32 v31, v19  }
0x150: {  	[tilespmem:s15+$0xFFFFFE80] =	vst v22;
	v22 =	vmul.f32 v17, v13;
	v31 =	vadd.f32 v25, v34;
	v25 =	vmul.f32 v17, v10  }
0x151: {  	[tilespmem:s15+$0xFFFFFF00] =	vst v27;
	v27 =	vmul.f32 v17, v11;
	v19 =	vadd.f32 v33, v21;
	v21 =	vadd.f32 v29, v30  }
0x152: {  	v24 =	vadd.f32 v63, v24;
	v29 =	vmul.f32 v17, v8;
	v26 =	vadd.f32 v25, v26  }
0x153: {  	[tilespmem:s15+$0xFFFFFF80] =	vst v17;
	v25 =	vadd.f32 v22, v28;
	v22 =	vmul.f32 v21, v4;
	v28 =	vmul.f32 v21, v6  }
0x154: {  	s14 =	simm.s32 $0x0;
	[tilespmem:s15+$0x0] =	vst v21;
	v29 =	vadd.f32 v29, v31;
	v30 =	vmul.f32 v21, v7;
	v31 =	vmul.f32 v21, v10;
	s15 =	simm.s32 $0x3C0  }
.LBB2_10:
0x155: {  	v32 =	vld [tilespmem:s15+$0xFFFFFF80];
	s14 =	sadd.s32 $0x4, s14;
	v12 =	vadd.f32 v15, v12;
	v15 =	vadd.f32 v23, v20;
	v20 =	vmul.f32 v21, v8;
	v23 =	vmovc v3  }
0x156: {  	v3 =	vld [tilespmem:s15+$0x100];
	p0 =	slt.u32 s14, $0x1FC;
	v29 =	vadd.f32 v30, v29;
	v30 =	vmul.f32 v21, v13;
	v27 =	vadd.f32 v31, v27  }
0x157: {  	v26 =	vadd.f32 v28, v26;
	v31 =	vld [tilespmem:s15+$0x0];
	v20 =	vadd.f32 v20, v24;
	v24 =	vmul.f32 v21, v9  }
0x158: {  	v17 =	vmul.f32 v17, v5;
	v16 =	vadd.f32 v16, v12;
	v28 =	vld [tilespmem:s15+$0x80];
	v30 =	vadd.f32 v30, v15  }
0x159: {  	v12 =	vadd.f32 v24, v25;
	v24 =	vmul.f32 v21, v11  }
0x15a: {  	v16 =	vadd.f32 v17, v16;
	v17 =	vmul.f32 v21, v5;
	v15 =	vmul.f32 v32, v1  }
0x15b: {  	v18 =	vadd.f32 v18, v19;
	v21 =	vmul.f32 v32, v2;
	v25 =	vmul.f32 v3, v0  }
0x15c: {  	v16 =	vadd.f32 v22, v16;
	v14 =	vadd.f32 v15, v14;
	v15 =	vmul.f32 v31, v0  }
0x15d: {  	v17 =	vadd.f32 v17, v18;
	v19 =	vmul.f32 v31, v2;
	v22 =	vmul.f32 v28, v0  }
0x15e: {  	v18 =	vmul.f32 v23, v2;
	v23 =	vadd.f32 v14, v16;
	v14 =	vmul.f32 v32, v0  }
0x15f: {  	v16 =	vmul.f32 v31, v1;
	v21 =	vadd.f32 v15, v21;
	v31 =	vmul.f32 v28, v2  }
0x160: {  	[tilespmem:s15+$0xFFFFFE80] =	vst v23;
	v15 =	vmul.f32 v23, v4;
	v32 =	vmul.f32 v23, v6;
	v14 =	vadd.f32 v14, v18  }
0x161: {  	v19 =	vadd.f32 v22, v19;
	v18 =	vmul.f32 v23, v5;
	v33 =	vmul.f32 v23, v7  }
0x162: {  	v17 =	vadd.f32 v15, v17;
	v15 =	vmul.f32 v23, v8;
	v16 =	vadd.f32 v16, v14  }
0x163: {  	v22 =	vmul.f32 v23, v9;
	v27 =	vadd.f32 v32, v27;
	v14 =	vadd.f32 v25, v31  }
0x164: {  	v25 =	vmul.f32 v23, v10;
	v31 =	vadd.f32 v17, v16;
	v16 =	vmul.f32 v3, v1  }
0x165: {  	v22 =	vadd.f32 v22, v30;
	v30 =	vmul.f32 v23, v11;
	v17 =	vmul.f32 v28, v1  }
0x166: {  	v18 =	vadd.f32 v18, v29;
	[tilespmem:s15+$0xFFFFFF00] =	vst v31;
	v28 =	vmul.f32 v31, v4;
	v29 =	vadd.f32 v16, v19  }
0x167: {  	v19 =	vadd.f32 v33, v20;
	v16 =	vmul.f32 v31, v7;
	v32 =	vmul.f32 v31, v11  }
0x168: {  	v17 =	vadd.f32 v17, v21;
	v18 =	vadd.f32 v28, v18;
	v28 =	vmul.f32 v31, v9  }
0x169: {  	v21 =	vadd.f32 v25, v24;
	v24 =	vmul.f32 v31, v13;
	v20 =	vmul.f32 v31, v10  }
0x16a: {  	v25 =	vmul.f32 v31, v5;
	v33 =	vmul.f32 v31, v8;
	v17 =	vadd.f32 v18, v17  }
0x16b: {  	v20 =	vadd.f32 v20, v30;
	v18 =	vmul.f32 v23, v13;
	v23 =	vmul.f32 v31, v6  }
0x16c: {  	v19 =	vadd.f32 v25, v19;
	[tilespmem:s15+$0xFFFFFF80] =	vst v17;
	v25 =	vmul.f32 v17, v4;
	v30 =	vmul.f32 v17, v9  }
0x16d: {  	v26 =	vadd.f32 v18, v26;
	v31 =	vadd.f32 v23, v21;
	v18 =	vmul.f32 v17, v7  }
0x16e: {  	v21 =	vadd.f32 v24, v27;
	v23 =	vmul.f32 v17, v6;
	v25 =	vadd.f32 v25, v19  }
.Ltmp4:
0x16f: {  	v19 =	vadd.f32 v33, v22;
	v33 =	vadd.f32 v28, v26;
	v22 =	vmul.f32 v17, v10;
	(pc) =	sbr.rel @p0 .LBB2_10-.Ltmp4, $4  }
0x170: {  	v24 =	vadd.f32 v30, v21;
	v28 =	vmul.f32 v17, v13;
	v21 =	vadd.f32 v25, v29  }
0x171: {  	v27 =	vmul.f32 v17, v11;
	v29 =	vmul.f32 v17, v8;
	v26 =	vadd.f32 v22, v32  }
0x172: {  	v25 =	vadd.f32 v28, v31;
	[tilespmem:s15+$0x0] =	vst v21;
	v22 =	vmul.f32 v21, v4;
	v28 =	vmul.f32 v21, v6  }
0x173: {  	v29 =	vadd.f32 v29, v33;
	v30 =	vmul.f32 v21, v7;
	v31 =	vmul.f32 v21, v10;
	s15 =	sadd.s32 $0x200, s15  }
0x174: {  	v2 =	vld [tilespmem:$0x10450]  }
0x175: {  	v0 =	vld [tilespmem:$0x10C50]  }
0x176: {  	v4 =	vld [tilespmem:$0x50]  }
0x177: {  	v10 =	vld [tilespmem:$0xD0]  }
0x178: {  	v1 =	vld [tilespmem:$0x10CD0];
	s15 =	simm.s32 $0x1D0  }
0x179: {  	v11 =	vld [tilespmem:s15+$0xFFFFFF80]  }
0x17a: {  	v3 =	vld [tilespmem:s15+$0x100];
	v2 =	vadd.f32 $1.000000000e+00, v2  }
0x17b: {  	v13 =	vld [tilespmem:s15+$0x0]  }
0x17c: {  	v16 =	vld [tilespmem:s15+$0x80];
	v7 =	vmul.f32 v10, v0;
	v6 =	vmul.f32 v4, v2  }
0x17d: {  	v5 =	vld [tilespmem:$0x10550]  }
0x17e: {  	v9 =	vmul.f32 v11, v1;
	v4 =	vld [tilespmem:$0x104D0];
	v8 =	vadd.f32 v7, v6  }
0x17f: {  	v21 =	vmul.f32 v10, v2;
	v10 =	vld [tilespmem:$0x10850]  }
0x180: {  	v17 =	vmul.f32 v3, v0;
	v18 =	vmul.f32 v13, v0;
	v6 =	vld [tilespmem:$0x107D0];
	v15 =	vadd.f32 v9, v8  }
0x181: {  	v12 =	vimm.f32 $0.0e+00;
	v20 =	vmul.f32 v16, v0;
	v14 =	vmul.f32 v11, v2;
	v7 =	vld [tilespmem:$0x105D0]  }
0x182: {  	v28 =	vmul.f32 v16, v1;
	v8 =	vld [tilespmem:$0x10650];
	v22 =	vadd.f32 v15, v12;
	v15 =	vmul.f32 v11, v0  }
0x183: {  	v19 =	vmul.f32 v13, v2;
	v18 =	vadd.f32 v18, v14;
	v14 =	vmul.f32 v16, v2;
	v9 =	vld [tilespmem:$0x106D0]  }
0x184: {  	v13 =	vmul.f32 v13, v1;
	v23 =	vmul.f32 v22, v4;
	v21 =	vadd.f32 v15, v21  }
0x185: {  	v19 =	vadd.f32 v20, v19;
	v14 =	vadd.f32 v17, v14;
	v11 =	vld [tilespmem:$0x108D0];
	v24 =	vmul.f32 v22, v6  }
0x186: {  	v25 =	vmul.f32 v22, v5;
	v20 =	vadd.f32 v23, v12;
	v21 =	vadd.f32 v13, v21  }
0x187: {  	v18 =	vadd.f32 v28, v18;
	v26 =	vmul.f32 v22, v7;
	v17 =	vmul.f32 v22, v10  }
0x188: {  	v15 =	vmul.f32 v22, v8;
	v23 =	vmul.f32 v22, v9;
	v27 =	vadd.f32 v20, v21  }
0x189: {  	v24 =	vadd.f32 v24, v12;
	v13 =	vld [tilespmem:$0x10750];
	v25 =	vadd.f32 v25, v12;
	v20 =	vmul.f32 v3, v1  }
0x18a: {  	v21 =	vadd.f32 v23, v12;
	v23 =	vmul.f32 v22, v11;
	v29 =	vmul.f32 v27, v4  }
0x18b: {  	v30 =	vadd.f32 v20, v19;
	v19 =	vadd.f32 v26, v12;
	v16 =	vmul.f32 v27, v7  }
0x18c: {  	v26 =	vmul.f32 v27, v11;
	v31 =	vmul.f32 v27, v10;
	v20 =	vadd.f32 v29, v25  }
0x18d: {  	v28 =	vadd.f32 v17, v12;
	v32 =	vmul.f32 v27, v5;
	v33 =	vmul.f32 v27, v8  }
0x18e: {  	v25 =	vmul.f32 v27, v9;
	v29 =	vmul.f32 v27, v13;
	v17 =	vadd.f32 v20, v18  }
0x18f: {  	v18 =	vmul.f32 v27, v6;
	v20 =	vadd.f32 v31, v23;
	v23 =	vmul.f32 v22, v13  }
0x190: {  	v19 =	vadd.f32 v32, v19;
	v24 =	vadd.f32 v29, v24;
	v31 =	vmul.f32 v17, v4  }
0x191: {  	v28 =	vadd.f32 v18, v28;
	v63 =	vmul.f32 v17, v9;
	v34 =	vadd.f32 v23, v12  }
0x192: {  	v18 =	vmul.f32 v17, v7;
	v23 =	vmul.f32 v17, v6;
	v29 =	vadd.f32 v31, v19  }
0x193: {  	[tilespmem:s15+$0xFFFFFE80] =	vst v22;
	v22 =	vmul.f32 v17, v13;
	v31 =	vadd.f32 v25, v34;
	v25 =	vmul.f32 v17, v10  }
0x194: {  	[tilespmem:s15+$0xFFFFFF00] =	vst v27;
	v27 =	vmul.f32 v17, v11;
	v19 =	vadd.f32 v33, v21;
	v21 =	vadd.f32 v29, v30  }
0x195: {  	v24 =	vadd.f32 v63, v24;
	v29 =	vmul.f32 v17, v8;
	v26 =	vadd.f32 v25, v26  }
0x196: {  	[tilespmem:s15+$0xFFFFFF80] =	vst v17;
	v25 =	vadd.f32 v22, v28;
	v22 =	vmul.f32 v21, v4;
	v28 =	vmul.f32 v21, v6  }
0x197: {  	s14 =	simm.s32 $0x0;
	[tilespmem:s15+$0x0] =	vst v21;
	v29 =	vadd.f32 v29, v31;
	v30 =	vmul.f32 v21, v7;
	v31 =	vmul.f32 v21, v10;
	s15 =	simm.s32 $0x3D0  }
.LBB2_12:
0x198: {  	v32 =	vld [tilespmem:s15+$0xFFFFFF80];
	s14 =	sadd.s32 $0x4, s14;
	v12 =	vadd.f32 v15, v12;
	v15 =	vadd.f32 v23, v20;
	v20 =	vmul.f32 v21, v8;
	v23 =	vmovc v3  }
0x199: {  	v3 =	vld [tilespmem:s15+$0x100];
	p0 =	slt.u32 s14, $0x1FC;
	v29 =	vadd.f32 v30, v29;
	v30 =	vmul.f32 v21, v13;
	v27 =	vadd.f32 v31, v27  }
0x19a: {  	v26 =	vadd.f32 v28, v26;
	v31 =	vld [tilespmem:s15+$0x0];
	v20 =	vadd.f32 v20, v24;
	v24 =	vmul.f32 v21, v9  }
0x19b: {  	v17 =	vmul.f32 v17, v5;
	v16 =	vadd.f32 v16, v12;
	v28 =	vld [tilespmem:s15+$0x80];
	v30 =	vadd.f32 v30, v15  }
0x19c: {  	v12 =	vadd.f32 v24, v25;
	v24 =	vmul.f32 v21, v11  }
0x19d: {  	v16 =	vadd.f32 v17, v16;
	v17 =	vmul.f32 v21, v5;
	v15 =	vmul.f32 v32, v1  }
0x19e: {  	v18 =	vadd.f32 v18, v19;
	v21 =	vmul.f32 v32, v2;
	v25 =	vmul.f32 v3, v0  }
0x19f: {  	v16 =	vadd.f32 v22, v16;
	v14 =	vadd.f32 v15, v14;
	v15 =	vmul.f32 v31, v0  }
0x1a0: {  	v17 =	vadd.f32 v17, v18;
	v19 =	vmul.f32 v31, v2;
	v22 =	vmul.f32 v28, v0  }
0x1a1: {  	v18 =	vmul.f32 v23, v2;
	v23 =	vadd.f32 v14, v16;
	v14 =	vmul.f32 v32, v0  }
0x1a2: {  	v16 =	vmul.f32 v31, v1;
	v21 =	vadd.f32 v15, v21;
	v31 =	vmul.f32 v28, v2  }
0x1a3: {  	[tilespmem:s15+$0xFFFFFE80] =	vst v23;
	v15 =	vmul.f32 v23, v4;
	v32 =	vmul.f32 v23, v6;
	v14 =	vadd.f32 v14, v18  }
0x1a4: {  	v19 =	vadd.f32 v22, v19;
	v18 =	vmul.f32 v23, v5;
	v33 =	vmul.f32 v23, v7  }
0x1a5: {  	v17 =	vadd.f32 v15, v17;
	v15 =	vmul.f32 v23, v8;
	v16 =	vadd.f32 v16, v14  }
0x1a6: {  	v22 =	vmul.f32 v23, v9;
	v27 =	vadd.f32 v32, v27;
	v14 =	vadd.f32 v25, v31  }
0x1a7: {  	v25 =	vmul.f32 v23, v10;
	v31 =	vadd.f32 v17, v16;
	v16 =	vmul.f32 v3, v1  }
0x1a8: {  	v22 =	vadd.f32 v22, v30;
	v30 =	vmul.f32 v23, v11;
	v17 =	vmul.f32 v28, v1  }
0x1a9: {  	v18 =	vadd.f32 v18, v29;
	[tilespmem:s15+$0xFFFFFF00] =	vst v31;
	v28 =	vmul.f32 v31, v4;
	v29 =	vadd.f32 v16, v19  }
0x1aa: {  	v19 =	vadd.f32 v33, v20;
	v16 =	vmul.f32 v31, v7;
	v32 =	vmul.f32 v31, v11  }
0x1ab: {  	v17 =	vadd.f32 v17, v21;
	v18 =	vadd.f32 v28, v18;
	v28 =	vmul.f32 v31, v9  }
0x1ac: {  	v21 =	vadd.f32 v25, v24;
	v24 =	vmul.f32 v31, v13;
	v20 =	vmul.f32 v31, v10  }
0x1ad: {  	v25 =	vmul.f32 v31, v5;
	v33 =	vmul.f32 v31, v8;
	v17 =	vadd.f32 v18, v17  }
0x1ae: {  	v20 =	vadd.f32 v20, v30;
	v18 =	vmul.f32 v23, v13;
	v23 =	vmul.f32 v31, v6  }
0x1af: {  	v19 =	vadd.f32 v25, v19;
	[tilespmem:s15+$0xFFFFFF80] =	vst v17;
	v25 =	vmul.f32 v17, v4;
	v30 =	vmul.f32 v17, v9  }
0x1b0: {  	v26 =	vadd.f32 v18, v26;
	v31 =	vadd.f32 v23, v21;
	v18 =	vmul.f32 v17, v7  }
0x1b1: {  	v21 =	vadd.f32 v24, v27;
	v23 =	vmul.f32 v17, v6;
	v25 =	vadd.f32 v25, v19  }
.Ltmp5:
0x1b2: {  	v19 =	vadd.f32 v33, v22;
	v33 =	vadd.f32 v28, v26;
	v22 =	vmul.f32 v17, v10;
	(pc) =	sbr.rel @p0 .LBB2_12-.Ltmp5, $4  }
0x1b3: {  	v24 =	vadd.f32 v30, v21;
	v28 =	vmul.f32 v17, v13;
	v21 =	vadd.f32 v25, v29  }
0x1b4: {  	v27 =	vmul.f32 v17, v11;
	v29 =	vmul.f32 v17, v8;
	v26 =	vadd.f32 v22, v32  }
0x1b5: {  	v25 =	vadd.f32 v28, v31;
	[tilespmem:s15+$0x0] =	vst v21;
	v22 =	vmul.f32 v21, v4;
	v28 =	vmul.f32 v21, v6  }
0x1b6: {  	v29 =	vadd.f32 v29, v33;
	v30 =	vmul.f32 v21, v7;
	v31 =	vmul.f32 v21, v10;
	s15 =	sadd.s32 $0x200, s15  }
0x1b7: {  	v2 =	vld [tilespmem:$0x10460]  }
0x1b8: {  	v0 =	vld [tilespmem:$0x10C60]  }
0x1b9: {  	v4 =	vld [tilespmem:$0x60]  }
0x1ba: {  	v10 =	vld [tilespmem:$0xE0]  }
0x1bb: {  	v1 =	vld [tilespmem:$0x10CE0];
	s15 =	simm.s32 $0x1E0  }
0x1bc: {  	v11 =	vld [tilespmem:s15+$0xFFFFFF80]  }
0x1bd: {  	v3 =	vld [tilespmem:s15+$0x100];
	v2 =	vadd.f32 $1.000000000e+00, v2  }
0x1be: {  	v13 =	vld [tilespmem:s15+$0x0]  }
0x1bf: {  	v16 =	vld [tilespmem:s15+$0x80];
	v7 =	vmul.f32 v10, v0;
	v6 =	vmul.f32 v4, v2  }
0x1c0: {  	v5 =	vld [tilespmem:$0x10560]  }
0x1c1: {  	v9 =	vmul.f32 v11, v1;
	v4 =	vld [tilespmem:$0x104E0];
	v8 =	vadd.f32 v7, v6  }
0x1c2: {  	v21 =	vmul.f32 v10, v2;
	v10 =	vld [tilespmem:$0x10860]  }
0x1c3: {  	v17 =	vmul.f32 v3, v0;
	v18 =	vmul.f32 v13, v0;
	v6 =	vld [tilespmem:$0x107E0];
	v15 =	vadd.f32 v9, v8  }
0x1c4: {  	v12 =	vimm.f32 $0.0e+00;
	v20 =	vmul.f32 v16, v0;
	v14 =	vmul.f32 v11, v2;
	v7 =	vld [tilespmem:$0x105E0]  }
0x1c5: {  	v28 =	vmul.f32 v16, v1;
	v8 =	vld [tilespmem:$0x10660];
	v22 =	vadd.f32 v15, v12;
	v15 =	vmul.f32 v11, v0  }
0x1c6: {  	v19 =	vmul.f32 v13, v2;
	v18 =	vadd.f32 v18, v14;
	v14 =	vmul.f32 v16, v2;
	v9 =	vld [tilespmem:$0x106E0]  }
0x1c7: {  	v13 =	vmul.f32 v13, v1;
	v23 =	vmul.f32 v22, v4;
	v21 =	vadd.f32 v15, v21  }
0x1c8: {  	v19 =	vadd.f32 v20, v19;
	v14 =	vadd.f32 v17, v14;
	v11 =	vld [tilespmem:$0x108E0];
	v24 =	vmul.f32 v22, v6  }
0x1c9: {  	v25 =	vmul.f32 v22, v5;
	v20 =	vadd.f32 v23, v12;
	v21 =	vadd.f32 v13, v21  }
0x1ca: {  	v18 =	vadd.f32 v28, v18;
	v26 =	vmul.f32 v22, v7;
	v17 =	vmul.f32 v22, v10  }
0x1cb: {  	v15 =	vmul.f32 v22, v8;
	v23 =	vmul.f32 v22, v9;
	v27 =	vadd.f32 v20, v21  }
0x1cc: {  	v24 =	vadd.f32 v24, v12;
	v13 =	vld [tilespmem:$0x10760];
	v25 =	vadd.f32 v25, v12;
	v20 =	vmul.f32 v3, v1  }
0x1cd: {  	v21 =	vadd.f32 v23, v12;
	v23 =	vmul.f32 v22, v11;
	v29 =	vmul.f32 v27, v4  }
0x1ce: {  	v30 =	vadd.f32 v20, v19;
	v19 =	vadd.f32 v26, v12;
	v16 =	vmul.f32 v27, v7  }
0x1cf: {  	v26 =	vmul.f32 v27, v11;
	v31 =	vmul.f32 v27, v10;
	v20 =	vadd.f32 v29, v25  }
0x1d0: {  	v28 =	vadd.f32 v17, v12;
	v32 =	vmul.f32 v27, v5;
	v33 =	vmul.f32 v27, v8  }
0x1d1: {  	v25 =	vmul.f32 v27, v9;
	v29 =	vmul.f32 v27, v13;
	v17 =	vadd.f32 v20, v18  }
0x1d2: {  	v18 =	vmul.f32 v27, v6;
	v20 =	vadd.f32 v31, v23;
	v23 =	vmul.f32 v22, v13  }
0x1d3: {  	v19 =	vadd.f32 v32, v19;
	v24 =	vadd.f32 v29, v24;
	v31 =	vmul.f32 v17, v4  }
0x1d4: {  	v28 =	vadd.f32 v18, v28;
	v63 =	vmul.f32 v17, v9;
	v34 =	vadd.f32 v23, v12  }
0x1d5: {  	v18 =	vmul.f32 v17, v7;
	v23 =	vmul.f32 v17, v6;
	v29 =	vadd.f32 v31, v19  }
0x1d6: {  	[tilespmem:s15+$0xFFFFFE80] =	vst v22;
	v22 =	vmul.f32 v17, v13;
	v31 =	vadd.f32 v25, v34;
	v25 =	vmul.f32 v17, v10  }
0x1d7: {  	[tilespmem:s15+$0xFFFFFF00] =	vst v27;
	v27 =	vmul.f32 v17, v11;
	v19 =	vadd.f32 v33, v21;
	v21 =	vadd.f32 v29, v30  }
0x1d8: {  	v24 =	vadd.f32 v63, v24;
	v29 =	vmul.f32 v17, v8;
	v26 =	vadd.f32 v25, v26  }
0x1d9: {  	[tilespmem:s15+$0xFFFFFF80] =	vst v17;
	v25 =	vadd.f32 v22, v28;
	v22 =	vmul.f32 v21, v4;
	v28 =	vmul.f32 v21, v6  }
0x1da: {  	s14 =	simm.s32 $0x0;
	[tilespmem:s15+$0x0] =	vst v21;
	v29 =	vadd.f32 v29, v31;
	v30 =	vmul.f32 v21, v7;
	v31 =	vmul.f32 v21, v10;
	s15 =	simm.s32 $0x3E0  }
.LBB2_14:
0x1db: {  	v32 =	vld [tilespmem:s15+$0xFFFFFF80];
	s14 =	sadd.s32 $0x4, s14;
	v12 =	vadd.f32 v15, v12;
	v15 =	vadd.f32 v23, v20;
	v20 =	vmul.f32 v21, v8;
	v23 =	vmovc v3  }
0x1dc: {  	v3 =	vld [tilespmem:s15+$0x100];
	p0 =	slt.u32 s14, $0x1FC;
	v29 =	vadd.f32 v30, v29;
	v30 =	vmul.f32 v21, v13;
	v27 =	vadd.f32 v31, v27  }
0x1dd: {  	v26 =	vadd.f32 v28, v26;
	v31 =	vld [tilespmem:s15+$0x0];
	v20 =	vadd.f32 v20, v24;
	v24 =	vmul.f32 v21, v9  }
0x1de: {  	v17 =	vmul.f32 v17, v5;
	v16 =	vadd.f32 v16, v12;
	v28 =	vld [tilespmem:s15+$0x80];
	v30 =	vadd.f32 v30, v15  }
0x1df: {  	v12 =	vadd.f32 v24, v25;
	v24 =	vmul.f32 v21, v11  }
0x1e0: {  	v16 =	vadd.f32 v17, v16;
	v17 =	vmul.f32 v21, v5;
	v15 =	vmul.f32 v32, v1  }
0x1e1: {  	v18 =	vadd.f32 v18, v19;
	v21 =	vmul.f32 v32, v2;
	v25 =	vmul.f32 v3, v0  }
0x1e2: {  	v16 =	vadd.f32 v22, v16;
	v14 =	vadd.f32 v15, v14;
	v15 =	vmul.f32 v31, v0  }
0x1e3: {  	v17 =	vadd.f32 v17, v18;
	v19 =	vmul.f32 v31, v2;
	v22 =	vmul.f32 v28, v0  }
0x1e4: {  	v18 =	vmul.f32 v23, v2;
	v23 =	vadd.f32 v14, v16;
	v14 =	vmul.f32 v32, v0  }
0x1e5: {  	v16 =	vmul.f32 v31, v1;
	v21 =	vadd.f32 v15, v21;
	v31 =	vmul.f32 v28, v2  }
0x1e6: {  	[tilespmem:s15+$0xFFFFFE80] =	vst v23;
	v15 =	vmul.f32 v23, v4;
	v32 =	vmul.f32 v23, v6;
	v14 =	vadd.f32 v14, v18  }
0x1e7: {  	v19 =	vadd.f32 v22, v19;
	v18 =	vmul.f32 v23, v5;
	v33 =	vmul.f32 v23, v7  }
0x1e8: {  	v17 =	vadd.f32 v15, v17;
	v15 =	vmul.f32 v23, v8;
	v16 =	vadd.f32 v16, v14  }
0x1e9: {  	v22 =	vmul.f32 v23, v9;
	v27 =	vadd.f32 v32, v27;
	v14 =	vadd.f32 v25, v31  }
0x1ea: {  	v25 =	vmul.f32 v23, v10;
	v31 =	vadd.f32 v17, v16;
	v16 =	vmul.f32 v3, v1  }
0x1eb: {  	v22 =	vadd.f32 v22, v30;
	v30 =	vmul.f32 v23, v11;
	v17 =	vmul.f32 v28, v1  }
0x1ec: {  	v18 =	vadd.f32 v18, v29;
	[tilespmem:s15+$0xFFFFFF00] =	vst v31;
	v28 =	vmul.f32 v31, v4;
	v29 =	vadd.f32 v16, v19  }
0x1ed: {  	v19 =	vadd.f32 v33, v20;
	v16 =	vmul.f32 v31, v7;
	v32 =	vmul.f32 v31, v11  }
0x1ee: {  	v17 =	vadd.f32 v17, v21;
	v18 =	vadd.f32 v28, v18;
	v28 =	vmul.f32 v31, v9  }
0x1ef: {  	v21 =	vadd.f32 v25, v24;
	v24 =	vmul.f32 v31, v13;
	v20 =	vmul.f32 v31, v10  }
0x1f0: {  	v25 =	vmul.f32 v31, v5;
	v33 =	vmul.f32 v31, v8;
	v17 =	vadd.f32 v18, v17  }
0x1f1: {  	v20 =	vadd.f32 v20, v30;
	v18 =	vmul.f32 v23, v13;
	v23 =	vmul.f32 v31, v6  }
0x1f2: {  	v19 =	vadd.f32 v25, v19;
	[tilespmem:s15+$0xFFFFFF80] =	vst v17;
	v25 =	vmul.f32 v17, v4;
	v30 =	vmul.f32 v17, v9  }
0x1f3: {  	v26 =	vadd.f32 v18, v26;
	v31 =	vadd.f32 v23, v21;
	v18 =	vmul.f32 v17, v7  }
0x1f4: {  	v21 =	vadd.f32 v24, v27;
	v23 =	vmul.f32 v17, v6;
	v25 =	vadd.f32 v25, v19  }
.Ltmp6:
0x1f5: {  	v19 =	vadd.f32 v33, v22;
	v33 =	vadd.f32 v28, v26;
	v22 =	vmul.f32 v17, v10;
	(pc) =	sbr.rel @p0 .LBB2_14-.Ltmp6, $4  }
0x1f6: {  	v24 =	vadd.f32 v30, v21;
	v28 =	vmul.f32 v17, v13;
	v21 =	vadd.f32 v25, v29  }
0x1f7: {  	v27 =	vmul.f32 v17, v11;
	v29 =	vmul.f32 v17, v8;
	v26 =	vadd.f32 v22, v32  }
0x1f8: {  	v25 =	vadd.f32 v28, v31;
	[tilespmem:s15+$0x0] =	vst v21;
	v22 =	vmul.f32 v21, v4;
	v28 =	vmul.f32 v21, v6  }
0x1f9: {  	v29 =	vadd.f32 v29, v33;
	v30 =	vmul.f32 v21, v7;
	v31 =	vmul.f32 v21, v10;
	s15 =	sadd.s32 $0x200, s15  }
0x1fa: {  	v2 =	vld [tilespmem:$0x10470]  }
0x1fb: {  	v0 =	vld [tilespmem:$0x10C70]  }
0x1fc: {  	v4 =	vld [tilespmem:$0x70]  }
0x1fd: {  	v10 =	vld [tilespmem:$0xF0]  }
0x1fe: {  	v1 =	vld [tilespmem:$0x10CF0];
	s15 =	simm.s32 $0x1F0  }
0x1ff: {  	v11 =	vld [tilespmem:s15+$0xFFFFFF80]  }
0x200: {  	v3 =	vld [tilespmem:s15+$0x100];
	v2 =	vadd.f32 $1.000000000e+00, v2  }
0x201: {  	v13 =	vld [tilespmem:s15+$0x0]  }
0x202: {  	v16 =	vld [tilespmem:s15+$0x80];
	v7 =	vmul.f32 v10, v0;
	v6 =	vmul.f32 v4, v2  }
0x203: {  	v5 =	vld [tilespmem:$0x10570]  }
0x204: {  	v9 =	vmul.f32 v11, v1;
	v4 =	vld [tilespmem:$0x104F0];
	v8 =	vadd.f32 v7, v6  }
0x205: {  	v21 =	vmul.f32 v10, v2;
	v10 =	vld [tilespmem:$0x10870]  }
0x206: {  	v17 =	vmul.f32 v3, v0;
	v18 =	vmul.f32 v13, v0;
	v6 =	vld [tilespmem:$0x107F0];
	v15 =	vadd.f32 v9, v8  }
0x207: {  	v12 =	vimm.f32 $0.0e+00;
	v20 =	vmul.f32 v16, v0;
	v14 =	vmul.f32 v11, v2;
	v7 =	vld [tilespmem:$0x105F0]  }
0x208: {  	v28 =	vmul.f32 v16, v1;
	v8 =	vld [tilespmem:$0x10670];
	v22 =	vadd.f32 v15, v12;
	v15 =	vmul.f32 v11, v0  }
0x209: {  	v19 =	vmul.f32 v13, v2;
	v18 =	vadd.f32 v18, v14;
	v14 =	vmul.f32 v16, v2;
	v9 =	vld [tilespmem:$0x106F0]  }
0x20a: {  	v13 =	vmul.f32 v13, v1;
	v23 =	vmul.f32 v22, v4;
	v21 =	vadd.f32 v15, v21  }
0x20b: {  	v19 =	vadd.f32 v20, v19;
	v14 =	vadd.f32 v17, v14;
	v11 =	vld [tilespmem:$0x108F0];
	v24 =	vmul.f32 v22, v6  }
0x20c: {  	v25 =	vmul.f32 v22, v5;
	v20 =	vadd.f32 v23, v12;
	v21 =	vadd.f32 v13, v21  }
0x20d: {  	v18 =	vadd.f32 v28, v18;
	v26 =	vmul.f32 v22, v7;
	v17 =	vmul.f32 v22, v10  }
0x20e: {  	v15 =	vmul.f32 v22, v8;
	v23 =	vmul.f32 v22, v9;
	v27 =	vadd.f32 v20, v21  }
0x20f: {  	v24 =	vadd.f32 v24, v12;
	v13 =	vld [tilespmem:$0x10770];
	v25 =	vadd.f32 v25, v12;
	v20 =	vmul.f32 v3, v1  }
0x210: {  	v21 =	vadd.f32 v23, v12;
	v23 =	vmul.f32 v22, v11;
	v29 =	vmul.f32 v27, v4  }
0x211: {  	v30 =	vadd.f32 v20, v19;
	v19 =	vadd.f32 v26, v12;
	v16 =	vmul.f32 v27, v7  }
0x212: {  	v26 =	vmul.f32 v27, v11;
	v31 =	vmul.f32 v27, v10;
	v20 =	vadd.f32 v29, v25  }
0x213: {  	v28 =	vadd.f32 v17, v12;
	v32 =	vmul.f32 v27, v5;
	v33 =	vmul.f32 v27, v8  }
0x214: {  	v25 =	vmul.f32 v27, v9;
	v29 =	vmul.f32 v27, v13;
	v17 =	vadd.f32 v20, v18  }
0x215: {  	v18 =	vmul.f32 v27, v6;
	v20 =	vadd.f32 v31, v23;
	v23 =	vmul.f32 v22, v13  }
0x216: {  	v19 =	vadd.f32 v32, v19;
	v24 =	vadd.f32 v29, v24;
	v31 =	vmul.f32 v17, v4  }
0x217: {  	v28 =	vadd.f32 v18, v28;
	v63 =	vmul.f32 v17, v9;
	v34 =	vadd.f32 v23, v12  }
0x218: {  	v18 =	vmul.f32 v17, v7;
	v23 =	vmul.f32 v17, v6;
	v29 =	vadd.f32 v31, v19  }
0x219: {  	[tilespmem:s15+$0xFFFFFE80] =	vst v22;
	v22 =	vmul.f32 v17, v13;
	v31 =	vadd.f32 v25, v34;
	v25 =	vmul.f32 v17, v10  }
0x21a: {  	[tilespmem:s15+$0xFFFFFF00] =	vst v27;
	v27 =	vmul.f32 v17, v11;
	v19 =	vadd.f32 v33, v21;
	v21 =	vadd.f32 v29, v30  }
0x21b: {  	v24 =	vadd.f32 v63, v24;
	v29 =	vmul.f32 v17, v8;
	v26 =	vadd.f32 v25, v26  }
0x21c: {  	[tilespmem:s15+$0xFFFFFF80] =	vst v17;
	v25 =	vadd.f32 v22, v28;
	v22 =	vmul.f32 v21, v4;
	v28 =	vmul.f32 v21, v6  }
0x21d: {  	s14 =	simm.s32 $0x0;
	[tilespmem:s15+$0x0] =	vst v21;
	v29 =	vadd.f32 v29, v31;
	v30 =	vmul.f32 v21, v7;
	v31 =	vmul.f32 v21, v10;
	s15 =	simm.s32 $0x3F0  }
.LBB2_16:
0x21e: {  	v32 =	vld [tilespmem:s15+$0xFFFFFF80];
	s14 =	sadd.s32 $0x4, s14;
	v12 =	vadd.f32 v15, v12;
	v15 =	vadd.f32 v23, v20;
	v20 =	vmul.f32 v21, v8;
	v23 =	vmovc v3  }
0x21f: {  	v3 =	vld [tilespmem:s15+$0x100];
	p0 =	slt.u32 s14, $0x1FC;
	v29 =	vadd.f32 v30, v29;
	v30 =	vmul.f32 v21, v13;
	v27 =	vadd.f32 v31, v27  }
0x220: {  	v26 =	vadd.f32 v28, v26;
	v31 =	vld [tilespmem:s15+$0x0];
	v20 =	vadd.f32 v20, v24;
	v24 =	vmul.f32 v21, v9  }
0x221: {  	v17 =	vmul.f32 v17, v5;
	v16 =	vadd.f32 v16, v12;
	v28 =	vld [tilespmem:s15+$0x80];
	v30 =	vadd.f32 v30, v15  }
0x222: {  	v12 =	vadd.f32 v24, v25;
	v24 =	vmul.f32 v21, v11  }
0x223: {  	v16 =	vadd.f32 v17, v16;
	v17 =	vmul.f32 v21, v5;
	v15 =	vmul.f32 v32, v1  }
0x224: {  	v18 =	vadd.f32 v18, v19;
	v21 =	vmul.f32 v32, v2;
	v25 =	vmul.f32 v3, v0  }
0x225: {  	v16 =	vadd.f32 v22, v16;
	v14 =	vadd.f32 v15, v14;
	v15 =	vmul.f32 v31, v0  }
0x226: {  	v17 =	vadd.f32 v17, v18;
	v19 =	vmul.f32 v31, v2;
	v22 =	vmul.f32 v28, v0  }
0x227: {  	v18 =	vmul.f32 v23, v2;
	v23 =	vadd.f32 v14, v16;
	v14 =	vmul.f32 v32, v0  }
0x228: {  	v16 =	vmul.f32 v31, v1;
	v21 =	vadd.f32 v15, v21;
	v31 =	vmul.f32 v28, v2  }
0x229: {  	[tilespmem:s15+$0xFFFFFE80] =	vst v23;
	v15 =	vmul.f32 v23, v4;
	v32 =	vmul.f32 v23, v6;
	v14 =	vadd.f32 v14, v18  }
0x22a: {  	v19 =	vadd.f32 v22, v19;
	v18 =	vmul.f32 v23, v5;
	v33 =	vmul.f32 v23, v7  }
0x22b: {  	v17 =	vadd.f32 v15, v17;
	v15 =	vmul.f32 v23, v8;
	v16 =	vadd.f32 v16, v14  }
0x22c: {  	v22 =	vmul.f32 v23, v9;
	v27 =	vadd.f32 v32, v27;
	v14 =	vadd.f32 v25, v31  }
0x22d: {  	v25 =	vmul.f32 v23, v10;
	v31 =	vadd.f32 v17, v16;
	v16 =	vmul.f32 v3, v1  }
0x22e: {  	v22 =	vadd.f32 v22, v30;
	v30 =	vmul.f32 v23, v11;
	v17 =	vmul.f32 v28, v1  }
0x22f: {  	v18 =	vadd.f32 v18, v29;
	[tilespmem:s15+$0xFFFFFF00] =	vst v31;
	v28 =	vmul.f32 v31, v4;
	v29 =	vadd.f32 v16, v19  }
0x230: {  	v19 =	vadd.f32 v33, v20;
	v16 =	vmul.f32 v31, v7;
	v32 =	vmul.f32 v31, v11  }
0x231: {  	v17 =	vadd.f32 v17, v21;
	v18 =	vadd.f32 v28, v18;
	v28 =	vmul.f32 v31, v9  }
0x232: {  	v21 =	vadd.f32 v25, v24;
	v24 =	vmul.f32 v31, v13;
	v20 =	vmul.f32 v31, v10  }
0x233: {  	v25 =	vmul.f32 v31, v5;
	v33 =	vmul.f32 v31, v8;
	v17 =	vadd.f32 v18, v17  }
0x234: {  	v20 =	vadd.f32 v20, v30;
	v18 =	vmul.f32 v23, v13;
	v23 =	vmul.f32 v31, v6  }
0x235: {  	v19 =	vadd.f32 v25, v19;
	[tilespmem:s15+$0xFFFFFF80] =	vst v17;
	v25 =	vmul.f32 v17, v4;
	v30 =	vmul.f32 v17, v9  }
0x236: {  	v26 =	vadd.f32 v18, v26;
	v31 =	vadd.f32 v23, v21;
	v18 =	vmul.f32 v17, v7  }
0x237: {  	v21 =	vadd.f32 v24, v27;
	v23 =	vmul.f32 v17, v6;
	v25 =	vadd.f32 v25, v19  }
.Ltmp7:
0x238: {  	v19 =	vadd.f32 v33, v22;
	v33 =	vadd.f32 v28, v26;
	v22 =	vmul.f32 v17, v10;
	(pc) =	sbr.rel @p0 .LBB2_16-.Ltmp7, $4  }
0x239: {  	v24 =	vadd.f32 v30, v21;
	v28 =	vmul.f32 v17, v13;
	v21 =	vadd.f32 v25, v29  }
0x23a: {  	v27 =	vmul.f32 v17, v11;
	v29 =	vmul.f32 v17, v8;
	v26 =	vadd.f32 v22, v32  }
0x23b: {  	v25 =	vadd.f32 v28, v31;
	[tilespmem:s15+$0x0] =	vst v21;
	v22 =	vmul.f32 v21, v4;
	v28 =	vmul.f32 v21, v6  }
0x23c: {  	v29 =	vadd.f32 v29, v33;
	v30 =	vmul.f32 v21, v7;
	v31 =	vmul.f32 v21, v10;
	s15 =	sadd.s32 $0x200, s15  }
0x23d: {  	s13 =	sadd.s32 $0x1, s13  }
0x23e: {  	p0 =	sne.s32 s13, s8  }
.Ltmp8:
0x23f: {  	_ = 	snop;
	(pc) =	sbr.rel @p0 .LBB2_1-.Ltmp8, $4  }
0x240: {  	[hbm4b:s7+s9] =	stream.strided.scatter [tilespmem:s2], [sflag:$0x1], $0x10000, s10, s9, $0x38;
	[tilespmem:$0x10D00] =	vst v63  }
0x241: {  	_ =	swait.ge [sflag:s3], $0x10000  }
0x242: {  	[sflag:s3] =	ssyncset.done $0x0  }
0x243: {  	[sflag:s3] =	ssyncadd.s32 $0xFFFF0000  }
0x244: {  	_ =	sfence.sel $0x180000  }
0x245: {  	[bflag:$0x0] =	sbarrier.arrive $0xFFFF  }
0x246: {  	p0 =	sne.s32 s0, $0x0;
	_ =	strace $0x90000047  }
0x247: {  	s0 =	sadd.s32 @!p0 $0x100000, s1;
	[bflag:$0x2] =	sbarrier.arrive $0xFFFF  }
0x248: {  	[sflag:s0] =	ssyncadd.tile.s32 @!p0 $0x1;
	_ =	shalt  }
.Lfunc_end2:
_tile_overlayer_lowered:
.L_overlay_start_2:
0x249: {  	(tag) =	ssettag $0x2  }
0x24a: {  	s0 =	rddreg [dreg:$0x0];
	s2 =	stileid.u32  }
0x24b: {  	s1 =	rddreg [dreg:$0x1];
	p0 =	sne.s32 s2, $0x0  }
0x24c: {  	s3 =	rddreg [dreg:$0x2];
	[bflag:$0x3] =	sbarrier.arrive $0xFFFF;
	s2 =	simm.s32 @!p0 $0x1C01  }
0x24d: {  	[timem:s3], [sflag:s2] =	dma.local @!p0 [hbm:s0], s1  }
0x24e: {  	s0 =	simm.s32 @!p0 $0x1  }
0x24f: {  	_ =	swait.ge @!p0 [sflag:s0], s1  }
0x250: {  	s1 =	ssub.s32 @!p0 $0x0, s1;
	[sflag:s0] =	ssyncset.done @!p0 $0x0  }
0x251: {  	[sflag:s0] =	ssyncadd.s32 @!p0 s1  }
0x252: {  	[bflag:$0x3] =	sbarrier.arrive $0xFFFF  }
0x253: {  	_ =	shalt  }

</sc_bundles>
